<compile_context>
chip_gen: v7x
topology: tpu7x:2x2x1
jax: 0.10.2.dev20260603
libtpu: 0.0.44.dev20260713+nightly
codegen_flags: <defaults>
</compile_context>

<pallas_src>
import jax
import jax.numpy as jnp
from jax import lax
from jax.experimental import pallas as pl
from jax.experimental.pallas import tpu as pltpu
from jax.experimental.pallas import tpu_sc as plsc

_K = 100000
_D = 128
_NC = 2
_NS = 16
_NW = _NC * _NS
_CH = 136
_Q = 8
_S = _NW * _CH * _Q
_T = _K - _S
_GRP = (_CH + 15) // 16
_NBUF = 4

_mesh = plsc.VectorSubcoreMesh(core_axis_name="c", subcore_axis_name="s")
_params = pltpu.CompilerParams(needs_layout_passes=False)



_TNB = 4
_TCB = 4080
_TNCH = (_T + _TCB - 1) // _TCB


def _tc_body(x_ref, p_hbm, val_out, idx_out, buf, *sems):
    x = x_ref[...]

    def start(c, s):
        pltpu.make_async_copy(
            p_hbm.at[pl.ds(pl.multiple_of(c * _TCB, 8), _TCB)], buf.at[s],
            sems[s]).start()

    def wait(c, s):
        pltpu.make_async_copy(
            p_hbm.at[pl.ds(pl.multiple_of(c * _TCB, 8), _TCB)], buf.at[s],
            sems[s]).wait()

    for s in range(_TNB):
        start(s, s)

    def score(c, s, carry):
        bv, bi = carry
        wait(c, s)
        p = buf[s]

        @pl.when(c + _TNB < _TNCH)
        def _():
            start(c + _TNB, s)

        dots = jax.lax.dot_general(
            p, x, (((1,), (1,)), ((), ())),
            preferred_element_type=jnp.float32,
            precision=jax.lax.Precision.HIGHEST,
        )[:, 0]
        n2 = jnp.sum(p * p, axis=1)
        t = dots * jnp.abs(dots) / jnp.maximum(n2, 1e-16)
        rows = c * _TCB + jax.lax.broadcasted_iota(jnp.int32, (_TCB,), 0)
        t = jnp.where(rows < _T, t, -jnp.inf)

        m = jnp.max(t)
        better = m > bv
        bi = jnp.where(better, c * _TCB + jnp.argmax(t), bi)
        bv = jnp.where(better, m, bv)
        return bv, bi

    def ring(k, carry):
        for s in range(_TNB):
            carry = score(_TNB * k + s, s, carry)
        return carry

    carry = (-jnp.inf, jnp.int32(0))
    carry = lax.fori_loop(0, _TNCH // _TNB, ring, carry)
    for c in range((_TNCH // _TNB) * _TNB, _TNCH):
        carry = score(c, c % _TNB, carry)

    bv, bi = carry
    val_out[...] = jnp.full((1, _D), bv, jnp.float32)
    idx_out[...] = jnp.full((1, _D), bi, jnp.int32)


def _tc_scan(x, patterns):
    return pl.pallas_call(
        _tc_body,
        in_specs=[
            pl.BlockSpec((1, _D), lambda: (0, 0)),
            pl.BlockSpec(memory_space=pl.ANY),
        ],
        out_specs=[
            pl.BlockSpec((1, _D), lambda: (0, 0)),
            pl.BlockSpec((1, _D), lambda: (0, 0)),
        ],
        out_shape=[
            jax.ShapeDtypeStruct((1, _D), jnp.float32),
            jax.ShapeDtypeStruct((1, _D), jnp.int32),
        ],
        scratch_shapes=[
            pltpu.VMEM((_TNB, _TCB, _D), jnp.float32),
        ] + [pltpu.SemaphoreType.DMA] * _TNB,
    )(x.reshape(1, _D), patterns)



def _score_chunk(bref, xv, row0, carry):
    lane = lax.iota(jnp.int32, 16)
    lrow_cs = [jnp.minimum(g * 16 + lane, _CH - 1) for g in range(_GRP)]
    zeros = jnp.zeros((16,), jnp.float32)

    def jstep(j, accs):
        xvec = xv[pl.ds(j, 16)]
        col = lane + j
        col = jnp.where(col >= _D, col - _D, col)
        new = []
        for g in range(_GRP):
            v = plsc.load_gather(bref, [lrow_cs[g], col])
            new.append(accs[2 * g] + v * xvec)
            new.append(accs[2 * g + 1] + v * v)
        return tuple(new)

    accs = lax.fori_loop(0, _D, jstep, (zeros,) * (2 * _GRP))

    bv, bi = carry
    for g in range(_GRP):
        dot, n2 = accs[2 * g], accs[2 * g + 1]
        t = dot * jnp.abs(dot) / jnp.maximum(n2, 1e-16)
        lrow = g * 16 + lane
        t = jnp.where(lrow < _CH, t, -jnp.inf)
        upd = t > bv
        bv = jnp.where(upd, t, bv)
        bi = jnp.where(upd, row0 + lrow, bi)
    return bv, bi


def _chunk_start(w, c):
    return pl.multiple_of(_T + (w + _NW * c) * _CH, 8)


def _scan_body(x_hbm, p_hbm, val_out, idx_out, xv, buf, valv, idxv, *sems):
    wid = lax.axis_index("s") * _NC + lax.axis_index("c")

    pltpu.sync_copy(x_hbm, xv.at[pl.ds(0, _D)])
    xv[pl.ds(_D, 16)] = xv[pl.ds(0, 16)]

    def start(c, s):
        pltpu.make_async_copy(
            p_hbm.at[pl.ds(_chunk_start(wid, c), _CH)], buf.at[s],
            sems[s]).start()

    def wait(c, s):
        pltpu.make_async_copy(
            p_hbm.at[pl.ds(_chunk_start(wid, c), _CH)], buf.at[s],
            sems[s]).wait()

    for s in range(min(_NBUF, _Q)):
        start(s, s)

    carry = (jnp.full((16,), -jnp.inf, jnp.float32),
             jnp.zeros((16,), jnp.int32))

    def ring(k, c):
        for s in range(_NBUF):
            ch = _NBUF * k + s
            wait(ch, s)
            c = _score_chunk(buf.at[s], xv, _chunk_start(wid, ch), c)

            @pl.when(ch + _NBUF < _Q)
            def _():
                start(ch + _NBUF, s)
        return c

    carry = lax.fori_loop(0, _Q // _NBUF, ring, carry)
    for ch in range((_Q // _NBUF) * _NBUF, _Q):
        s = ch % _NBUF
        wait(ch, s)
        carry = _score_chunk(buf.at[s], xv, _chunk_start(wid, ch), carry)

    bv, bi = carry
    valv[...] = bv
    idxv[...] = bi
    off = pl.multiple_of(wid * 16, 8)
    pltpu.sync_copy(valv, val_out.at[pl.ds(off, 16)])
    pltpu.sync_copy(idxv, idx_out.at[pl.ds(off, 16)])


_sc_scan = pl.kernel(
    _scan_body,
    out_type=[
        jax.ShapeDtypeStruct((_NW * 16,), jnp.float32),
        jax.ShapeDtypeStruct((_NW * 16,), jnp.int32),
    ],
    mesh=_mesh,
    scratch_types=[
        pltpu.VMEM((_D + 16,), jnp.float32),
        pltpu.VMEM((_NBUF, _CH, _D), jnp.float32),
        pltpu.VMEM((16,), jnp.float32),
        pltpu.VMEM((16,), jnp.int32),
    ] + [pltpu.SemaphoreType.DMA] * _NBUF,
    compiler_params=_params,
)



def _merge_body(p_ref, val_ref, idx_ref, tcv_ref, tci_ref, out_ref,
                row_v, sem):
    v = val_ref[...]
    iv = idx_ref[...]
    tv = tcv_ref[...]
    ti = tci_ref[...]

    gmax = jnp.maximum(jnp.max(v), jnp.max(tv))
    big = jnp.int32(2**31 - 1)
    gidx = jnp.minimum(
        jnp.min(jnp.where(v == gmax, iv, big)),
        jnp.min(jnp.where(tv == gmax, ti, big)))

    pltpu.make_async_copy(p_ref.at[pl.ds(gidx, 1)], row_v, sem).start()
    pltpu.make_async_copy(p_ref.at[pl.ds(gidx, 1)], row_v, sem).wait()
    out_ref[...] = row_v[...]


def _merge(patterns, sc_vals, sc_idxs, tc_val, tc_idx):
    return pl.pallas_call(
        _merge_body,
        in_specs=[
            pl.BlockSpec(memory_space=pl.ANY),
            pl.BlockSpec((_NW // 8, _D), lambda: (0, 0)),
            pl.BlockSpec((_NW // 8, _D), lambda: (0, 0)),
            pl.BlockSpec((1, _D), lambda: (0, 0)),
            pl.BlockSpec((1, _D), lambda: (0, 0)),
        ],
        out_specs=pl.BlockSpec((1, _D), lambda: (0, 0)),
        out_shape=jax.ShapeDtypeStruct((1, _D), jnp.float32),
        scratch_shapes=[
            pltpu.VMEM((1, _D), jnp.float32),
            pltpu.SemaphoreType.DMA,
        ],
    )(patterns, sc_vals.reshape(_NW // 8, _D), sc_idxs.reshape(_NW // 8, _D),
      tc_val, tc_idx)


def kernel(x, patterns):
    tc_val, tc_idx = _tc_scan(x, patterns)
    sc_vals, sc_idxs = _sc_scan(x, patterns)
    return _merge(patterns, sc_vals, sc_idxs, tc_val, tc_idx)[0]

# --- scband reference (transcript-rebuilt; emitter-appended) ---
"""Pipeline reference for scband-neural-dict-16157666968039 (READ-ONLY COPY).

The authoritative reference and input builder live on the scoring server;
editing this copy changes nothing except your own understanding.
"""

import jax, jax.numpy as jnp
import numpy as np


def setup_inputs(seed: int = 0) -> dict:
    key = jax.random.key(seed)
    k1, k2 = jax.random.split(key)
    x = jax.random.normal(k1, (128,), dtype=jnp.float32)
    patterns = jax.random.normal(k2, (100000, 128), dtype=jnp.float32)
    return {"x": x, "patterns": patterns}


def reference(x, patterns):
    # Faithful vectorization of the Python loop:
    #   for each stored pattern p: cos_sim(x.flatten(), p.flatten())
    #   pick the pattern with the highest similarity and return it.
    eps = 1e-8  # torch.cosine_similarity default eps clamps each norm
    xf = x.reshape(-1)
    pf = patterns.reshape(patterns.shape[0], -1)
    dots = pf @ xf  # [K]
    xn = jnp.maximum(jnp.linalg.norm(xf), eps)
    pn = jnp.maximum(jnp.linalg.norm(pf, axis=1), eps)
    sims = dots / (pn * xn)  # [K]
    # Python's stable sort with reverse=True keeps the first-encountered index
    # among ties at the front, matching jnp.argmax's first-max semantics.
    most_similar_idx = jnp.argmax(sims)
    return patterns[most_similar_idx]

if __name__ == "__main__":
    import jax
    _d = setup_inputs()
    print(jax.jit(kernel)(*tuple(_d.values())))

</pallas_src>

<mosaic_0001>
#map = affine_map<(d0, d1) -> (0)>
#map1 = affine_map<(d0, d1) -> (0, 0)>
module attributes {stable_mosaic.version = 14 : i64} {
  func.func @_scan_body(%arg0: i32, %arg1: i32, %arg2: memref<128xf32, #tpu.memory_space<hbm>>, %arg3: memref<100000x128xf32, #tpu.memory_space<hbm>>, %arg4: memref<512xf32, #tpu.memory_space<hbm>>, %arg5: memref<512xi32, #tpu.memory_space<hbm>>, %arg6: memref<144xf32, #tpu.memory_space<vmem>>, %arg7: memref<4x136x128xf32, #tpu.memory_space<vmem>>, %arg8: memref<16xf32, #tpu.memory_space<vmem>>, %arg9: memref<16xi32, #tpu.memory_space<vmem>>, %arg10: memref<!tpu.dma_semaphore, #tpu.memory_space<semaphore_mem>>, %arg11: memref<!tpu.dma_semaphore, #tpu.memory_space<semaphore_mem>>, %arg12: memref<!tpu.dma_semaphore, #tpu.memory_space<semaphore_mem>>, %arg13: memref<!tpu.dma_semaphore, #tpu.memory_space<semaphore_mem>>) attributes {dimension_semantics = [#tpu.dimension_semantics<core_parallel>, #tpu.dimension_semantics<subcore_parallel>], iteration_bounds = array<i64: 2, 16>, scalar_prefetch = 0 : i64, scratch_operands = 8 : i64, tpu.core_type = #tpu.core_type<sc_vector_subcore>, window_params = [{transform_indices = #map}, {transform_indices = #map1}, {transform_indices = #map}, {transform_indices = #map}]} {
    %mul3A = arith.constant 2 : i32
    %mul3A_0 = arith.muli %arg1, %mul3A : i32
    %add3A = arith.addi %mul3A_0, %arg0 : i32
    "tpu.region"() ({
      %run_scoped3A = tpu.sem_alloc : memref<!tpu.dma_semaphore, #tpu.memory_space<semaphore_mem>>
      %dma_start3A_96 = arith.constant 0 : i32
      %dma_start3A_97 = tpu.memref_slice %arg6[%dma_start3A_96] : memref<144xf32, #tpu.memory_space<vmem>> -> memref<128xf32, #tpu.memory_space<vmem>>
      %dma_start3A_98 = arith.constant 0 : i32
      %dma_start3A_99 = tpu.memref_slice %arg6[%dma_start3A_98] : memref<144xf32, #tpu.memory_space<vmem>> -> memref<128xf32, #tpu.memory_space<vmem>>
      tpu.enqueue_dma source(%arg2 : memref<128xf32, #tpu.memory_space<hbm>>) target(%dma_start3A_99 : memref<128xf32, #tpu.memory_space<vmem>>) target_semaphore(%run_scoped3A : memref<!tpu.dma_semaphore, #tpu.memory_space<semaphore_mem>>)
      %dma_wait3A = arith.constant 0 : i32
      %dma_wait3A_100 = tpu.memref_slice %arg6[%dma_wait3A] : memref<144xf32, #tpu.memory_space<vmem>> -> memref<128xf32, #tpu.memory_space<vmem>>
      %dma_wait3A_101 = arith.constant 0 : i32
      %dma_wait3A_102 = tpu.memref_slice %arg6[%dma_wait3A_101] : memref<144xf32, #tpu.memory_space<vmem>> -> memref<128xf32, #tpu.memory_space<vmem>>
      tpu.wait_dma2 semaphore(%run_scoped3A : memref<!tpu.dma_semaphore, #tpu.memory_space<semaphore_mem>>) src(%arg2 : memref<128xf32, #tpu.memory_space<hbm>>) dst(%dma_wait3A_102 : memref<128xf32, #tpu.memory_space<vmem>>)
      tpu.yield
    }) : () -> ()
    %get3A = arith.constant 0 : index
    %get3A_1 = tpu.vector_load %arg6[%get3A] {strides = array<i32>} : memref<144xf32, #tpu.memory_space<vmem>>, vector<16xf32>,
    %swap3A = arith.constant 128 : index
    %swap3A_2 = tpu.vector_load %arg6[%swap3A] {strides = array<i32>} : memref<144xf32, #tpu.memory_space<vmem>>, vector<16xf32>,
    tpu.vector_store %arg6[%swap3A], %get3A_1 {strides = array<i32>} : memref<144xf32, #tpu.memory_space<vmem>>, vector<16xf32>,
    %add3A_3 = arith.constant 0 : i32
    %add3A_4 = arith.addi %add3A, %add3A_3 : i32
    %mul3A_5 = arith.constant 136 : i32
    %mul3A_6 = arith.muli %add3A_4, %mul3A_5 : i32
    %add3A_7 = arith.constant 65184 : i32
    %add3A_8 = arith.addi %add3A_7, %mul3A_6 : i32
    %multiple_of3A = tpu.assume_multiple %add3A_8, 8 : i32
    %dma_start3A = arith.constant 0 : i32
    %dma_start3A_9 = arith.constant 0 : i32
    %dma_start3A_10 = arith.constant 0 : i32
    %dma_start3A_11 = tpu.memref_slice %arg7[%dma_start3A, %dma_start3A_9, %dma_start3A_10] : memref<4x136x128xf32, #tpu.memory_space<vmem>> -> memref<1x136x128xf32, #tpu.memory_space<vmem>>
    %dma_start3A_12 = tpu.memref_squeeze %dma_start3A_11 : memref<1x136x128xf32, #tpu.memory_space<vmem>> -> memref<136x128xf32, #tpu.memory_space<vmem>>
    %dma_start3A_13 = arith.constant 0 : i32
    %dma_start3A_14 = tpu.memref_slice %arg3[%multiple_of3A, %dma_start3A_13] : memref<100000x128xf32, #tpu.memory_space<hbm>> -> memref<136x128xf32, #tpu.memory_space<hbm>>
    %dma_start3A_15 = arith.constant 0 : i32
    %dma_start3A_16 = arith.constant 0 : i32
    %dma_start3A_17 = tpu.memref_slice %arg7[%dma_start3A, %dma_start3A_15, %dma_start3A_16] : memref<4x136x128xf32, #tpu.memory_space<vmem>> -> memref<1x136x128xf32, #tpu.memory_space<vmem>>
    %dma_start3A_18 = tpu.memref_squeeze %dma_start3A_17 : memref<1x136x128xf32, #tpu.memory_space<vmem>> -> memref<136x128xf32, #tpu.memory_space<vmem>>
    %dma_start3A_19 = arith.constant 0 : i32
    %dma_start3A_20 = tpu.memref_slice %arg3[%multiple_of3A, %dma_start3A_19] : memref<100000x128xf32, #tpu.memory_space<hbm>> -> memref<136x128xf32, #tpu.memory_space<hbm>>
    tpu.enqueue_dma source(%dma_start3A_20 : memref<136x128xf32, #tpu.memory_space<hbm>>) target(%dma_start3A_18 : memref<136x128xf32, #tpu.memory_space<vmem>>) target_semaphore(%arg10 : memref<!tpu.dma_semaphore, #tpu.memory_space<semaphore_mem>>)
    %add3A_21 = arith.constant 32 : i32
    %add3A_22 = arith.addi %add3A, %add3A_21 : i32
    %mul3A_23 = arith.constant 136 : i32
    %mul3A_24 = arith.muli %add3A_22, %mul3A_23 : i32
    %add3A_25 = arith.constant 65184 : i32
    %add3A_26 = arith.addi %add3A_25, %mul3A_24 : i32
    %multiple_of3A_27 = tpu.assume_multiple %add3A_26, 8 : i32
    %dma_start3A_28 = arith.constant 1 : i32
    %dma_start3A_29 = arith.constant 0 : i32
    %dma_start3A_30 = arith.constant 0 : i32
    %dma_start3A_31 = tpu.memref_slice %arg7[%dma_start3A_28, %dma_start3A_29, %dma_start3A_30] : memref<4x136x128xf32, #tpu.memory_space<vmem>> -> memref<1x136x128xf32, #tpu.memory_space<vmem>>
    %dma_start3A_32 = tpu.memref_squeeze %dma_start3A_31 : memref<1x136x128xf32, #tpu.memory_space<vmem>> -> memref<136x128xf32, #tpu.memory_space<vmem>>
    %dma_start3A_33 = arith.constant 0 : i32
    %dma_start3A_34 = tpu.memref_slice %arg3[%multiple_of3A_27, %dma_start3A_33] : memref<100000x128xf32, #tpu.memory_space<hbm>> -> memref<136x128xf32, #tpu.memory_space<hbm>>
    %dma_start3A_35 = arith.constant 0 : i32
    %dma_start3A_36 = arith.constant 0 : i32
    %dma_start3A_37 = tpu.memref_slice %arg7[%dma_start3A_28, %dma_start3A_35, %dma_start3A_36] : memref<4x136x128xf32, #tpu.memory_space<vmem>> -> memref<1x136x128xf32, #tpu.memory_space<vmem>>
    %dma_start3A_38 = tpu.memref_squeeze %dma_start3A_37 : memref<1x136x128xf32, #tpu.memory_space<vmem>> -> memref<136x128xf32, #tpu.memory_space<vmem>>
    %dma_start3A_39 = arith.constant 0 : i32
    %dma_start3A_40 = tpu.memref_slice %arg3[%multiple_of3A_27, %dma_start3A_39] : memref<100000x128xf32, #tpu.memory_space<hbm>> -> memref<136x128xf32, #tpu.memory_space<hbm>>
    tpu.enqueue_dma source(%dma_start3A_40 : memref<136x128xf32, #tpu.memory_space<hbm>>) target(%dma_start3A_38 : memref<136x128xf32, #tpu.memory_space<vmem>>) target_semaphore(%arg11 : memref<!tpu.dma_semaphore, #tpu.memory_space<semaphore_mem>>)
    %add3A_41 = arith.constant 64 : i32
    %add3A_42 = arith.addi %add3A, %add3A_41 : i32
    %mul3A_43 = arith.constant 136 : i32
    %mul3A_44 = arith.muli %add3A_42, %mul3A_43 : i32
    %add3A_45 = arith.constant 65184 : i32
    %add3A_46 = arith.addi %add3A_45, %mul3A_44 : i32
    %multiple_of3A_47 = tpu.assume_multiple %add3A_46, 8 : i32
    %dma_start3A_48 = arith.constant 2 : i32
    %dma_start3A_49 = arith.constant 0 : i32
    %dma_start3A_50 = arith.constant 0 : i32
    %dma_start3A_51 = tpu.memref_slice %arg7[%dma_start3A_48, %dma_start3A_49, %dma_start3A_50] : memref<4x136x128xf32, #tpu.memory_space<vmem>> -> memref<1x136x128xf32, #tpu.memory_space<vmem>>
    %dma_start3A_52 = tpu.memref_squeeze %dma_start3A_51 : memref<1x136x128xf32, #tpu.memory_space<vmem>> -> memref<136x128xf32, #tpu.memory_space<vmem>>
    %dma_start3A_53 = arith.constant 0 : i32
    %dma_start3A_54 = tpu.memref_slice %arg3[%multiple_of3A_47, %dma_start3A_53] : memref<100000x128xf32, #tpu.memory_space<hbm>> -> memref<136x128xf32, #tpu.memory_space<hbm>>
    %dma_start3A_55 = arith.constant 0 : i32
    %dma_start3A_56 = arith.constant 0 : i32
    %dma_start3A_57 = tpu.memref_slice %arg7[%dma_start3A_48, %dma_start3A_55, %dma_start3A_56] : memref<4x136x128xf32, #tpu.memory_space<vmem>> -> memref<1x136x128xf32, #tpu.memory_space<vmem>>
    %dma_start3A_58 = tpu.memref_squeeze %dma_start3A_57 : memref<1x136x128xf32, #tpu.memory_space<vmem>> -> memref<136x128xf32, #tpu.memory_space<vmem>>
    %dma_start3A_59 = arith.constant 0 : i32
    %dma_start3A_60 = tpu.memref_slice %arg3[%multiple_of3A_47, %dma_start3A_59] : memref<100000x128xf32, #tpu.memory_space<hbm>> -> memref<136x128xf32, #tpu.memory_space<hbm>>
    tpu.enqueue_dma source(%dma_start3A_60 : memref<136x128xf32, #tpu.memory_space<hbm>>) target(%dma_start3A_58 : memref<136x128xf32, #tpu.memory_space<vmem>>) target_semaphore(%arg12 : memref<!tpu.dma_semaphore, #tpu.memory_space<semaphore_mem>>)
    %add3A_61 = arith.constant 96 : i32
    %add3A_62 = arith.addi %add3A, %add3A_61 : i32
    %mul3A_63 = arith.constant 136 : i32
    %mul3A_64 = arith.muli %add3A_62, %mul3A_63 : i32
    %add3A_65 = arith.constant 65184 : i32
    %add3A_66 = arith.addi %add3A_65, %mul3A_64 : i32
    %multiple_of3A_67 = tpu.assume_multiple %add3A_66, 8 : i32
    %dma_start3A_68 = arith.constant 3 : i32
    %dma_start3A_69 = arith.constant 0 : i32
    %dma_start3A_70 = arith.constant 0 : i32
    %dma_start3A_71 = tpu.memref_slice %arg7[%dma_start3A_68, %dma_start3A_69, %dma_start3A_70] : memref<4x136x128xf32, #tpu.memory_space<vmem>> -> memref<1x136x128xf32, #tpu.memory_space<vmem>>
    %dma_start3A_72 = tpu.memref_squeeze %dma_start3A_71 : memref<1x136x128xf32, #tpu.memory_space<vmem>> -> memref<136x128xf32, #tpu.memory_space<vmem>>
    %dma_start3A_73 = arith.constant 0 : i32
    %dma_start3A_74 = tpu.memref_slice %arg3[%multiple_of3A_67, %dma_start3A_73] : memref<100000x128xf32, #tpu.memory_space<hbm>> -> memref<136x128xf32, #tpu.memory_space<hbm>>
    %dma_start3A_75 = arith.constant 0 : i32
    %dma_start3A_76 = arith.constant 0 : i32
    %dma_start3A_77 = tpu.memref_slice %arg7[%dma_start3A_68, %dma_start3A_75, %dma_start3A_76] : memref<4x136x128xf32, #tpu.memory_space<vmem>> -> memref<1x136x128xf32, #tpu.memory_space<vmem>>
    %dma_start3A_78 = tpu.memref_squeeze %dma_start3A_77 : memref<1x136x128xf32, #tpu.memory_space<vmem>> -> memref<136x128xf32, #tpu.memory_space<vmem>>
    %dma_start3A_79 = arith.constant 0 : i32
    %dma_start3A_80 = tpu.memref_slice %arg3[%multiple_of3A_67, %dma_start3A_79] : memref<100000x128xf32, #tpu.memory_space<hbm>> -> memref<136x128xf32, #tpu.memory_space<hbm>>
    tpu.enqueue_dma source(%dma_start3A_80 : memref<136x128xf32, #tpu.memory_space<hbm>>) target(%dma_start3A_78 : memref<136x128xf32, #tpu.memory_space<vmem>>) target_semaphore(%arg13 : memref<!tpu.dma_semaphore, #tpu.memory_space<semaphore_mem>>)
    %broadcast_in_dim3A = arith.constant 0xFF800000 : f32
    %broadcast_in_dim3A_81 = vector.broadcast %broadcast_in_dim3A : f32 to vector<16xf32>
    %broadcast_in_dim3A_82 = arith.constant 0 : i32
    %broadcast_in_dim3A_83 = vector.broadcast %broadcast_in_dim3A_82 : i32 to vector<16xi32>
    %scan3A = arith.constant 0 : i32
    %scan3A_84 = arith.constant 2 : i32
    %scan3A_85 = arith.addi %scan3A, %scan3A_84 : i32
    %scan3A_86 = arith.constant 1 : i32
    %scan3A_87:2 = scf.for %scan3A_96 = %scan3A to %scan3A_85 step %scan3A_86 iter_args(%scan3A_97 = %broadcast_in_dim3A_81, %scan3A_98 = %broadcast_in_dim3A_83) -> (vector<16xf32>, vector<16xi32>)  : i32 {
      %mul3A_99 = arith.constant 4 : i32
      %mul3A_100 = arith.muli %mul3A_99, %scan3A_96 : i32
      %add3A_101 = arith.constant 0 : i32
      %add3A_102 = arith.addi %mul3A_100, %add3A_101 : i32
      %mul3A_103 = arith.constant 32 : i32
      %mul3A_104 = arith.muli %mul3A_103, %add3A_102 : i32
      %add3A_105 = arith.addi %add3A, %mul3A_104 : i32
      %mul3A_106 = arith.constant 136 : i32
      %mul3A_107 = arith.muli %add3A_105, %mul3A_106 : i32
      %add3A_108 = arith.constant 65184 : i32
      %add3A_109 = arith.addi %add3A_108, %mul3A_107 : i32
      %multiple_of3A_110 = tpu.assume_multiple %add3A_109, 8 : i32
      %dma_wait3A = arith.constant 0 : i32
      %dma_wait3A_111 = arith.constant 0 : i32
      %dma_wait3A_112 = arith.constant 0 : i32
      %dma_wait3A_113 = tpu.memref_slice %arg7[%dma_wait3A, %dma_wait3A_111, %dma_wait3A_112] : memref<4x136x128xf32, #tpu.memory_space<vmem>> -> memref<1x136x128xf32, #tpu.memory_space<vmem>>
      %dma_wait3A_114 = tpu.memref_squeeze %dma_wait3A_113 : memref<1x136x128xf32, #tpu.memory_space<vmem>> -> memref<136x128xf32, #tpu.memory_space<vmem>>
      %dma_wait3A_115 = arith.constant 0 : i32
      %dma_wait3A_116 = tpu.memref_slice %arg3[%multiple_of3A_110, %dma_wait3A_115] : memref<100000x128xf32, #tpu.memory_space<hbm>> -> memref<136x128xf32, #tpu.memory_space<hbm>>
      %dma_wait3A_117 = arith.constant 0 : i32
      %dma_wait3A_118 = arith.constant 0 : i32
      %dma_wait3A_119 = tpu.memref_slice %arg7[%dma_wait3A, %dma_wait3A_117, %dma_wait3A_118] : memref<4x136x128xf32, #tpu.memory_space<vmem>> -> memref<1x136x128xf32, #tpu.memory_space<vmem>>
      %dma_wait3A_120 = tpu.memref_squeeze %dma_wait3A_119 : memref<1x136x128xf32, #tpu.memory_space<vmem>> -> memref<136x128xf32, #tpu.memory_space<vmem>>
      %dma_wait3A_121 = arith.constant 0 : i32
      %dma_wait3A_122 = tpu.memref_slice %arg3[%multiple_of3A_110, %dma_wait3A_121] : memref<100000x128xf32, #tpu.memory_space<hbm>> -> memref<136x128xf32, #tpu.memory_space<hbm>>
      tpu.wait_dma2 semaphore(%arg10 : memref<!tpu.dma_semaphore, #tpu.memory_space<semaphore_mem>>) src(%dma_wait3A_122 : memref<136x128xf32, #tpu.memory_space<hbm>>) dst(%dma_wait3A_120 : memref<136x128xf32, #tpu.memory_space<vmem>>)
      %mul3A_123 = arith.constant 32 : i32
      %mul3A_124 = arith.muli %mul3A_123, %add3A_102 : i32
      %add3A_125 = arith.addi %add3A, %mul3A_124 : i32
      %mul3A_126 = arith.constant 136 : i32
      %mul3A_127 = arith.muli %add3A_125, %mul3A_126 : i32
      %add3A_128 = arith.constant 65184 : i32
      %add3A_129 = arith.addi %add3A_128, %mul3A_127 : i32
      %multiple_of3A_130 = tpu.assume_multiple %add3A_129, 8 : i32
      %iota3A = tpu.iota {dimensions = array<i32: 0>} : vector<16xi32>
      %add3A_131 = arith.constant 0 : i32
      %add3A_132 = vector.broadcast %add3A_131 : i32 to vector<16xi32>
      %add3A_133 = arith.addi %add3A_132, %iota3A : vector<16xi32>
      %min3A = arith.constant 135 : i32
      %min3A_134 = vector.broadcast %min3A : i32 to vector<16xi32>
      %min3A_135 = arith.minsi %add3A_133, %min3A_134 : vector<16xi32>
      %add3A_136 = arith.constant 16 : i32
      %add3A_137 = vector.broadcast %add3A_136 : i32 to vector<16xi32>
      %add3A_138 = arith.addi %add3A_137, %iota3A : vector<16xi32>
      %min3A_139 = arith.constant 135 : i32
      %min3A_140 = vector.broadcast %min3A_139 : i32 to vector<16xi32>
      %min3A_141 = arith.minsi %add3A_138, %min3A_140 : vector<16xi32>
      %add3A_142 = arith.constant 32 : i32
      %add3A_143 = vector.broadcast %add3A_142 : i32 to vector<16xi32>
      %add3A_144 = arith.addi %add3A_143, %iota3A : vector<16xi32>
      %min3A_145 = arith.constant 135 : i32
      %min3A_146 = vector.broadcast %min3A_145 : i32 to vector<16xi32>
      %min3A_147 = arith.minsi %add3A_144, %min3A_146 : vector<16xi32>
      %add3A_148 = arith.constant 48 : i32
      %add3A_149 = vector.broadcast %add3A_148 : i32 to vector<16xi32>
      %add3A_150 = arith.addi %add3A_149, %iota3A : vector<16xi32>
      %min3A_151 = arith.constant 135 : i32
      %min3A_152 = vector.broadcast %min3A_151 : i32 to vector<16xi32>
      %min3A_153 = arith.minsi %add3A_150, %min3A_152 : vector<16xi32>
      %add3A_154 = arith.constant 64 : i32
      %add3A_155 = vector.broadcast %add3A_154 : i32 to vector<16xi32>
      %add3A_156 = arith.addi %add3A_155, %iota3A : vector<16xi32>
      %min3A_157 = arith.constant 135 : i32
      %min3A_158 = vector.broadcast %min3A_157 : i32 to vector<16xi32>
      %min3A_159 = arith.minsi %add3A_156, %min3A_158 : vector<16xi32>
      %add3A_160 = arith.constant 80 : i32
      %add3A_161 = vector.broadcast %add3A_160 : i32 to vector<16xi32>
      %add3A_162 = arith.addi %add3A_161, %iota3A : vector<16xi32>
      %min3A_163 = arith.constant 135 : i32
      %min3A_164 = vector.broadcast %min3A_163 : i32 to vector<16xi32>
      %min3A_165 = arith.minsi %add3A_162, %min3A_164 : vector<16xi32>
      %add3A_166 = arith.constant 96 : i32
      %add3A_167 = vector.broadcast %add3A_166 : i32 to vector<16xi32>
      %add3A_168 = arith.addi %add3A_167, %iota3A : vector<16xi32>
      %min3A_169 = arith.constant 135 : i32
      %min3A_170 = vector.broadcast %min3A_169 : i32 to vector<16xi32>
      %min3A_171 = arith.minsi %add3A_168, %min3A_170 : vector<16xi32>
      %add3A_172 = arith.constant 112 : i32
      %add3A_173 = vector.broadcast %add3A_172 : i32 to vector<16xi32>
      %add3A_174 = arith.addi %add3A_173, %iota3A : vector<16xi32>
      %min3A_175 = arith.constant 135 : i32
      %min3A_176 = vector.broadcast %min3A_175 : i32 to vector<16xi32>
      %min3A_177 = arith.minsi %add3A_174, %min3A_176 : vector<16xi32>
      %add3A_178 = arith.constant 128 : i32
      %add3A_179 = vector.broadcast %add3A_178 : i32 to vector<16xi32>
      %add3A_180 = arith.addi %add3A_179, %iota3A : vector<16xi32>
      %min3A_181 = arith.constant 135 : i32
      %min3A_182 = vector.broadcast %min3A_181 : i32 to vector<16xi32>
      %min3A_183 = arith.minsi %add3A_180, %min3A_182 : vector<16xi32>
      %broadcast_in_dim3A_184 = arith.constant 0.000000e+00 : f32
      %broadcast_in_dim3A_185 = vector.broadcast %broadcast_in_dim3A_184 : f32 to vector<16xf32>
      %scan3A_186 = arith.constant 0 : i32
      %scan3A_187 = arith.constant 0 : i32
      %scan3A_188 = arith.constant 128 : i32
      %scan3A_189 = arith.addi %scan3A_187, %scan3A_188 : i32
      %scan3A_190 = arith.constant 1 : i32
      %scan3A_191:18 = scf.for %scan3A_1223 = %scan3A_187 to %scan3A_189 step %scan3A_190 iter_args(%scan3A_1224 = %broadcast_in_dim3A_185, %scan3A_1225 = %broadcast_in_dim3A_185, %scan3A_1226 = %broadcast_in_dim3A_185, %scan3A_1227 = %broadcast_in_dim3A_185, %scan3A_1228 = %broadcast_in_dim3A_185, %scan3A_1229 = %broadcast_in_dim3A_185, %scan3A_1230 = %broadcast_in_dim3A_185, %scan3A_1231 = %broadcast_in_dim3A_185, %scan3A_1232 = %broadcast_in_dim3A_185, %scan3A_1233 = %broadcast_in_dim3A_185, %scan3A_1234 = %broadcast_in_dim3A_185, %scan3A_1235 = %broadcast_in_dim3A_185, %scan3A_1236 = %broadcast_in_dim3A_185, %scan3A_1237 = %broadcast_in_dim3A_185, %scan3A_1238 = %broadcast_in_dim3A_185, %scan3A_1239 = %broadcast_in_dim3A_185, %scan3A_1240 = %broadcast_in_dim3A_185, %scan3A_1241 = %broadcast_in_dim3A_185) -> (vector<16xf32>, vector<16xf32>, vector<16xf32>, vector<16xf32>, vector<16xf32>, vector<16xf32>, vector<16xf32>, vector<16xf32>, vector<16xf32>, vector<16xf32>, vector<16xf32>, vector<16xf32>, vector<16xf32>, vector<16xf32>, vector<16xf32>, vector<16xf32>, vector<16xf32>, vector<16xf32>)  : i32 {
        %get3A_1242 = arith.index_cast %scan3A_1223 : i32 to index
        %get3A_1243 = tpu.vector_load %arg6[%get3A_1242] {strides = array<i32>} : memref<144xf32, #tpu.memory_space<vmem>>, vector<16xf32>,
        %add3A_1244 = vector.broadcast %scan3A_1223 : i32 to vector<16xi32>
        %add3A_1245 = arith.addi %iota3A, %add3A_1244 : vector<16xi32>
        %ge3A = arith.constant 128 : i32
        %ge3A_1246 = vector.broadcast %ge3A : i32 to vector<16xi32>
        %ge3A_1247 = arith.cmpi sge, %add3A_1245, %ge3A_1246 : vector<16xi32>
        %sub3A = arith.constant 128 : i32
        %sub3A_1248 = vector.broadcast %sub3A : i32 to vector<16xi32>
        %sub3A_1249 = arith.subi %add3A_1245, %sub3A_1248 : vector<16xi32>
        %select_n3A_1250 = arith.select %ge3A_1247, %sub3A_1249, %add3A_1245 : vector<16xi1>, vector<16xi32>
        %gather3A = arith.constant 0 : i32
        %gather3A_1251 = arith.constant 0 : i32
        %gather3A_1252 = tpu.memref_slice %arg7[%scan3A_186, %gather3A, %gather3A_1251] : memref<4x136x128xf32, #tpu.memory_space<vmem>> -> memref<1x136x128xf32, #tpu.memory_space<vmem>>
        %gather3A_1253 = tpu.memref_squeeze %gather3A_1252 : memref<1x136x128xf32, #tpu.memory_space<vmem>> -> memref<136x128xf32, #tpu.memory_space<vmem>>
        %gather3A_1254 = tpu.vector_load_idx %gather3A_1253[%min3A_135, %select_n3A_1250] : memref<136x128xf32, #tpu.memory_space<vmem>>[vector<16xi32>, vector<16xi32>], vector<16xf32>,
        %mul3A_1255 = arith.mulf %gather3A_1254, %get3A_1243 : vector<16xf32>
        %add3A_1256 = arith.addf %scan3A_1224, %mul3A_1255 : vector<16xf32>
        %mul3A_1257 = arith.mulf %gather3A_1254, %gather3A_1254 : vector<16xf32>
        %add3A_1258 = arith.addf %scan3A_1225, %mul3A_1257 : vector<16xf32>
        %gather3A_1259 = arith.constant 0 : i32
        %gather3A_1260 = arith.constant 0 : i32
        %gather3A_1261 = tpu.memref_slice %arg7[%scan3A_186, %gather3A_1259, %gather3A_1260] : memref<4x136x128xf32, #tpu.memory_space<vmem>> -> memref<1x136x128xf32, #tpu.memory_space<vmem>>
        %gather3A_1262 = tpu.memref_squeeze %gather3A_1261 : memref<1x136x128xf32, #tpu.memory_space<vmem>> -> memref<136x128xf32, #tpu.memory_space<vmem>>
        %gather3A_1263 = tpu.vector_load_idx %gather3A_1262[%min3A_141, %select_n3A_1250] : memref<136x128xf32, #tpu.memory_space<vmem>>[vector<16xi32>, vector<16xi32>], vector<16xf32>,
        %mul3A_1264 = arith.mulf %gather3A_1263, %get3A_1243 : vector<16xf32>
        %add3A_1265 = arith.addf %scan3A_1226, %mul3A_1264 : vector<16xf32>
        %mul3A_1266 = arith.mulf %gather3A_1263, %gather3A_1263 : vector<16xf32>
        %add3A_1267 = arith.addf %scan3A_1227, %mul3A_1266 : vector<16xf32>
        %gather3A_1268 = arith.constant 0 : i32
        %gather3A_1269 = arith.constant 0 : i32
        %gather3A_1270 = tpu.memref_slice %arg7[%scan3A_186, %gather3A_1268, %gather3A_1269] : memref<4x136x128xf32, #tpu.memory_space<vmem>> -> memref<1x136x128xf32, #tpu.memory_space<vmem>>
        %gather3A_1271 = tpu.memref_squeeze %gather3A_1270 : memref<1x136x128xf32, #tpu.memory_space<vmem>> -> memref<136x128xf32, #tpu.memory_space<vmem>>
        %gather3A_1272 = tpu.vector_load_idx %gather3A_1271[%min3A_147, %select_n3A_1250] : memref<136x128xf32, #tpu.memory_space<vmem>>[vector<16xi32>, vector<16xi32>], vector<16xf32>,
        %mul3A_1273 = arith.mulf %gather3A_1272, %get3A_1243 : vector<16xf32>
        %add3A_1274 = arith.addf %scan3A_1228, %mul3A_1273 : vector<16xf32>
        %mul3A_1275 = arith.mulf %gather3A_1272, %gather3A_1272 : vector<16xf32>
        %add3A_1276 = arith.addf %scan3A_1229, %mul3A_1275 : vector<16xf32>
        %gather3A_1277 = arith.constant 0 : i32
        %gather3A_1278 = arith.constant 0 : i32
        %gather3A_1279 = tpu.memref_slice %arg7[%scan3A_186, %gather3A_1277, %gather3A_1278] : memref<4x136x128xf32, #tpu.memory_space<vmem>> -> memref<1x136x128xf32, #tpu.memory_space<vmem>>
        %gather3A_1280 = tpu.memref_squeeze %gather3A_1279 : memref<1x136x128xf32, #tpu.memory_space<vmem>> -> memref<136x128xf32, #tpu.memory_space<vmem>>
        %gather3A_1281 = tpu.vector_load_idx %gather3A_1280[%min3A_153, %select_n3A_1250] : memref<136x128xf32, #tpu.memory_space<vmem>>[vector<16xi32>, vector<16xi32>], vector<16xf32>,
        %mul3A_1282 = arith.mulf %gather3A_1281, %get3A_1243 : vector<16xf32>
        %add3A_1283 = arith.addf %scan3A_1230, %mul3A_1282 : vector<16xf32>
        %mul3A_1284 = arith.mulf %gather3A_1281, %gather3A_1281 : vector<16xf32>
        %add3A_1285 = arith.addf %scan3A_1231, %mul3A_1284 : vector<16xf32>
        %gather3A_1286 = arith.constant 0 : i32
        %gather3A_1287 = arith.constant 0 : i32
        %gather3A_1288 = tpu.memref_slice %arg7[%scan3A_186, %gather3A_1286, %gather3A_1287] : memref<4x136x128xf32, #tpu.memory_space<vmem>> -> memref<1x136x128xf32, #tpu.memory_space<vmem>>
        %gather3A_1289 = tpu.memref_squeeze %gather3A_1288 : memref<1x136x128xf32, #tpu.memory_space<vmem>> -> memref<136x128xf32, #tpu.memory_space<vmem>>
        %gather3A_1290 = tpu.vector_load_idx %gather3A_1289[%min3A_159, %select_n3A_1250] : memref<136x128xf32, #tpu.memory_space<vmem>>[vector<16xi32>, vector<16xi32>], vector<16xf32>,
        %mul3A_1291 = arith.mulf %gather3A_1290, %get3A_1243 : vector<16xf32>
        %add3A_1292 = arith.addf %scan3A_1232, %mul3A_1291 : vector<16xf32>
        %mul3A_1293 = arith.mulf %gather3A_1290, %gather3A_1290 : vector<16xf32>
        %add3A_1294 = arith.addf %scan3A_1233, %mul3A_1293 : vector<16xf32>
        %gather3A_1295 = arith.constant 0 : i32
        %gather3A_1296 = arith.constant 0 : i32
        %gather3A_1297 = tpu.memref_slice %arg7[%scan3A_186, %gather3A_1295, %gather3A_1296] : memref<4x136x128xf32, #tpu.memory_space<vmem>> -> memref<1x136x128xf32, #tpu.memory_space<vmem>>
        %gather3A_1298 = tpu.memref_squeeze %gather3A_1297 : memref<1x136x128xf32, #tpu.memory_space<vmem>> -> memref<136x128xf32, #tpu.memory_space<vmem>>
        %gather3A_1299 = tpu.vector_load_idx %gather3A_1298[%min3A_165, %select_n3A_1250] : memref<136x128xf32, #tpu.memory_space<vmem>>[vector<16xi32>, vector<16xi32>], vector<16xf32>,
        %mul3A_1300 = arith.mulf %gather3A_1299, %get3A_1243 : vector<16xf32>
        %add3A_1301 = arith.addf %scan3A_1234, %mul3A_1300 : vector<16xf32>
        %mul3A_1302 = arith.mulf %gather3A_1299, %gather3A_1299 : vector<16xf32>
        %add3A_1303 = arith.addf %scan3A_1235, %mul3A_1302 : vector<16xf32>
        %gather3A_1304 = arith.constant 0 : i32
        %gather3A_1305 = arith.constant 0 : i32
        %gather3A_1306 = tpu.memref_slice %arg7[%scan3A_186, %gather3A_1304, %gather3A_1305] : memref<4x136x128xf32, #tpu.memory_space<vmem>> -> memref<1x136x128xf32, #tpu.memory_space<vmem>>
        %gather3A_1307 = tpu.memref_squeeze %gather3A_1306 : memref<1x136x128xf32, #tpu.memory_space<vmem>> -> memref<136x128xf32, #tpu.memory_space<vmem>>
        %gather3A_1308 = tpu.vector_load_idx %gather3A_1307[%min3A_171, %select_n3A_1250] : memref<136x128xf32, #tpu.memory_space<vmem>>[vector<16xi32>, vector<16xi32>], vector<16xf32>,
        %mul3A_1309 = arith.mulf %gather3A_1308, %get3A_1243 : vector<16xf32>
        %add3A_1310 = arith.addf %scan3A_1236, %mul3A_1309 : vector<16xf32>
        %mul3A_1311 = arith.mulf %gather3A_1308, %gather3A_1308 : vector<16xf32>
        %add3A_1312 = arith.addf %scan3A_1237, %mul3A_1311 : vector<16xf32>
        %gather3A_1313 = arith.constant 0 : i32
        %gather3A_1314 = arith.constant 0 : i32
        %gather3A_1315 = tpu.memref_slice %arg7[%scan3A_186, %gather3A_1313, %gather3A_1314] : memref<4x136x128xf32, #tpu.memory_space<vmem>> -> memref<1x136x128xf32, #tpu.memory_space<vmem>>
        %gather3A_1316 = tpu.memref_squeeze %gather3A_1315 : memref<1x136x128xf32, #tpu.memory_space<vmem>> -> memref<136x128xf32, #tpu.memory_space<vmem>>
        %gather3A_1317 = tpu.vector_load_idx %gather3A_1316[%min3A_177, %select_n3A_1250] : memref<136x128xf32, #tpu.memory_space<vmem>>[vector<16xi32>, vector<16xi32>], vector<16xf32>,
        %mul3A_1318 = arith.mulf %gather3A_1317, %get3A_1243 : vector<16xf32>
        %add3A_1319 = arith.addf %scan3A_1238, %mul3A_1318 : vector<16xf32>
        %mul3A_1320 = arith.mulf %gather3A_1317, %gather3A_1317 : vector<16xf32>
        %add3A_1321 = arith.addf %scan3A_1239, %mul3A_1320 : vector<16xf32>
        %gather3A_1322 = arith.constant 0 : i32
        %gather3A_1323 = arith.constant 0 : i32
        %gather3A_1324 = tpu.memref_slice %arg7[%scan3A_186, %gather3A_1322, %gather3A_1323] : memref<4x136x128xf32, #tpu.memory_space<vmem>> -> memref<1x136x128xf32, #tpu.memory_space<vmem>>
        %gather3A_1325 = tpu.memref_squeeze %gather3A_1324 : memref<1x136x128xf32, #tpu.memory_space<vmem>> -> memref<136x128xf32, #tpu.memory_space<vmem>>
        %gather3A_1326 = tpu.vector_load_idx %gather3A_1325[%min3A_183, %select_n3A_1250] : memref<136x128xf32, #tpu.memory_space<vmem>>[vector<16xi32>, vector<16xi32>], vector<16xf32>,
        %mul3A_1327 = arith.mulf %gather3A_1326, %get3A_1243 : vector<16xf32>
        %add3A_1328 = arith.addf %scan3A_1240, %mul3A_1327 : vector<16xf32>
        %mul3A_1329 = arith.mulf %gather3A_1326, %gather3A_1326 : vector<16xf32>
        %add3A_1330 = arith.addf %scan3A_1241, %mul3A_1329 : vector<16xf32>
        scf.yield %add3A_1256, %add3A_1258, %add3A_1265, %add3A_1267, %add3A_1274, %add3A_1276, %add3A_1283, %add3A_1285, %add3A_1292, %add3A_1294, %add3A_1301, %add3A_1303, %add3A_1310, %add3A_1312, %add3A_1319, %add3A_1321, %add3A_1328, %add3A_1330 : vector<16xf32>, vector<16xf32>, vector<16xf32>, vector<16xf32>, vector<16xf32>, vector<16xf32>, vector<16xf32>, vector<16xf32>, vector<16xf32>, vector<16xf32>, vector<16xf32>, vector<16xf32>, vector<16xf32>, vector<16xf32>, vector<16xf32>, vector<16xf32>, vector<16xf32>, vector<16xf32>
      }
      %scan3A_192 = arith.constant 128 : i32
      %abs3A = math.absf %scan3A_191#0 : vector<16xf32>
      %mul3A_193 = arith.mulf %scan3A_191#0, %abs3A : vector<16xf32>
      %max3A = arith.constant 1.000000e-16 : f32
      %max3A_194 = vector.broadcast %max3A : f32 to vector<16xf32>
      %max3A_195 = arith.maximumf %scan3A_191#1, %max3A_194 : vector<16xf32>
      %div3A = arith.divf %mul3A_193, %max3A_195 : vector<16xf32>
      %add3A_196 = arith.constant 0 : i32
      %add3A_197 = vector.broadcast %add3A_196 : i32 to vector<16xi32>
      %add3A_198 = arith.addi %add3A_197, %iota3A : vector<16xi32>
      %lt3A = arith.constant 136 : i32
      %lt3A_199 = vector.broadcast %lt3A : i32 to vector<16xi32>
      %lt3A_200 = arith.cmpi slt, %add3A_198, %lt3A_199 : vector<16xi32>
      %jit3A = arith.constant 0xFF800000 : f32
      %broadcast_in_dim3A_201 = vector.broadcast %jit3A : f32 to vector<16xf32>
      %select_n3A = arith.select %lt3A_200, %div3A, %broadcast_in_dim3A_201 : vector<16xi1>, vector<16xf32>
      %gt3A = arith.cmpf ogt, %select_n3A, %scan3A_97 : vector<16xf32>
      %select_n3A_202 = arith.select %gt3A, %select_n3A, %scan3A_97 : vector<16xi1>, vector<16xf32>
      %add3A_203 = vector.broadcast %multiple_of3A_130 : i32 to vector<16xi32>
      %add3A_204 = arith.addi %add3A_203, %add3A_198 : vector<16xi32>
      %select_n3A_205 = arith.select %gt3A, %add3A_204, %scan3A_98 : vector<16xi1>, vector<16xi32>
      %abs3A_206 = math.absf %scan3A_191#2 : vector<16xf32>
      %mul3A_207 = arith.mulf %scan3A_191#2, %abs3A_206 : vector<16xf32>
      %max3A_208 = arith.constant 1.000000e-16 : f32
      %max3A_209 = vector.broadcast %max3A_208 : f32 to vector<16xf32>
      %max3A_210 = arith.maximumf %scan3A_191#3, %max3A_209 : vector<16xf32>
      %div3A_211 = arith.divf %mul3A_207, %max3A_210 : vector<16xf32>
      %add3A_212 = arith.constant 16 : i32
      %add3A_213 = vector.broadcast %add3A_212 : i32 to vector<16xi32>
      %add3A_214 = arith.addi %add3A_213, %iota3A : vector<16xi32>
      %lt3A_215 = arith.constant 136 : i32
      %lt3A_216 = vector.broadcast %lt3A_215 : i32 to vector<16xi32>
      %lt3A_217 = arith.cmpi slt, %add3A_214, %lt3A_216 : vector<16xi32>
      %jit3A_218 = arith.constant 0xFF800000 : f32
      %broadcast_in_dim3A_219 = vector.broadcast %jit3A_218 : f32 to vector<16xf32>
      %select_n3A_220 = arith.select %lt3A_217, %div3A_211, %broadcast_in_dim3A_219 : vector<16xi1>, vector<16xf32>
      %gt3A_221 = arith.cmpf ogt, %select_n3A_220, %select_n3A_202 : vector<16xf32>
      %select_n3A_222 = arith.select %gt3A_221, %select_n3A_220, %select_n3A_202 : vector<16xi1>, vector<16xf32>
      %add3A_223 = vector.broadcast %multiple_of3A_130 : i32 to vector<16xi32>
      %add3A_224 = arith.addi %add3A_223, %add3A_214 : vector<16xi32>
      %select_n3A_225 = arith.select %gt3A_221, %add3A_224, %select_n3A_205 : vector<16xi1>, vector<16xi32>
      %abs3A_226 = math.absf %scan3A_191#4 : vector<16xf32>
      %mul3A_227 = arith.mulf %scan3A_191#4, %abs3A_226 : vector<16xf32>
      %max3A_228 = arith.constant 1.000000e-16 : f32
      %max3A_229 = vector.broadcast %max3A_228 : f32 to vector<16xf32>
      %max3A_230 = arith.maximumf %scan3A_191#5, %max3A_229 : vector<16xf32>
      %div3A_231 = arith.divf %mul3A_227, %max3A_230 : vector<16xf32>
      %add3A_232 = arith.constant 32 : i32
      %add3A_233 = vector.broadcast %add3A_232 : i32 to vector<16xi32>
      %add3A_234 = arith.addi %add3A_233, %iota3A : vector<16xi32>
      %lt3A_235 = arith.constant 136 : i32
      %lt3A_236 = vector.broadcast %lt3A_235 : i32 to vector<16xi32>
      %lt3A_237 = arith.cmpi slt, %add3A_234, %lt3A_236 : vector<16xi32>
      %jit3A_238 = arith.constant 0xFF800000 : f32
      %broadcast_in_dim3A_239 = vector.broadcast %jit3A_238 : f32 to vector<16xf32>
      %select_n3A_240 = arith.select %lt3A_237, %div3A_231, %broadcast_in_dim3A_239 : vector<16xi1>, vector<16xf32>
      %gt3A_241 = arith.cmpf ogt, %select_n3A_240, %select_n3A_222 : vector<16xf32>
      %select_n3A_242 = arith.select %gt3A_241, %select_n3A_240, %select_n3A_222 : vector<16xi1>, vector<16xf32>
      %add3A_243 = vector.broadcast %multiple_of3A_130 : i32 to vector<16xi32>
      %add3A_244 = arith.addi %add3A_243, %add3A_234 : vector<16xi32>
      %select_n3A_245 = arith.select %gt3A_241, %add3A_244, %select_n3A_225 : vector<16xi1>, vector<16xi32>
      %abs3A_246 = math.absf %scan3A_191#6 : vector<16xf32>
      %mul3A_247 = arith.mulf %scan3A_191#6, %abs3A_246 : vector<16xf32>
      %max3A_248 = arith.constant 1.000000e-16 : f32
      %max3A_249 = vector.broadcast %max3A_248 : f32 to vector<16xf32>
      %max3A_250 = arith.maximumf %scan3A_191#7, %max3A_249 : vector<16xf32>
      %div3A_251 = arith.divf %mul3A_247, %max3A_250 : vector<16xf32>
      %add3A_252 = arith.constant 48 : i32
      %add3A_253 = vector.broadcast %add3A_252 : i32 to vector<16xi32>
      %add3A_254 = arith.addi %add3A_253, %iota3A : vector<16xi32>
      %lt3A_255 = arith.constant 136 : i32
      %lt3A_256 = vector.broadcast %lt3A_255 : i32 to vector<16xi32>
      %lt3A_257 = arith.cmpi slt, %add3A_254, %lt3A_256 : vector<16xi32>
      %jit3A_258 = arith.constant 0xFF800000 : f32
      %broadcast_in_dim3A_259 = vector.broadcast %jit3A_258 : f32 to vector<16xf32>
      %select_n3A_260 = arith.select %lt3A_257, %div3A_251, %broadcast_in_dim3A_259 : vector<16xi1>, vector<16xf32>
      %gt3A_261 = arith.cmpf ogt, %select_n3A_260, %select_n3A_242 : vector<16xf32>
      %select_n3A_262 = arith.select %gt3A_261, %select_n3A_260, %select_n3A_242 : vector<16xi1>, vector<16xf32>
      %add3A_263 = vector.broadcast %multiple_of3A_130 : i32 to vector<16xi32>
      %add3A_264 = arith.addi %add3A_263, %add3A_254 : vector<16xi32>
      %select_n3A_265 = arith.select %gt3A_261, %add3A_264, %select_n3A_245 : vector<16xi1>, vector<16xi32>
      %abs3A_266 = math.absf %scan3A_191#8 : vector<16xf32>
      %mul3A_267 = arith.mulf %scan3A_191#8, %abs3A_266 : vector<16xf32>
      %max3A_268 = arith.constant 1.000000e-16 : f32
      %max3A_269 = vector.broadcast %max3A_268 : f32 to vector<16xf32>
      %max3A_270 = arith.maximumf %scan3A_191#9, %max3A_269 : vector<16xf32>
      %div3A_271 = arith.divf %mul3A_267, %max3A_270 : vector<16xf32>
      %add3A_272 = arith.constant 64 : i32
      %add3A_273 = vector.broadcast %add3A_272 : i32 to vector<16xi32>
      %add3A_274 = arith.addi %add3A_273, %iota3A : vector<16xi32>
      %lt3A_275 = arith.constant 136 : i32
      %lt3A_276 = vector.broadcast %lt3A_275 : i32 to vector<16xi32>
      %lt3A_277 = arith.cmpi slt, %add3A_274, %lt3A_276 : vector<16xi32>
      %jit3A_278 = arith.constant 0xFF800000 : f32
      %broadcast_in_dim3A_279 = vector.broadcast %jit3A_278 : f32 to vector<16xf32>
      %select_n3A_280 = arith.select %lt3A_277, %div3A_271, %broadcast_in_dim3A_279 : vector<16xi1>, vector<16xf32>
      %gt3A_281 = arith.cmpf ogt, %select_n3A_280, %select_n3A_262 : vector<16xf32>
      %select_n3A_282 = arith.select %gt3A_281, %select_n3A_280, %select_n3A_262 : vector<16xi1>, vector<16xf32>
      %add3A_283 = vector.broadcast %multiple_of3A_130 : i32 to vector<16xi32>
      %add3A_284 = arith.addi %add3A_283, %add3A_274 : vector<16xi32>
      %select_n3A_285 = arith.select %gt3A_281, %add3A_284, %select_n3A_265 : vector<16xi1>, vector<16xi32>
      %abs3A_286 = math.absf %scan3A_191#10 : vector<16xf32>
      %mul3A_287 = arith.mulf %scan3A_191#10, %abs3A_286 : vector<16xf32>
      %max3A_288 = arith.constant 1.000000e-16 : f32
      %max3A_289 = vector.broadcast %max3A_288 : f32 to vector<16xf32>
      %max3A_290 = arith.maximumf %scan3A_191#11, %max3A_289 : vector<16xf32>
      %div3A_291 = arith.divf %mul3A_287, %max3A_290 : vector<16xf32>
      %add3A_292 = arith.constant 80 : i32
      %add3A_293 = vector.broadcast %add3A_292 : i32 to vector<16xi32>
      %add3A_294 = arith.addi %add3A_293, %iota3A : vector<16xi32>
      %lt3A_295 = arith.constant 136 : i32
      %lt3A_296 = vector.broadcast %lt3A_295 : i32 to vector<16xi32>
      %lt3A_297 = arith.cmpi slt, %add3A_294, %lt3A_296 : vector<16xi32>
      %jit3A_298 = arith.constant 0xFF800000 : f32
      %broadcast_in_dim3A_299 = vector.broadcast %jit3A_298 : f32 to vector<16xf32>
      %select_n3A_300 = arith.select %lt3A_297, %div3A_291, %broadcast_in_dim3A_299 : vector<16xi1>, vector<16xf32>
      %gt3A_301 = arith.cmpf ogt, %select_n3A_300, %select_n3A_282 : vector<16xf32>
      %select_n3A_302 = arith.select %gt3A_301, %select_n3A_300, %select_n3A_282 : vector<16xi1>, vector<16xf32>
      %add3A_303 = vector.broadcast %multiple_of3A_130 : i32 to vector<16xi32>
      %add3A_304 = arith.addi %add3A_303, %add3A_294 : vector<16xi32>
      %select_n3A_305 = arith.select %gt3A_301, %add3A_304, %select_n3A_285 : vector<16xi1>, vector<16xi32>
      %abs3A_306 = math.absf %scan3A_191#12 : vector<16xf32>
      %mul3A_307 = arith.mulf %scan3A_191#12, %abs3A_306 : vector<16xf32>
      %max3A_308 = arith.constant 1.000000e-16 : f32
      %max3A_309 = vector.broadcast %max3A_308 : f32 to vector<16xf32>
      %max3A_310 = arith.maximumf %scan3A_191#13, %max3A_309 : vector<16xf32>
      %div3A_311 = arith.divf %mul3A_307, %max3A_310 : vector<16xf32>
      %add3A_312 = arith.constant 96 : i32
      %add3A_313 = vector.broadcast %add3A_312 : i32 to vector<16xi32>
      %add3A_314 = arith.addi %add3A_313, %iota3A : vector<16xi32>
      %lt3A_315 = arith.constant 136 : i32
      %lt3A_316 = vector.broadcast %lt3A_315 : i32 to vector<16xi32>
      %lt3A_317 = arith.cmpi slt, %add3A_314, %lt3A_316 : vector<16xi32>
      %jit3A_318 = arith.constant 0xFF800000 : f32
      %broadcast_in_dim3A_319 = vector.broadcast %jit3A_318 : f32 to vector<16xf32>
      %select_n3A_320 = arith.select %lt3A_317, %div3A_311, %broadcast_in_dim3A_319 : vector<16xi1>, vector<16xf32>
      %gt3A_321 = arith.cmpf ogt, %select_n3A_320, %select_n3A_302 : vector<16xf32>
      %select_n3A_322 = arith.select %gt3A_321, %select_n3A_320, %select_n3A_302 : vector<16xi1>, vector<16xf32>
      %add3A_323 = vector.broadcast %multiple_of3A_130 : i32 to vector<16xi32>
      %add3A_324 = arith.addi %add3A_323, %add3A_314 : vector<16xi32>
      %select_n3A_325 = arith.select %gt3A_321, %add3A_324, %select_n3A_305 : vector<16xi1>, vector<16xi32>
      %abs3A_326 = math.absf %scan3A_191#14 : vector<16xf32>
      %mul3A_327 = arith.mulf %scan3A_191#14, %abs3A_326 : vector<16xf32>
      %max3A_328 = arith.constant 1.000000e-16 : f32
      %max3A_329 = vector.broadcast %max3A_328 : f32 to vector<16xf32>
      %max3A_330 = arith.maximumf %scan3A_191#15, %max3A_329 : vector<16xf32>
      %div3A_331 = arith.divf %mul3A_327, %max3A_330 : vector<16xf32>
      %add3A_332 = arith.constant 112 : i32
      %add3A_333 = vector.broadcast %add3A_332 : i32 to vector<16xi32>
      %add3A_334 = arith.addi %add3A_333, %iota3A : vector<16xi32>
      %lt3A_335 = arith.constant 136 : i32
      %lt3A_336 = vector.broadcast %lt3A_335 : i32 to vector<16xi32>
      %lt3A_337 = arith.cmpi slt, %add3A_334, %lt3A_336 : vector<16xi32>
      %jit3A_338 = arith.constant 0xFF800000 : f32
      %broadcast_in_dim3A_339 = vector.broadcast %jit3A_338 : f32 to vector<16xf32>
      %select_n3A_340 = arith.select %lt3A_337, %div3A_331, %broadcast_in_dim3A_339 : vector<16xi1>, vector<16xf32>
      %gt3A_341 = arith.cmpf ogt, %select_n3A_340, %select_n3A_322 : vector<16xf32>
      %select_n3A_342 = arith.select %gt3A_341, %select_n3A_340, %select_n3A_322 : vector<16xi1>, vector<16xf32>
      %add3A_343 = vector.broadcast %multiple_of3A_130 : i32 to vector<16xi32>
      %add3A_344 = arith.addi %add3A_343, %add3A_334 : vector<16xi32>
      %select_n3A_345 = arith.select %gt3A_341, %add3A_344, %select_n3A_325 : vector<16xi1>, vector<16xi32>
      %abs3A_346 = math.absf %scan3A_191#16 : vector<16xf32>
      %mul3A_347 = arith.mulf %scan3A_191#16, %abs3A_346 : vector<16xf32>
      %max3A_348 = arith.constant 1.000000e-16 : f32
      %max3A_349 = vector.broadcast %max3A_348 : f32 to vector<16xf32>
      %max3A_350 = arith.maximumf %scan3A_191#17, %max3A_349 : vector<16xf32>
      %div3A_351 = arith.divf %mul3A_347, %max3A_350 : vector<16xf32>
      %add3A_352 = arith.constant 128 : i32
      %add3A_353 = vector.broadcast %add3A_352 : i32 to vector<16xi32>
      %add3A_354 = arith.addi %add3A_353, %iota3A : vector<16xi32>
      %lt3A_355 = arith.constant 136 : i32
      %lt3A_356 = vector.broadcast %lt3A_355 : i32 to vector<16xi32>
      %lt3A_357 = arith.cmpi slt, %add3A_354, %lt3A_356 : vector<16xi32>
      %jit3A_358 = arith.constant 0xFF800000 : f32
      %broadcast_in_dim3A_359 = vector.broadcast %jit3A_358 : f32 to vector<16xf32>
      %select_n3A_360 = arith.select %lt3A_357, %div3A_351, %broadcast_in_dim3A_359 : vector<16xi1>, vector<16xf32>
      %gt3A_361 = arith.cmpf ogt, %select_n3A_360, %select_n3A_342 : vector<16xf32>
      %select_n3A_362 = arith.select %gt3A_361, %select_n3A_360, %select_n3A_342 : vector<16xi1>, vector<16xf32>
      %add3A_363 = vector.broadcast %multiple_of3A_130 : i32 to vector<16xi32>
      %add3A_364 = arith.addi %add3A_363, %add3A_354 : vector<16xi32>
      %select_n3A_365 = arith.select %gt3A_361, %add3A_364, %select_n3A_345 : vector<16xi1>, vector<16xi32>
      %add3A_366 = arith.constant 4 : i32
      %add3A_367 = arith.addi %add3A_102, %add3A_366 : i32
      %lt3A_368 = arith.constant 8 : i32
      %lt3A_369 = arith.cmpi slt, %add3A_367, %lt3A_368 : i32
      %convert_element_type3A = arith.extui %lt3A_369 : i1 to i32
      %cond3A = arith.constant 0 : i32
      %cond3A_370 = arith.cmpi ne, %convert_element_type3A, %cond3A : i32
      scf.if %cond3A_370 {
        %add3A_1223 = arith.constant 4 : i32
        %add3A_1224 = arith.addi %add3A_102, %add3A_1223 : i32
        %mul3A_1225 = arith.constant 32 : i32
        %mul3A_1226 = arith.muli %mul3A_1225, %add3A_1224 : i32
        %add3A_1227 = arith.addi %add3A, %mul3A_1226 : i32
        %mul3A_1228 = arith.constant 136 : i32
        %mul3A_1229 = arith.muli %add3A_1227, %mul3A_1228 : i32
        %add3A_1230 = arith.constant 65184 : i32
        %add3A_1231 = arith.addi %add3A_1230, %mul3A_1229 : i32
        %multiple_of3A_1232 = tpu.assume_multiple %add3A_1231, 8 : i32
        %dma_start3A_1233 = arith.constant 0 : i32
        %dma_start3A_1234 = arith.constant 0 : i32
        %dma_start3A_1235 = arith.constant 0 : i32
        %dma_start3A_1236 = tpu.memref_slice %arg7[%dma_start3A_1233, %dma_start3A_1234, %dma_start3A_1235] : memref<4x136x128xf32, #tpu.memory_space<vmem>> -> memref<1x136x128xf32, #tpu.memory_space<vmem>>
        %dma_start3A_1237 = tpu.memref_squeeze %dma_start3A_1236 : memref<1x136x128xf32, #tpu.memory_space<vmem>> -> memref<136x128xf32, #tpu.memory_space<vmem>>
        %dma_start3A_1238 = arith.constant 0 : i32
        %dma_start3A_1239 = tpu.memref_slice %arg3[%multiple_of3A_1232, %dma_start3A_1238] : memref<100000x128xf32, #tpu.memory_space<hbm>> -> memref<136x128xf32, #tpu.memory_space<hbm>>
        %dma_start3A_1240 = arith.constant 0 : i32
        %dma_start3A_1241 = arith.constant 0 : i32
        %dma_start3A_1242 = tpu.memref_slice %arg7[%dma_start3A_1233, %dma_start3A_1240, %dma_start3A_1241] : memref<4x136x128xf32, #tpu.memory_space<vmem>> -> memref<1x136x128xf32, #tpu.memory_space<vmem>>
        %dma_start3A_1243 = tpu.memref_squeeze %dma_start3A_1242 : memref<1x136x128xf32, #tpu.memory_space<vmem>> -> memref<136x128xf32, #tpu.memory_space<vmem>>
        %dma_start3A_1244 = arith.constant 0 : i32
        %dma_start3A_1245 = tpu.memref_slice %arg3[%multiple_of3A_1232, %dma_start3A_1244] : memref<100000x128xf32, #tpu.memory_space<hbm>> -> memref<136x128xf32, #tpu.memory_space<hbm>>
        tpu.enqueue_dma source(%dma_start3A_1245 : memref<136x128xf32, #tpu.memory_space<hbm>>) target(%dma_start3A_1243 : memref<136x128xf32, #tpu.memory_space<vmem>>) target_semaphore(%arg10 : memref<!tpu.dma_semaphore, #tpu.memory_space<semaphore_mem>>)
      } else {
      }
      %mul3A_371 = arith.constant 4 : i32
      %mul3A_372 = arith.muli %mul3A_371, %scan3A_96 : i32
      %add3A_373 = arith.constant 1 : i32
      %add3A_374 = arith.addi %mul3A_372, %add3A_373 : i32
      %mul3A_375 = arith.constant 32 : i32
      %mul3A_376 = arith.muli %mul3A_375, %add3A_374 : i32
      %add3A_377 = arith.addi %add3A, %mul3A_376 : i32
      %mul3A_378 = arith.constant 136 : i32
      %mul3A_379 = arith.muli %add3A_377, %mul3A_378 : i32
      %add3A_380 = arith.constant 65184 : i32
      %add3A_381 = arith.addi %add3A_380, %mul3A_379 : i32
      %multiple_of3A_382 = tpu.assume_multiple %add3A_381, 8 : i32
      %dma_wait3A_383 = arith.constant 1 : i32
      %dma_wait3A_384 = arith.constant 0 : i32
      %dma_wait3A_385 = arith.constant 0 : i32
      %dma_wait3A_386 = tpu.memref_slice %arg7[%dma_wait3A_383, %dma_wait3A_384, %dma_wait3A_385] : memref<4x136x128xf32, #tpu.memory_space<vmem>> -> memref<1x136x128xf32, #tpu.memory_space<vmem>>
      %dma_wait3A_387 = tpu.memref_squeeze %dma_wait3A_386 : memref<1x136x128xf32, #tpu.memory_space<vmem>> -> memref<136x128xf32, #tpu.memory_space<vmem>>
      %dma_wait3A_388 = arith.constant 0 : i32
      %dma_wait3A_389 = tpu.memref_slice %arg3[%multiple_of3A_382, %dma_wait3A_388] : memref<100000x128xf32, #tpu.memory_space<hbm>> -> memref<136x128xf32, #tpu.memory_space<hbm>>
      %dma_wait3A_390 = arith.constant 0 : i32
      %dma_wait3A_391 = arith.constant 0 : i32
      %dma_wait3A_392 = tpu.memref_slice %arg7[%dma_wait3A_383, %dma_wait3A_390, %dma_wait3A_391] : memref<4x136x128xf32, #tpu.memory_space<vmem>> -> memref<1x136x128xf32, #tpu.memory_space<vmem>>
      %dma_wait3A_393 = tpu.memref_squeeze %dma_wait3A_392 : memref<1x136x128xf32, #tpu.memory_space<vmem>> -> memref<136x128xf32, #tpu.memory_space<vmem>>
      %dma_wait3A_394 = arith.constant 0 : i32
      %dma_wait3A_395 = tpu.memref_slice %arg3[%multiple_of3A_382, %dma_wait3A_394] : memref<100000x128xf32, #tpu.memory_space<hbm>> -> memref<136x128xf32, #tpu.memory_space<hbm>>
      tpu.wait_dma2 semaphore(%arg11 : memref<!tpu.dma_semaphore, #tpu.memory_space<semaphore_mem>>) src(%dma_wait3A_395 : memref<136x128xf32, #tpu.memory_space<hbm>>) dst(%dma_wait3A_393 : memref<136x128xf32, #tpu.memory_space<vmem>>)
      %mul3A_396 = arith.constant 32 : i32
      %mul3A_397 = arith.muli %mul3A_396, %add3A_374 : i32
      %add3A_398 = arith.addi %add3A, %mul3A_397 : i32
      %mul3A_399 = arith.constant 136 : i32
      %mul3A_400 = arith.muli %add3A_398, %mul3A_399 : i32
      %add3A_401 = arith.constant 65184 : i32
      %add3A_402 = arith.addi %add3A_401, %mul3A_400 : i32
      %multiple_of3A_403 = tpu.assume_multiple %add3A_402, 8 : i32
      %iota3A_404 = tpu.iota {dimensions = array<i32: 0>} : vector<16xi32>
      %add3A_405 = arith.constant 0 : i32
      %add3A_406 = vector.broadcast %add3A_405 : i32 to vector<16xi32>
      %add3A_407 = arith.addi %add3A_406, %iota3A_404 : vector<16xi32>
      %min3A_408 = arith.constant 135 : i32
      %min3A_409 = vector.broadcast %min3A_408 : i32 to vector<16xi32>
      %min3A_410 = arith.minsi %add3A_407, %min3A_409 : vector<16xi32>
      %add3A_411 = arith.constant 16 : i32
      %add3A_412 = vector.broadcast %add3A_411 : i32 to vector<16xi32>
      %add3A_413 = arith.addi %add3A_412, %iota3A_404 : vector<16xi32>
      %min3A_414 = arith.constant 135 : i32
      %min3A_415 = vector.broadcast %min3A_414 : i32 to vector<16xi32>
      %min3A_416 = arith.minsi %add3A_413, %min3A_415 : vector<16xi32>
      %add3A_417 = arith.constant 32 : i32
      %add3A_418 = vector.broadcast %add3A_417 : i32 to vector<16xi32>
      %add3A_419 = arith.addi %add3A_418, %iota3A_404 : vector<16xi32>
      %min3A_420 = arith.constant 135 : i32
      %min3A_421 = vector.broadcast %min3A_420 : i32 to vector<16xi32>
      %min3A_422 = arith.minsi %add3A_419, %min3A_421 : vector<16xi32>
      %add3A_423 = arith.constant 48 : i32
      %add3A_424 = vector.broadcast %add3A_423 : i32 to vector<16xi32>
      %add3A_425 = arith.addi %add3A_424, %iota3A_404 : vector<16xi32>
      %min3A_426 = arith.constant 135 : i32
      %min3A_427 = vector.broadcast %min3A_426 : i32 to vector<16xi32>
      %min3A_428 = arith.minsi %add3A_425, %min3A_427 : vector<16xi32>
      %add3A_429 = arith.constant 64 : i32
      %add3A_430 = vector.broadcast %add3A_429 : i32 to vector<16xi32>
      %add3A_431 = arith.addi %add3A_430, %iota3A_404 : vector<16xi32>
      %min3A_432 = arith.constant 135 : i32
      %min3A_433 = vector.broadcast %min3A_432 : i32 to vector<16xi32>
      %min3A_434 = arith.minsi %add3A_431, %min3A_433 : vector<16xi32>
      %add3A_435 = arith.constant 80 : i32
      %add3A_436 = vector.broadcast %add3A_435 : i32 to vector<16xi32>
      %add3A_437 = arith.addi %add3A_436, %iota3A_404 : vector<16xi32>
      %min3A_438 = arith.constant 135 : i32
      %min3A_439 = vector.broadcast %min3A_438 : i32 to vector<16xi32>
      %min3A_440 = arith.minsi %add3A_437, %min3A_439 : vector<16xi32>
      %add3A_441 = arith.constant 96 : i32
      %add3A_442 = vector.broadcast %add3A_441 : i32 to vector<16xi32>
      %add3A_443 = arith.addi %add3A_442, %iota3A_404 : vector<16xi32>
      %min3A_444 = arith.constant 135 : i32
      %min3A_445 = vector.broadcast %min3A_444 : i32 to vector<16xi32>
      %min3A_446 = arith.minsi %add3A_443, %min3A_445 : vector<16xi32>
      %add3A_447 = arith.constant 112 : i32
      %add3A_448 = vector.broadcast %add3A_447 : i32 to vector<16xi32>
      %add3A_449 = arith.addi %add3A_448, %iota3A_404 : vector<16xi32>
      %min3A_450 = arith.constant 135 : i32
      %min3A_451 = vector.broadcast %min3A_450 : i32 to vector<16xi32>
      %min3A_452 = arith.minsi %add3A_449, %min3A_451 : vector<16xi32>
      %add3A_453 = arith.constant 128 : i32
      %add3A_454 = vector.broadcast %add3A_453 : i32 to vector<16xi32>
      %add3A_455 = arith.addi %add3A_454, %iota3A_404 : vector<16xi32>
      %min3A_456 = arith.constant 135 : i32
      %min3A_457 = vector.broadcast %min3A_456 : i32 to vector<16xi32>
      %min3A_458 = arith.minsi %add3A_455, %min3A_457 : vector<16xi32>
      %broadcast_in_dim3A_459 = arith.constant 0.000000e+00 : f32
      %broadcast_in_dim3A_460 = vector.broadcast %broadcast_in_dim3A_459 : f32 to vector<16xf32>
      %scan3A_461 = arith.constant 1 : i32
      %scan3A_462 = arith.constant 0 : i32
      %scan3A_463 = arith.constant 128 : i32
      %scan3A_464 = arith.addi %scan3A_462, %scan3A_463 : i32
      %scan3A_465 = arith.constant 1 : i32
      %scan3A_466:18 = scf.for %scan3A_1223 = %scan3A_462 to %scan3A_464 step %scan3A_465 iter_args(%scan3A_1224 = %broadcast_in_dim3A_460, %scan3A_1225 = %broadcast_in_dim3A_460, %scan3A_1226 = %broadcast_in_dim3A_460, %scan3A_1227 = %broadcast_in_dim3A_460, %scan3A_1228 = %broadcast_in_dim3A_460, %scan3A_1229 = %broadcast_in_dim3A_460, %scan3A_1230 = %broadcast_in_dim3A_460, %scan3A_1231 = %broadcast_in_dim3A_460, %scan3A_1232 = %broadcast_in_dim3A_460, %scan3A_1233 = %broadcast_in_dim3A_460, %scan3A_1234 = %broadcast_in_dim3A_460, %scan3A_1235 = %broadcast_in_dim3A_460, %scan3A_1236 = %broadcast_in_dim3A_460, %scan3A_1237 = %broadcast_in_dim3A_460, %scan3A_1238 = %broadcast_in_dim3A_460, %scan3A_1239 = %broadcast_in_dim3A_460, %scan3A_1240 = %broadcast_in_dim3A_460, %scan3A_1241 = %broadcast_in_dim3A_460) -> (vector<16xf32>, vector<16xf32>, vector<16xf32>, vector<16xf32>, vector<16xf32>, vector<16xf32>, vector<16xf32>, vector<16xf32>, vector<16xf32>, vector<16xf32>, vector<16xf32>, vector<16xf32>, vector<16xf32>, vector<16xf32>, vector<16xf32>, vector<16xf32>, vector<16xf32>, vector<16xf32>)  : i32 {
        %get3A_1242 = arith.index_cast %scan3A_1223 : i32 to index
        %get3A_1243 = tpu.vector_load %arg6[%get3A_1242] {strides = array<i32>} : memref<144xf32, #tpu.memory_space<vmem>>, vector<16xf32>,
        %add3A_1244 = vector.broadcast %scan3A_1223 : i32 to vector<16xi32>
        %add3A_1245 = arith.addi %iota3A_404, %add3A_1244 : vector<16xi32>
        %ge3A = arith.constant 128 : i32
        %ge3A_1246 = vector.broadcast %ge3A : i32 to vector<16xi32>
        %ge3A_1247 = arith.cmpi sge, %add3A_1245, %ge3A_1246 : vector<16xi32>
        %sub3A = arith.constant 128 : i32
        %sub3A_1248 = vector.broadcast %sub3A : i32 to vector<16xi32>
        %sub3A_1249 = arith.subi %add3A_1245, %sub3A_1248 : vector<16xi32>
        %select_n3A_1250 = arith.select %ge3A_1247, %sub3A_1249, %add3A_1245 : vector<16xi1>, vector<16xi32>
        %gather3A = arith.constant 0 : i32
        %gather3A_1251 = arith.constant 0 : i32
        %gather3A_1252 = tpu.memref_slice %arg7[%scan3A_461, %gather3A, %gather3A_1251] : memref<4x136x128xf32, #tpu.memory_space<vmem>> -> memref<1x136x128xf32, #tpu.memory_space<vmem>>
        %gather3A_1253 = tpu.memref_squeeze %gather3A_1252 : memref<1x136x128xf32, #tpu.memory_space<vmem>> -> memref<136x128xf32, #tpu.memory_space<vmem>>
        %gather3A_1254 = tpu.vector_load_idx %gather3A_1253[%min3A_410, %select_n3A_1250] : memref<136x128xf32, #tpu.memory_space<vmem>>[vector<16xi32>, vector<16xi32>], vector<16xf32>,
        %mul3A_1255 = arith.mulf %gather3A_1254, %get3A_1243 : vector<16xf32>
        %add3A_1256 = arith.addf %scan3A_1224, %mul3A_1255 : vector<16xf32>
        %mul3A_1257 = arith.mulf %gather3A_1254, %gather3A_1254 : vector<16xf32>
        %add3A_1258 = arith.addf %scan3A_1225, %mul3A_1257 : vector<16xf32>
        %gather3A_1259 = arith.constant 0 : i32
        %gather3A_1260 = arith.constant 0 : i32
        %gather3A_1261 = tpu.memref_slice %arg7[%scan3A_461, %gather3A_1259, %gather3A_1260] : memref<4x136x128xf32, #tpu.memory_space<vmem>> -> memref<1x136x128xf32, #tpu.memory_space<vmem>>
        %gather3A_1262 = tpu.memref_squeeze %gather3A_1261 : memref<1x136x128xf32, #tpu.memory_space<vmem>> -> memref<136x128xf32, #tpu.memory_space<vmem>>
        %gather3A_1263 = tpu.vector_load_idx %gather3A_1262[%min3A_416, %select_n3A_1250] : memref<136x128xf32, #tpu.memory_space<vmem>>[vector<16xi32>, vector<16xi32>], vector<16xf32>,
        %mul3A_1264 = arith.mulf %gather3A_1263, %get3A_1243 : vector<16xf32>
        %add3A_1265 = arith.addf %scan3A_1226, %mul3A_1264 : vector<16xf32>
        %mul3A_1266 = arith.mulf %gather3A_1263, %gather3A_1263 : vector<16xf32>
        %add3A_1267 = arith.addf %scan3A_1227, %mul3A_1266 : vector<16xf32>
        %gather3A_1268 = arith.constant 0 : i32
        %gather3A_1269 = arith.constant 0 : i32
        %gather3A_1270 = tpu.memref_slice %arg7[%scan3A_461, %gather3A_1268, %gather3A_1269] : memref<4x136x128xf32, #tpu.memory_space<vmem>> -> memref<1x136x128xf32, #tpu.memory_space<vmem>>
        %gather3A_1271 = tpu.memref_squeeze %gather3A_1270 : memref<1x136x128xf32, #tpu.memory_space<vmem>> -> memref<136x128xf32, #tpu.memory_space<vmem>>
        %gather3A_1272 = tpu.vector_load_idx %gather3A_1271[%min3A_422, %select_n3A_1250] : memref<136x128xf32, #tpu.memory_space<vmem>>[vector<16xi32>, vector<16xi32>], vector<16xf32>,
        %mul3A_1273 = arith.mulf %gather3A_1272, %get3A_1243 : vector<16xf32>
        %add3A_1274 = arith.addf %scan3A_1228, %mul3A_1273 : vector<16xf32>
        %mul3A_1275 = arith.mulf %gather3A_1272, %gather3A_1272 : vector<16xf32>
        %add3A_1276 = arith.addf %scan3A_1229, %mul3A_1275 : vector<16xf32>
        %gather3A_1277 = arith.constant 0 : i32
        %gather3A_1278 = arith.constant 0 : i32
        %gather3A_1279 = tpu.memref_slice %arg7[%scan3A_461, %gather3A_1277, %gather3A_1278] : memref<4x136x128xf32, #tpu.memory_space<vmem>> -> memref<1x136x128xf32, #tpu.memory_space<vmem>>
        %gather3A_1280 = tpu.memref_squeeze %gather3A_1279 : memref<1x136x128xf32, #tpu.memory_space<vmem>> -> memref<136x128xf32, #tpu.memory_space<vmem>>
        %gather3A_1281 = tpu.vector_load_idx %gather3A_1280[%min3A_428, %select_n3A_1250] : memref<136x128xf32, #tpu.memory_space<vmem>>[vector<16xi32>, vector<16xi32>], vector<16xf32>,
        %mul3A_1282 = arith.mulf %gather3A_1281, %get3A_1243 : vector<16xf32>
        %add3A_1283 = arith.addf %scan3A_1230, %mul3A_1282 : vector<16xf32>
        %mul3A_1284 = arith.mulf %gather3A_1281, %gather3A_1281 : vector<16xf32>
        %add3A_1285 = arith.addf %scan3A_1231, %mul3A_1284 : vector<16xf32>
        %gather3A_1286 = arith.constant 0 : i32
        %gather3A_1287 = arith.constant 0 : i32
        %gather3A_1288 = tpu.memref_slice %arg7[%scan3A_461, %gather3A_1286, %gather3A_1287] : memref<4x136x128xf32, #tpu.memory_space<vmem>> -> memref<1x136x128xf32, #tpu.memory_space<vmem>>
        %gather3A_1289 = tpu.memref_squeeze %gather3A_1288 : memref<1x136x128xf32, #tpu.memory_space<vmem>> -> memref<136x128xf32, #tpu.memory_space<vmem>>
        %gather3A_1290 = tpu.vector_load_idx %gather3A_1289[%min3A_434, %select_n3A_1250] : memref<136x128xf32, #tpu.memory_space<vmem>>[vector<16xi32>, vector<16xi32>], vector<16xf32>,
        %mul3A_1291 = arith.mulf %gather3A_1290, %get3A_1243 : vector<16xf32>
        %add3A_1292 = arith.addf %scan3A_1232, %mul3A_1291 : vector<16xf32>
        %mul3A_1293 = arith.mulf %gather3A_1290, %gather3A_1290 : vector<16xf32>
        %add3A_1294 = arith.addf %scan3A_1233, %mul3A_1293 : vector<16xf32>
        %gather3A_1295 = arith.constant 0 : i32
        %gather3A_1296 = arith.constant 0 : i32
        %gather3A_1297 = tpu.memref_slice %arg7[%scan3A_461, %gather3A_1295, %gather3A_1296] : memref<4x136x128xf32, #tpu.memory_space<vmem>> -> memref<1x136x128xf32, #tpu.memory_space<vmem>>
        %gather3A_1298 = tpu.memref_squeeze %gather3A_1297 : memref<1x136x128xf32, #tpu.memory_space<vmem>> -> memref<136x128xf32, #tpu.memory_space<vmem>>
        %gather3A_1299 = tpu.vector_load_idx %gather3A_1298[%min3A_440, %select_n3A_1250] : memref<136x128xf32, #tpu.memory_space<vmem>>[vector<16xi32>, vector<16xi32>], vector<16xf32>,
        %mul3A_1300 = arith.mulf %gather3A_1299, %get3A_1243 : vector<16xf32>
        %add3A_1301 = arith.addf %scan3A_1234, %mul3A_1300 : vector<16xf32>
        %mul3A_1302 = arith.mulf %gather3A_1299, %gather3A_1299 : vector<16xf32>
        %add3A_1303 = arith.addf %scan3A_1235, %mul3A_1302 : vector<16xf32>
        %gather3A_1304 = arith.constant 0 : i32
        %gather3A_1305 = arith.constant 0 : i32
        %gather3A_1306 = tpu.memref_slice %arg7[%scan3A_461, %gather3A_1304, %gather3A_1305] : memref<4x136x128xf32, #tpu.memory_space<vmem>> -> memref<1x136x128xf32, #tpu.memory_space<vmem>>
        %gather3A_1307 = tpu.memref_squeeze %gather3A_1306 : memref<1x136x128xf32, #tpu.memory_space<vmem>> -> memref<136x128xf32, #tpu.memory_space<vmem>>
        %gather3A_1308 = tpu.vector_load_idx %gather3A_1307[%min3A_446, %select_n3A_1250] : memref<136x128xf32, #tpu.memory_space<vmem>>[vector<16xi32>, vector<16xi32>], vector<16xf32>,
        %mul3A_1309 = arith.mulf %gather3A_1308, %get3A_1243 : vector<16xf32>
        %add3A_1310 = arith.addf %scan3A_1236, %mul3A_1309 : vector<16xf32>
        %mul3A_1311 = arith.mulf %gather3A_1308, %gather3A_1308 : vector<16xf32>
        %add3A_1312 = arith.addf %scan3A_1237, %mul3A_1311 : vector<16xf32>
        %gather3A_1313 = arith.constant 0 : i32
        %gather3A_1314 = arith.constant 0 : i32
        %gather3A_1315 = tpu.memref_slice %arg7[%scan3A_461, %gather3A_1313, %gather3A_1314] : memref<4x136x128xf32, #tpu.memory_space<vmem>> -> memref<1x136x128xf32, #tpu.memory_space<vmem>>
        %gather3A_1316 = tpu.memref_squeeze %gather3A_1315 : memref<1x136x128xf32, #tpu.memory_space<vmem>> -> memref<136x128xf32, #tpu.memory_space<vmem>>
        %gather3A_1317 = tpu.vector_load_idx %gather3A_1316[%min3A_452, %select_n3A_1250] : memref<136x128xf32, #tpu.memory_space<vmem>>[vector<16xi32>, vector<16xi32>], vector<16xf32>,
        %mul3A_1318 = arith.mulf %gather3A_1317, %get3A_1243 : vector<16xf32>
        %add3A_1319 = arith.addf %scan3A_1238, %mul3A_1318 : vector<16xf32>
        %mul3A_1320 = arith.mulf %gather3A_1317, %gather3A_1317 : vector<16xf32>
        %add3A_1321 = arith.addf %scan3A_1239, %mul3A_1320 : vector<16xf32>
        %gather3A_1322 = arith.constant 0 : i32
        %gather3A_1323 = arith.constant 0 : i32
        %gather3A_1324 = tpu.memref_slice %arg7[%scan3A_461, %gather3A_1322, %gather3A_1323] : memref<4x136x128xf32, #tpu.memory_space<vmem>> -> memref<1x136x128xf32, #tpu.memory_space<vmem>>
        %gather3A_1325 = tpu.memref_squeeze %gather3A_1324 : memref<1x136x128xf32, #tpu.memory_space<vmem>> -> memref<136x128xf32, #tpu.memory_space<vmem>>
        %gather3A_1326 = tpu.vector_load_idx %gather3A_1325[%min3A_458, %select_n3A_1250] : memref<136x128xf32, #tpu.memory_space<vmem>>[vector<16xi32>, vector<16xi32>], vector<16xf32>,
        %mul3A_1327 = arith.mulf %gather3A_1326, %get3A_1243 : vector<16xf32>
        %add3A_1328 = arith.addf %scan3A_1240, %mul3A_1327 : vector<16xf32>
        %mul3A_1329 = arith.mulf %gather3A_1326, %gather3A_1326 : vector<16xf32>
        %add3A_1330 = arith.addf %scan3A_1241, %mul3A_1329 : vector<16xf32>
        scf.yield %add3A_1256, %add3A_1258, %add3A_1265, %add3A_1267, %add3A_1274, %add3A_1276, %add3A_1283, %add3A_1285, %add3A_1292, %add3A_1294, %add3A_1301, %add3A_1303, %add3A_1310, %add3A_1312, %add3A_1319, %add3A_1321, %add3A_1328, %add3A_1330 : vector<16xf32>, vector<16xf32>, vector<16xf32>, vector<16xf32>, vector<16xf32>, vector<16xf32>, vector<16xf32>, vector<16xf32>, vector<16xf32>, vector<16xf32>, vector<16xf32>, vector<16xf32>, vector<16xf32>, vector<16xf32>, vector<16xf32>, vector<16xf32>, vector<16xf32>, vector<16xf32>
      }
      %scan3A_467 = arith.constant 128 : i32
      %abs3A_468 = math.absf %scan3A_466#0 : vector<16xf32>
      %mul3A_469 = arith.mulf %scan3A_466#0, %abs3A_468 : vector<16xf32>
      %max3A_470 = arith.constant 1.000000e-16 : f32
      %max3A_471 = vector.broadcast %max3A_470 : f32 to vector<16xf32>
      %max3A_472 = arith.maximumf %scan3A_466#1, %max3A_471 : vector<16xf32>
      %div3A_473 = arith.divf %mul3A_469, %max3A_472 : vector<16xf32>
      %add3A_474 = arith.constant 0 : i32
      %add3A_475 = vector.broadcast %add3A_474 : i32 to vector<16xi32>
      %add3A_476 = arith.addi %add3A_475, %iota3A_404 : vector<16xi32>
      %lt3A_477 = arith.constant 136 : i32
      %lt3A_478 = vector.broadcast %lt3A_477 : i32 to vector<16xi32>
      %lt3A_479 = arith.cmpi slt, %add3A_476, %lt3A_478 : vector<16xi32>
      %jit3A_480 = arith.constant 0xFF800000 : f32
      %broadcast_in_dim3A_481 = vector.broadcast %jit3A_480 : f32 to vector<16xf32>
      %select_n3A_482 = arith.select %lt3A_479, %div3A_473, %broadcast_in_dim3A_481 : vector<16xi1>, vector<16xf32>
      %gt3A_483 = arith.cmpf ogt, %select_n3A_482, %select_n3A_362 : vector<16xf32>
      %select_n3A_484 = arith.select %gt3A_483, %select_n3A_482, %select_n3A_362 : vector<16xi1>, vector<16xf32>
      %add3A_485 = vector.broadcast %multiple_of3A_403 : i32 to vector<16xi32>
      %add3A_486 = arith.addi %add3A_485, %add3A_476 : vector<16xi32>
      %select_n3A_487 = arith.select %gt3A_483, %add3A_486, %select_n3A_365 : vector<16xi1>, vector<16xi32>
      %abs3A_488 = math.absf %scan3A_466#2 : vector<16xf32>
      %mul3A_489 = arith.mulf %scan3A_466#2, %abs3A_488 : vector<16xf32>
      %max3A_490 = arith.constant 1.000000e-16 : f32
      %max3A_491 = vector.broadcast %max3A_490 : f32 to vector<16xf32>
      %max3A_492 = arith.maximumf %scan3A_466#3, %max3A_491 : vector<16xf32>
      %div3A_493 = arith.divf %mul3A_489, %max3A_492 : vector<16xf32>
      %add3A_494 = arith.constant 16 : i32
      %add3A_495 = vector.broadcast %add3A_494 : i32 to vector<16xi32>
      %add3A_496 = arith.addi %add3A_495, %iota3A_404 : vector<16xi32>
      %lt3A_497 = arith.constant 136 : i32
      %lt3A_498 = vector.broadcast %lt3A_497 : i32 to vector<16xi32>
      %lt3A_499 = arith.cmpi slt, %add3A_496, %lt3A_498 : vector<16xi32>
      %jit3A_500 = arith.constant 0xFF800000 : f32
      %broadcast_in_dim3A_501 = vector.broadcast %jit3A_500 : f32 to vector<16xf32>
      %select_n3A_502 = arith.select %lt3A_499, %div3A_493, %broadcast_in_dim3A_501 : vector<16xi1>, vector<16xf32>
      %gt3A_503 = arith.cmpf ogt, %select_n3A_502, %select_n3A_484 : vector<16xf32>
      %select_n3A_504 = arith.select %gt3A_503, %select_n3A_502, %select_n3A_484 : vector<16xi1>, vector<16xf32>
      %add3A_505 = vector.broadcast %multiple_of3A_403 : i32 to vector<16xi32>
      %add3A_506 = arith.addi %add3A_505, %add3A_496 : vector<16xi32>
      %select_n3A_507 = arith.select %gt3A_503, %add3A_506, %select_n3A_487 : vector<16xi1>, vector<16xi32>
      %abs3A_508 = math.absf %scan3A_466#4 : vector<16xf32>
      %mul3A_509 = arith.mulf %scan3A_466#4, %abs3A_508 : vector<16xf32>
      %max3A_510 = arith.constant 1.000000e-16 : f32
      %max3A_511 = vector.broadcast %max3A_510 : f32 to vector<16xf32>
      %max3A_512 = arith.maximumf %scan3A_466#5, %max3A_511 : vector<16xf32>
      %div3A_513 = arith.divf %mul3A_509, %max3A_512 : vector<16xf32>
      %add3A_514 = arith.constant 32 : i32
      %add3A_515 = vector.broadcast %add3A_514 : i32 to vector<16xi32>
      %add3A_516 = arith.addi %add3A_515, %iota3A_404 : vector<16xi32>
      %lt3A_517 = arith.constant 136 : i32
      %lt3A_518 = vector.broadcast %lt3A_517 : i32 to vector<16xi32>
      %lt3A_519 = arith.cmpi slt, %add3A_516, %lt3A_518 : vector<16xi32>
      %jit3A_520 = arith.constant 0xFF800000 : f32
      %broadcast_in_dim3A_521 = vector.broadcast %jit3A_520 : f32 to vector<16xf32>
      %select_n3A_522 = arith.select %lt3A_519, %div3A_513, %broadcast_in_dim3A_521 : vector<16xi1>, vector<16xf32>
      %gt3A_523 = arith.cmpf ogt, %select_n3A_522, %select_n3A_504 : vector<16xf32>
      %select_n3A_524 = arith.select %gt3A_523, %select_n3A_522, %select_n3A_504 : vector<16xi1>, vector<16xf32>
      %add3A_525 = vector.broadcast %multiple_of3A_403 : i32 to vector<16xi32>
      %add3A_526 = arith.addi %add3A_525, %add3A_516 : vector<16xi32>
      %select_n3A_527 = arith.select %gt3A_523, %add3A_526, %select_n3A_507 : vector<16xi1>, vector<16xi32>
      %abs3A_528 = math.absf %scan3A_466#6 : vector<16xf32>
      %mul3A_529 = arith.mulf %scan3A_466#6, %abs3A_528 : vector<16xf32>
      %max3A_530 = arith.constant 1.000000e-16 : f32
      %max3A_531 = vector.broadcast %max3A_530 : f32 to vector<16xf32>
      %max3A_532 = arith.maximumf %scan3A_466#7, %max3A_531 : vector<16xf32>
      %div3A_533 = arith.divf %mul3A_529, %max3A_532 : vector<16xf32>
      %add3A_534 = arith.constant 48 : i32
      %add3A_535 = vector.broadcast %add3A_534 : i32 to vector<16xi32>
      %add3A_536 = arith.addi %add3A_535, %iota3A_404 : vector<16xi32>
      %lt3A_537 = arith.constant 136 : i32
      %lt3A_538 = vector.broadcast %lt3A_537 : i32 to vector<16xi32>
      %lt3A_539 = arith.cmpi slt, %add3A_536, %lt3A_538 : vector<16xi32>
      %jit3A_540 = arith.constant 0xFF800000 : f32
      %broadcast_in_dim3A_541 = vector.broadcast %jit3A_540 : f32 to vector<16xf32>
      %select_n3A_542 = arith.select %lt3A_539, %div3A_533, %broadcast_in_dim3A_541 : vector<16xi1>, vector<16xf32>
      %gt3A_543 = arith.cmpf ogt, %select_n3A_542, %select_n3A_524 : vector<16xf32>
      %select_n3A_544 = arith.select %gt3A_543, %select_n3A_542, %select_n3A_524 : vector<16xi1>, vector<16xf32>
      %add3A_545 = vector.broadcast %multiple_of3A_403 : i32 to vector<16xi32>
      %add3A_546 = arith.addi %add3A_545, %add3A_536 : vector<16xi32>
      %select_n3A_547 = arith.select %gt3A_543, %add3A_546, %select_n3A_527 : vector<16xi1>, vector<16xi32>
      %abs3A_548 = math.absf %scan3A_466#8 : vector<16xf32>
      %mul3A_549 = arith.mulf %scan3A_466#8, %abs3A_548 : vector<16xf32>
      %max3A_550 = arith.constant 1.000000e-16 : f32
      %max3A_551 = vector.broadcast %max3A_550 : f32 to vector<16xf32>
      %max3A_552 = arith.maximumf %scan3A_466#9, %max3A_551 : vector<16xf32>
      %div3A_553 = arith.divf %mul3A_549, %max3A_552 : vector<16xf32>
      %add3A_554 = arith.constant 64 : i32
      %add3A_555 = vector.broadcast %add3A_554 : i32 to vector<16xi32>
      %add3A_556 = arith.addi %add3A_555, %iota3A_404 : vector<16xi32>
      %lt3A_557 = arith.constant 136 : i32
      %lt3A_558 = vector.broadcast %lt3A_557 : i32 to vector<16xi32>
      %lt3A_559 = arith.cmpi slt, %add3A_556, %lt3A_558 : vector<16xi32>
      %jit3A_560 = arith.constant 0xFF800000 : f32
      %broadcast_in_dim3A_561 = vector.broadcast %jit3A_560 : f32 to vector<16xf32>
      %select_n3A_562 = arith.select %lt3A_559, %div3A_553, %broadcast_in_dim3A_561 : vector<16xi1>, vector<16xf32>
      %gt3A_563 = arith.cmpf ogt, %select_n3A_562, %select_n3A_544 : vector<16xf32>
      %select_n3A_564 = arith.select %gt3A_563, %select_n3A_562, %select_n3A_544 : vector<16xi1>, vector<16xf32>
      %add3A_565 = vector.broadcast %multiple_of3A_403 : i32 to vector<16xi32>
      %add3A_566 = arith.addi %add3A_565, %add3A_556 : vector<16xi32>
      %select_n3A_567 = arith.select %gt3A_563, %add3A_566, %select_n3A_547 : vector<16xi1>, vector<16xi32>
      %abs3A_568 = math.absf %scan3A_466#10 : vector<16xf32>
      %mul3A_569 = arith.mulf %scan3A_466#10, %abs3A_568 : vector<16xf32>
      %max3A_570 = arith.constant 1.000000e-16 : f32
      %max3A_571 = vector.broadcast %max3A_570 : f32 to vector<16xf32>
      %max3A_572 = arith.maximumf %scan3A_466#11, %max3A_571 : vector<16xf32>
      %div3A_573 = arith.divf %mul3A_569, %max3A_572 : vector<16xf32>
      %add3A_574 = arith.constant 80 : i32
      %add3A_575 = vector.broadcast %add3A_574 : i32 to vector<16xi32>
      %add3A_576 = arith.addi %add3A_575, %iota3A_404 : vector<16xi32>
      %lt3A_577 = arith.constant 136 : i32
      %lt3A_578 = vector.broadcast %lt3A_577 : i32 to vector<16xi32>
      %lt3A_579 = arith.cmpi slt, %add3A_576, %lt3A_578 : vector<16xi32>
      %jit3A_580 = arith.constant 0xFF800000 : f32
      %broadcast_in_dim3A_581 = vector.broadcast %jit3A_580 : f32 to vector<16xf32>
      %select_n3A_582 = arith.select %lt3A_579, %div3A_573, %broadcast_in_dim3A_581 : vector<16xi1>, vector<16xf32>
      %gt3A_583 = arith.cmpf ogt, %select_n3A_582, %select_n3A_564 : vector<16xf32>
      %select_n3A_584 = arith.select %gt3A_583, %select_n3A_582, %select_n3A_564 : vector<16xi1>, vector<16xf32>
      %add3A_585 = vector.broadcast %multiple_of3A_403 : i32 to vector<16xi32>
      %add3A_586 = arith.addi %add3A_585, %add3A_576 : vector<16xi32>
      %select_n3A_587 = arith.select %gt3A_583, %add3A_586, %select_n3A_567 : vector<16xi1>, vector<16xi32>
      %abs3A_588 = math.absf %scan3A_466#12 : vector<16xf32>
      %mul3A_589 = arith.mulf %scan3A_466#12, %abs3A_588 : vector<16xf32>
      %max3A_590 = arith.constant 1.000000e-16 : f32
      %max3A_591 = vector.broadcast %max3A_590 : f32 to vector<16xf32>
      %max3A_592 = arith.maximumf %scan3A_466#13, %max3A_591 : vector<16xf32>
      %div3A_593 = arith.divf %mul3A_589, %max3A_592 : vector<16xf32>
      %add3A_594 = arith.constant 96 : i32
      %add3A_595 = vector.broadcast %add3A_594 : i32 to vector<16xi32>
      %add3A_596 = arith.addi %add3A_595, %iota3A_404 : vector<16xi32>
      %lt3A_597 = arith.constant 136 : i32
      %lt3A_598 = vector.broadcast %lt3A_597 : i32 to vector<16xi32>
      %lt3A_599 = arith.cmpi slt, %add3A_596, %lt3A_598 : vector<16xi32>
      %jit3A_600 = arith.constant 0xFF800000 : f32
      %broadcast_in_dim3A_601 = vector.broadcast %jit3A_600 : f32 to vector<16xf32>
      %select_n3A_602 = arith.select %lt3A_599, %div3A_593, %broadcast_in_dim3A_601 : vector<16xi1>, vector<16xf32>
      %gt3A_603 = arith.cmpf ogt, %select_n3A_602, %select_n3A_584 : vector<16xf32>
      %select_n3A_604 = arith.select %gt3A_603, %select_n3A_602, %select_n3A_584 : vector<16xi1>, vector<16xf32>
      %add3A_605 = vector.broadcast %multiple_of3A_403 : i32 to vector<16xi32>
      %add3A_606 = arith.addi %add3A_605, %add3A_596 : vector<16xi32>
      %select_n3A_607 = arith.select %gt3A_603, %add3A_606, %select_n3A_587 : vector<16xi1>, vector<16xi32>
      %abs3A_608 = math.absf %scan3A_466#14 : vector<16xf32>
      %mul3A_609 = arith.mulf %scan3A_466#14, %abs3A_608 : vector<16xf32>
      %max3A_610 = arith.constant 1.000000e-16 : f32
      %max3A_611 = vector.broadcast %max3A_610 : f32 to vector<16xf32>
      %max3A_612 = arith.maximumf %scan3A_466#15, %max3A_611 : vector<16xf32>
      %div3A_613 = arith.divf %mul3A_609, %max3A_612 : vector<16xf32>
      %add3A_614 = arith.constant 112 : i32
      %add3A_615 = vector.broadcast %add3A_614 : i32 to vector<16xi32>
      %add3A_616 = arith.addi %add3A_615, %iota3A_404 : vector<16xi32>
      %lt3A_617 = arith.constant 136 : i32
      %lt3A_618 = vector.broadcast %lt3A_617 : i32 to vector<16xi32>
      %lt3A_619 = arith.cmpi slt, %add3A_616, %lt3A_618 : vector<16xi32>
      %jit3A_620 = arith.constant 0xFF800000 : f32
      %broadcast_in_dim3A_621 = vector.broadcast %jit3A_620 : f32 to vector<16xf32>
      %select_n3A_622 = arith.select %lt3A_619, %div3A_613, %broadcast_in_dim3A_621 : vector<16xi1>, vector<16xf32>
      %gt3A_623 = arith.cmpf ogt, %select_n3A_622, %select_n3A_604 : vector<16xf32>
      %select_n3A_624 = arith.select %gt3A_623, %select_n3A_622, %select_n3A_604 : vector<16xi1>, vector<16xf32>
      %add3A_625 = vector.broadcast %multiple_of3A_403 : i32 to vector<16xi32>
      %add3A_626 = arith.addi %add3A_625, %add3A_616 : vector<16xi32>
      %select_n3A_627 = arith.select %gt3A_623, %add3A_626, %select_n3A_607 : vector<16xi1>, vector<16xi32>
      %abs3A_628 = math.absf %scan3A_466#16 : vector<16xf32>
      %mul3A_629 = arith.mulf %scan3A_466#16, %abs3A_628 : vector<16xf32>
      %max3A_630 = arith.constant 1.000000e-16 : f32
      %max3A_631 = vector.broadcast %max3A_630 : f32 to vector<16xf32>
      %max3A_632 = arith.maximumf %scan3A_466#17, %max3A_631 : vector<16xf32>
      %div3A_633 = arith.divf %mul3A_629, %max3A_632 : vector<16xf32>
      %add3A_634 = arith.constant 128 : i32
      %add3A_635 = vector.broadcast %add3A_634 : i32 to vector<16xi32>
      %add3A_636 = arith.addi %add3A_635, %iota3A_404 : vector<16xi32>
      %lt3A_637 = arith.constant 136 : i32
      %lt3A_638 = vector.broadcast %lt3A_637 : i32 to vector<16xi32>
      %lt3A_639 = arith.cmpi slt, %add3A_636, %lt3A_638 : vector<16xi32>
      %jit3A_640 = arith.constant 0xFF800000 : f32
      %broadcast_in_dim3A_641 = vector.broadcast %jit3A_640 : f32 to vector<16xf32>
      %select_n3A_642 = arith.select %lt3A_639, %div3A_633, %broadcast_in_dim3A_641 : vector<16xi1>, vector<16xf32>
      %gt3A_643 = arith.cmpf ogt, %select_n3A_642, %select_n3A_624 : vector<16xf32>
      %select_n3A_644 = arith.select %gt3A_643, %select_n3A_642, %select_n3A_624 : vector<16xi1>, vector<16xf32>
      %add3A_645 = vector.broadcast %multiple_of3A_403 : i32 to vector<16xi32>
      %add3A_646 = arith.addi %add3A_645, %add3A_636 : vector<16xi32>
      %select_n3A_647 = arith.select %gt3A_643, %add3A_646, %select_n3A_627 : vector<16xi1>, vector<16xi32>
      %add3A_648 = arith.constant 4 : i32
      %add3A_649 = arith.addi %add3A_374, %add3A_648 : i32
      %lt3A_650 = arith.constant 8 : i32
      %lt3A_651 = arith.cmpi slt, %add3A_649, %lt3A_650 : i32
      %convert_element_type3A_652 = arith.extui %lt3A_651 : i1 to i32
      %cond3A_653 = arith.constant 0 : i32
      %cond3A_654 = arith.cmpi ne, %convert_element_type3A_652, %cond3A_653 : i32
      scf.if %cond3A_654 {
        %add3A_1223 = arith.constant 4 : i32
        %add3A_1224 = arith.addi %add3A_374, %add3A_1223 : i32
        %mul3A_1225 = arith.constant 32 : i32
        %mul3A_1226 = arith.muli %mul3A_1225, %add3A_1224 : i32
        %add3A_1227 = arith.addi %add3A, %mul3A_1226 : i32
        %mul3A_1228 = arith.constant 136 : i32
        %mul3A_1229 = arith.muli %add3A_1227, %mul3A_1228 : i32
        %add3A_1230 = arith.constant 65184 : i32
        %add3A_1231 = arith.addi %add3A_1230, %mul3A_1229 : i32
        %multiple_of3A_1232 = tpu.assume_multiple %add3A_1231, 8 : i32
        %dma_start3A_1233 = arith.constant 1 : i32
        %dma_start3A_1234 = arith.constant 0 : i32
        %dma_start3A_1235 = arith.constant 0 : i32
        %dma_start3A_1236 = tpu.memref_slice %arg7[%dma_start3A_1233, %dma_start3A_1234, %dma_start3A_1235] : memref<4x136x128xf32, #tpu.memory_space<vmem>> -> memref<1x136x128xf32, #tpu.memory_space<vmem>>
        %dma_start3A_1237 = tpu.memref_squeeze %dma_start3A_1236 : memref<1x136x128xf32, #tpu.memory_space<vmem>> -> memref<136x128xf32, #tpu.memory_space<vmem>>
        %dma_start3A_1238 = arith.constant 0 : i32
        %dma_start3A_1239 = tpu.memref_slice %arg3[%multiple_of3A_1232, %dma_start3A_1238] : memref<100000x128xf32, #tpu.memory_space<hbm>> -> memref<136x128xf32, #tpu.memory_space<hbm>>
        %dma_start3A_1240 = arith.constant 0 : i32
        %dma_start3A_1241 = arith.constant 0 : i32
        %dma_start3A_1242 = tpu.memref_slice %arg7[%dma_start3A_1233, %dma_start3A_1240, %dma_start3A_1241] : memref<4x136x128xf32, #tpu.memory_space<vmem>> -> memref<1x136x128xf32, #tpu.memory_space<vmem>>
        %dma_start3A_1243 = tpu.memref_squeeze %dma_start3A_1242 : memref<1x136x128xf32, #tpu.memory_space<vmem>> -> memref<136x128xf32, #tpu.memory_space<vmem>>
        %dma_start3A_1244 = arith.constant 0 : i32
        %dma_start3A_1245 = tpu.memref_slice %arg3[%multiple_of3A_1232, %dma_start3A_1244] : memref<100000x128xf32, #tpu.memory_space<hbm>> -> memref<136x128xf32, #tpu.memory_space<hbm>>
        tpu.enqueue_dma source(%dma_start3A_1245 : memref<136x128xf32, #tpu.memory_space<hbm>>) target(%dma_start3A_1243 : memref<136x128xf32, #tpu.memory_space<vmem>>) target_semaphore(%arg11 : memref<!tpu.dma_semaphore, #tpu.memory_space<semaphore_mem>>)
      } else {
      }
      %mul3A_655 = arith.constant 4 : i32
      %mul3A_656 = arith.muli %mul3A_655, %scan3A_96 : i32
      %add3A_657 = arith.constant 2 : i32
      %add3A_658 = arith.addi %mul3A_656, %add3A_657 : i32
      %mul3A_659 = arith.constant 32 : i32
      %mul3A_660 = arith.muli %mul3A_659, %add3A_658 : i32
      %add3A_661 = arith.addi %add3A, %mul3A_660 : i32
      %mul3A_662 = arith.constant 136 : i32
      %mul3A_663 = arith.muli %add3A_661, %mul3A_662 : i32
      %add3A_664 = arith.constant 65184 : i32
      %add3A_665 = arith.addi %add3A_664, %mul3A_663 : i32
      %multiple_of3A_666 = tpu.assume_multiple %add3A_665, 8 : i32
      %dma_wait3A_667 = arith.constant 2 : i32
      %dma_wait3A_668 = arith.constant 0 : i32
      %dma_wait3A_669 = arith.constant 0 : i32
      %dma_wait3A_670 = tpu.memref_slice %arg7[%dma_wait3A_667, %dma_wait3A_668, %dma_wait3A_669] : memref<4x136x128xf32, #tpu.memory_space<vmem>> -> memref<1x136x128xf32, #tpu.memory_space<vmem>>
      %dma_wait3A_671 = tpu.memref_squeeze %dma_wait3A_670 : memref<1x136x128xf32, #tpu.memory_space<vmem>> -> memref<136x128xf32, #tpu.memory_space<vmem>>
      %dma_wait3A_672 = arith.constant 0 : i32
      %dma_wait3A_673 = tpu.memref_slice %arg3[%multiple_of3A_666, %dma_wait3A_672] : memref<100000x128xf32, #tpu.memory_space<hbm>> -> memref<136x128xf32, #tpu.memory_space<hbm>>
      %dma_wait3A_674 = arith.constant 0 : i32
      %dma_wait3A_675 = arith.constant 0 : i32
      %dma_wait3A_676 = tpu.memref_slice %arg7[%dma_wait3A_667, %dma_wait3A_674, %dma_wait3A_675] : memref<4x136x128xf32, #tpu.memory_space<vmem>> -> memref<1x136x128xf32, #tpu.memory_space<vmem>>
      %dma_wait3A_677 = tpu.memref_squeeze %dma_wait3A_676 : memref<1x136x128xf32, #tpu.memory_space<vmem>> -> memref<136x128xf32, #tpu.memory_space<vmem>>
      %dma_wait3A_678 = arith.constant 0 : i32
      %dma_wait3A_679 = tpu.memref_slice %arg3[%multiple_of3A_666, %dma_wait3A_678] : memref<100000x128xf32, #tpu.memory_space<hbm>> -> memref<136x128xf32, #tpu.memory_space<hbm>>
      tpu.wait_dma2 semaphore(%arg12 : memref<!tpu.dma_semaphore, #tpu.memory_space<semaphore_mem>>) src(%dma_wait3A_679 : memref<136x128xf32, #tpu.memory_space<hbm>>) dst(%dma_wait3A_677 : memref<136x128xf32, #tpu.memory_space<vmem>>)
      %mul3A_680 = arith.constant 32 : i32
      %mul3A_681 = arith.muli %mul3A_680, %add3A_658 : i32
      %add3A_682 = arith.addi %add3A, %mul3A_681 : i32
      %mul3A_683 = arith.constant 136 : i32
      %mul3A_684 = arith.muli %add3A_682, %mul3A_683 : i32
      %add3A_685 = arith.constant 65184 : i32
      %add3A_686 = arith.addi %add3A_685, %mul3A_684 : i32
      %multiple_of3A_687 = tpu.assume_multiple %add3A_686, 8 : i32
      %iota3A_688 = tpu.iota {dimensions = array<i32: 0>} : vector<16xi32>
      %add3A_689 = arith.constant 0 : i32
      %add3A_690 = vector.broadcast %add3A_689 : i32 to vector<16xi32>
      %add3A_691 = arith.addi %add3A_690, %iota3A_688 : vector<16xi32>
      %min3A_692 = arith.constant 135 : i32
      %min3A_693 = vector.broadcast %min3A_692 : i32 to vector<16xi32>
      %min3A_694 = arith.minsi %add3A_691, %min3A_693 : vector<16xi32>
      %add3A_695 = arith.constant 16 : i32
      %add3A_696 = vector.broadcast %add3A_695 : i32 to vector<16xi32>
      %add3A_697 = arith.addi %add3A_696, %iota3A_688 : vector<16xi32>
      %min3A_698 = arith.constant 135 : i32
      %min3A_699 = vector.broadcast %min3A_698 : i32 to vector<16xi32>
      %min3A_700 = arith.minsi %add3A_697, %min3A_699 : vector<16xi32>
      %add3A_701 = arith.constant 32 : i32
      %add3A_702 = vector.broadcast %add3A_701 : i32 to vector<16xi32>
      %add3A_703 = arith.addi %add3A_702, %iota3A_688 : vector<16xi32>
      %min3A_704 = arith.constant 135 : i32
      %min3A_705 = vector.broadcast %min3A_704 : i32 to vector<16xi32>
      %min3A_706 = arith.minsi %add3A_703, %min3A_705 : vector<16xi32>
      %add3A_707 = arith.constant 48 : i32
      %add3A_708 = vector.broadcast %add3A_707 : i32 to vector<16xi32>
      %add3A_709 = arith.addi %add3A_708, %iota3A_688 : vector<16xi32>
      %min3A_710 = arith.constant 135 : i32
      %min3A_711 = vector.broadcast %min3A_710 : i32 to vector<16xi32>
      %min3A_712 = arith.minsi %add3A_709, %min3A_711 : vector<16xi32>
      %add3A_713 = arith.constant 64 : i32
      %add3A_714 = vector.broadcast %add3A_713 : i32 to vector<16xi32>
      %add3A_715 = arith.addi %add3A_714, %iota3A_688 : vector<16xi32>
      %min3A_716 = arith.constant 135 : i32
      %min3A_717 = vector.broadcast %min3A_716 : i32 to vector<16xi32>
      %min3A_718 = arith.minsi %add3A_715, %min3A_717 : vector<16xi32>
      %add3A_719 = arith.constant 80 : i32
      %add3A_720 = vector.broadcast %add3A_719 : i32 to vector<16xi32>
      %add3A_721 = arith.addi %add3A_720, %iota3A_688 : vector<16xi32>
      %min3A_722 = arith.constant 135 : i32
      %min3A_723 = vector.broadcast %min3A_722 : i32 to vector<16xi32>
      %min3A_724 = arith.minsi %add3A_721, %min3A_723 : vector<16xi32>
      %add3A_725 = arith.constant 96 : i32
      %add3A_726 = vector.broadcast %add3A_725 : i32 to vector<16xi32>
      %add3A_727 = arith.addi %add3A_726, %iota3A_688 : vector<16xi32>
      %min3A_728 = arith.constant 135 : i32
      %min3A_729 = vector.broadcast %min3A_728 : i32 to vector<16xi32>
      %min3A_730 = arith.minsi %add3A_727, %min3A_729 : vector<16xi32>
      %add3A_731 = arith.constant 112 : i32
      %add3A_732 = vector.broadcast %add3A_731 : i32 to vector<16xi32>
      %add3A_733 = arith.addi %add3A_732, %iota3A_688 : vector<16xi32>
      %min3A_734 = arith.constant 135 : i32
      %min3A_735 = vector.broadcast %min3A_734 : i32 to vector<16xi32>
      %min3A_736 = arith.minsi %add3A_733, %min3A_735 : vector<16xi32>
      %add3A_737 = arith.constant 128 : i32
      %add3A_738 = vector.broadcast %add3A_737 : i32 to vector<16xi32>
      %add3A_739 = arith.addi %add3A_738, %iota3A_688 : vector<16xi32>
      %min3A_740 = arith.constant 135 : i32
      %min3A_741 = vector.broadcast %min3A_740 : i32 to vector<16xi32>
      %min3A_742 = arith.minsi %add3A_739, %min3A_741 : vector<16xi32>
      %broadcast_in_dim3A_743 = arith.constant 0.000000e+00 : f32
      %broadcast_in_dim3A_744 = vector.broadcast %broadcast_in_dim3A_743 : f32 to vector<16xf32>
      %scan3A_745 = arith.constant 2 : i32
      %scan3A_746 = arith.constant 0 : i32
      %scan3A_747 = arith.constant 128 : i32
      %scan3A_748 = arith.addi %scan3A_746, %scan3A_747 : i32
      %scan3A_749 = arith.constant 1 : i32
      %scan3A_750:18 = scf.for %scan3A_1223 = %scan3A_746 to %scan3A_748 step %scan3A_749 iter_args(%scan3A_1224 = %broadcast_in_dim3A_744, %scan3A_1225 = %broadcast_in_dim3A_744, %scan3A_1226 = %broadcast_in_dim3A_744, %scan3A_1227 = %broadcast_in_dim3A_744, %scan3A_1228 = %broadcast_in_dim3A_744, %scan3A_1229 = %broadcast_in_dim3A_744, %scan3A_1230 = %broadcast_in_dim3A_744, %scan3A_1231 = %broadcast_in_dim3A_744, %scan3A_1232 = %broadcast_in_dim3A_744, %scan3A_1233 = %broadcast_in_dim3A_744, %scan3A_1234 = %broadcast_in_dim3A_744, %scan3A_1235 = %broadcast_in_dim3A_744, %scan3A_1236 = %broadcast_in_dim3A_744, %scan3A_1237 = %broadcast_in_dim3A_744, %scan3A_1238 = %broadcast_in_dim3A_744, %scan3A_1239 = %broadcast_in_dim3A_744, %scan3A_1240 = %broadcast_in_dim3A_744, %scan3A_1241 = %broadcast_in_dim3A_744) -> (vector<16xf32>, vector<16xf32>, vector<16xf32>, vector<16xf32>, vector<16xf32>, vector<16xf32>, vector<16xf32>, vector<16xf32>, vector<16xf32>, vector<16xf32>, vector<16xf32>, vector<16xf32>, vector<16xf32>, vector<16xf32>, vector<16xf32>, vector<16xf32>, vector<16xf32>, vector<16xf32>)  : i32 {
        %get3A_1242 = arith.index_cast %scan3A_1223 : i32 to index
        %get3A_1243 = tpu.vector_load %arg6[%get3A_1242] {strides = array<i32>} : memref<144xf32, #tpu.memory_space<vmem>>, vector<16xf32>,
        %add3A_1244 = vector.broadcast %scan3A_1223 : i32 to vector<16xi32>
        %add3A_1245 = arith.addi %iota3A_688, %add3A_1244 : vector<16xi32>
        %ge3A = arith.constant 128 : i32
        %ge3A_1246 = vector.broadcast %ge3A : i32 to vector<16xi32>
        %ge3A_1247 = arith.cmpi sge, %add3A_1245, %ge3A_1246 : vector<16xi32>
        %sub3A = arith.constant 128 : i32
        %sub3A_1248 = vector.broadcast %sub3A : i32 to vector<16xi32>
        %sub3A_1249 = arith.subi %add3A_1245, %sub3A_1248 : vector<16xi32>
        %select_n3A_1250 = arith.select %ge3A_1247, %sub3A_1249, %add3A_1245 : vector<16xi1>, vector<16xi32>
        %gather3A = arith.constant 0 : i32
        %gather3A_1251 = arith.constant 0 : i32
        %gather3A_1252 = tpu.memref_slice %arg7[%scan3A_745, %gather3A, %gather3A_1251] : memref<4x136x128xf32, #tpu.memory_space<vmem>> -> memref<1x136x128xf32, #tpu.memory_space<vmem>>
        %gather3A_1253 = tpu.memref_squeeze %gather3A_1252 : memref<1x136x128xf32, #tpu.memory_space<vmem>> -> memref<136x128xf32, #tpu.memory_space<vmem>>
        %gather3A_1254 = tpu.vector_load_idx %gather3A_1253[%min3A_694, %select_n3A_1250] : memref<136x128xf32, #tpu.memory_space<vmem>>[vector<16xi32>, vector<16xi32>], vector<16xf32>,
        %mul3A_1255 = arith.mulf %gather3A_1254, %get3A_1243 : vector<16xf32>
        %add3A_1256 = arith.addf %scan3A_1224, %mul3A_1255 : vector<16xf32>
        %mul3A_1257 = arith.mulf %gather3A_1254, %gather3A_1254 : vector<16xf32>
        %add3A_1258 = arith.addf %scan3A_1225, %mul3A_1257 : vector<16xf32>
        %gather3A_1259 = arith.constant 0 : i32
        %gather3A_1260 = arith.constant 0 : i32
        %gather3A_1261 = tpu.memref_slice %arg7[%scan3A_745, %gather3A_1259, %gather3A_1260] : memref<4x136x128xf32, #tpu.memory_space<vmem>> -> memref<1x136x128xf32, #tpu.memory_space<vmem>>
        %gather3A_1262 = tpu.memref_squeeze %gather3A_1261 : memref<1x136x128xf32, #tpu.memory_space<vmem>> -> memref<136x128xf32, #tpu.memory_space<vmem>>
        %gather3A_1263 = tpu.vector_load_idx %gather3A_1262[%min3A_700, %select_n3A_1250] : memref<136x128xf32, #tpu.memory_space<vmem>>[vector<16xi32>, vector<16xi32>], vector<16xf32>,
        %mul3A_1264 = arith.mulf %gather3A_1263, %get3A_1243 : vector<16xf32>
        %add3A_1265 = arith.addf %scan3A_1226, %mul3A_1264 : vector<16xf32>
        %mul3A_1266 = arith.mulf %gather3A_1263, %gather3A_1263 : vector<16xf32>
        %add3A_1267 = arith.addf %scan3A_1227, %mul3A_1266 : vector<16xf32>
        %gather3A_1268 = arith.constant 0 : i32
        %gather3A_1269 = arith.constant 0 : i32
        %gather3A_1270 = tpu.memref_slice %arg7[%scan3A_745, %gather3A_1268, %gather3A_1269] : memref<4x136x128xf32, #tpu.memory_space<vmem>> -> memref<1x136x128xf32, #tpu.memory_space<vmem>>
        %gather3A_1271 = tpu.memref_squeeze %gather3A_1270 : memref<1x136x128xf32, #tpu.memory_space<vmem>> -> memref<136x128xf32, #tpu.memory_space<vmem>>
        %gather3A_1272 = tpu.vector_load_idx %gather3A_1271[%min3A_706, %select_n3A_1250] : memref<136x128xf32, #tpu.memory_space<vmem>>[vector<16xi32>, vector<16xi32>], vector<16xf32>,
        %mul3A_1273 = arith.mulf %gather3A_1272, %get3A_1243 : vector<16xf32>
        %add3A_1274 = arith.addf %scan3A_1228, %mul3A_1273 : vector<16xf32>
        %mul3A_1275 = arith.mulf %gather3A_1272, %gather3A_1272 : vector<16xf32>
        %add3A_1276 = arith.addf %scan3A_1229, %mul3A_1275 : vector<16xf32>
        %gather3A_1277 = arith.constant 0 : i32
        %gather3A_1278 = arith.constant 0 : i32
        %gather3A_1279 = tpu.memref_slice %arg7[%scan3A_745, %gather3A_1277, %gather3A_1278] : memref<4x136x128xf32, #tpu.memory_space<vmem>> -> memref<1x136x128xf32, #tpu.memory_space<vmem>>
        %gather3A_1280 = tpu.memref_squeeze %gather3A_1279 : memref<1x136x128xf32, #tpu.memory_space<vmem>> -> memref<136x128xf32, #tpu.memory_space<vmem>>
        %gather3A_1281 = tpu.vector_load_idx %gather3A_1280[%min3A_712, %select_n3A_1250] : memref<136x128xf32, #tpu.memory_space<vmem>>[vector<16xi32>, vector<16xi32>], vector<16xf32>,
        %mul3A_1282 = arith.mulf %gather3A_1281, %get3A_1243 : vector<16xf32>
        %add3A_1283 = arith.addf %scan3A_1230, %mul3A_1282 : vector<16xf32>
        %mul3A_1284 = arith.mulf %gather3A_1281, %gather3A_1281 : vector<16xf32>
        %add3A_1285 = arith.addf %scan3A_1231, %mul3A_1284 : vector<16xf32>
        %gather3A_1286 = arith.constant 0 : i32
        %gather3A_1287 = arith.constant 0 : i32
        %gather3A_1288 = tpu.memref_slice %arg7[%scan3A_745, %gather3A_1286, %gather3A_1287] : memref<4x136x128xf32, #tpu.memory_space<vmem>> -> memref<1x136x128xf32, #tpu.memory_space<vmem>>
        %gather3A_1289 = tpu.memref_squeeze %gather3A_1288 : memref<1x136x128xf32, #tpu.memory_space<vmem>> -> memref<136x128xf32, #tpu.memory_space<vmem>>
        %gather3A_1290 = tpu.vector_load_idx %gather3A_1289[%min3A_718, %select_n3A_1250] : memref<136x128xf32, #tpu.memory_space<vmem>>[vector<16xi32>, vector<16xi32>], vector<16xf32>,
        %mul3A_1291 = arith.mulf %gather3A_1290, %get3A_1243 : vector<16xf32>
        %add3A_1292 = arith.addf %scan3A_1232, %mul3A_1291 : vector<16xf32>
        %mul3A_1293 = arith.mulf %gather3A_1290, %gather3A_1290 : vector<16xf32>
        %add3A_1294 = arith.addf %scan3A_1233, %mul3A_1293 : vector<16xf32>
        %gather3A_1295 = arith.constant 0 : i32
        %gather3A_1296 = arith.constant 0 : i32
        %gather3A_1297 = tpu.memref_slice %arg7[%scan3A_745, %gather3A_1295, %gather3A_1296] : memref<4x136x128xf32, #tpu.memory_space<vmem>> -> memref<1x136x128xf32, #tpu.memory_space<vmem>>
        %gather3A_1298 = tpu.memref_squeeze %gather3A_1297 : memref<1x136x128xf32, #tpu.memory_space<vmem>> -> memref<136x128xf32, #tpu.memory_space<vmem>>
        %gather3A_1299 = tpu.vector_load_idx %gather3A_1298[%min3A_724, %select_n3A_1250] : memref<136x128xf32, #tpu.memory_space<vmem>>[vector<16xi32>, vector<16xi32>], vector<16xf32>,
        %mul3A_1300 = arith.mulf %gather3A_1299, %get3A_1243 : vector<16xf32>
        %add3A_1301 = arith.addf %scan3A_1234, %mul3A_1300 : vector<16xf32>
        %mul3A_1302 = arith.mulf %gather3A_1299, %gather3A_1299 : vector<16xf32>
        %add3A_1303 = arith.addf %scan3A_1235, %mul3A_1302 : vector<16xf32>
        %gather3A_1304 = arith.constant 0 : i32
        %gather3A_1305 = arith.constant 0 : i32
        %gather3A_1306 = tpu.memref_slice %arg7[%scan3A_745, %gather3A_1304, %gather3A_1305] : memref<4x136x128xf32, #tpu.memory_space<vmem>> -> memref<1x136x128xf32, #tpu.memory_space<vmem>>
        %gather3A_1307 = tpu.memref_squeeze %gather3A_1306 : memref<1x136x128xf32, #tpu.memory_space<vmem>> -> memref<136x128xf32, #tpu.memory_space<vmem>>
        %gather3A_1308 = tpu.vector_load_idx %gather3A_1307[%min3A_730, %select_n3A_1250] : memref<136x128xf32, #tpu.memory_space<vmem>>[vector<16xi32>, vector<16xi32>], vector<16xf32>,
        %mul3A_1309 = arith.mulf %gather3A_1308, %get3A_1243 : vector<16xf32>
        %add3A_1310 = arith.addf %scan3A_1236, %mul3A_1309 : vector<16xf32>
        %mul3A_1311 = arith.mulf %gather3A_1308, %gather3A_1308 : vector<16xf32>
        %add3A_1312 = arith.addf %scan3A_1237, %mul3A_1311 : vector<16xf32>
        %gather3A_1313 = arith.constant 0 : i32
        %gather3A_1314 = arith.constant 0 : i32
        %gather3A_1315 = tpu.memref_slice %arg7[%scan3A_745, %gather3A_1313, %gather3A_1314] : memref<4x136x128xf32, #tpu.memory_space<vmem>> -> memref<1x136x128xf32, #tpu.memory_space<vmem>>
        %gather3A_1316 = tpu.memref_squeeze %gather3A_1315 : memref<1x136x128xf32, #tpu.memory_space<vmem>> -> memref<136x128xf32, #tpu.memory_space<vmem>>
        %gather3A_1317 = tpu.vector_load_idx %gather3A_1316[%min3A_736, %select_n3A_1250] : memref<136x128xf32, #tpu.memory_space<vmem>>[vector<16xi32>, vector<16xi32>], vector<16xf32>,
        %mul3A_1318 = arith.mulf %gather3A_1317, %get3A_1243 : vector<16xf32>
        %add3A_1319 = arith.addf %scan3A_1238, %mul3A_1318 : vector<16xf32>
        %mul3A_1320 = arith.mulf %gather3A_1317, %gather3A_1317 : vector<16xf32>
        %add3A_1321 = arith.addf %scan3A_1239, %mul3A_1320 : vector<16xf32>
        %gather3A_1322 = arith.constant 0 : i32
        %gather3A_1323 = arith.constant 0 : i32
        %gather3A_1324 = tpu.memref_slice %arg7[%scan3A_745, %gather3A_1322, %gather3A_1323] : memref<4x136x128xf32, #tpu.memory_space<vmem>> -> memref<1x136x128xf32, #tpu.memory_space<vmem>>
        %gather3A_1325 = tpu.memref_squeeze %gather3A_1324 : memref<1x136x128xf32, #tpu.memory_space<vmem>> -> memref<136x128xf32, #tpu.memory_space<vmem>>
        %gather3A_1326 = tpu.vector_load_idx %gather3A_1325[%min3A_742, %select_n3A_1250] : memref<136x128xf32, #tpu.memory_space<vmem>>[vector<16xi32>, vector<16xi32>], vector<16xf32>,
        %mul3A_1327 = arith.mulf %gather3A_1326, %get3A_1243 : vector<16xf32>
        %add3A_1328 = arith.addf %scan3A_1240, %mul3A_1327 : vector<16xf32>
        %mul3A_1329 = arith.mulf %gather3A_1326, %gather3A_1326 : vector<16xf32>
        %add3A_1330 = arith.addf %scan3A_1241, %mul3A_1329 : vector<16xf32>
        scf.yield %add3A_1256, %add3A_1258, %add3A_1265, %add3A_1267, %add3A_1274, %add3A_1276, %add3A_1283, %add3A_1285, %add3A_1292, %add3A_1294, %add3A_1301, %add3A_1303, %add3A_1310, %add3A_1312, %add3A_1319, %add3A_1321, %add3A_1328, %add3A_1330 : vector<16xf32>, vector<16xf32>, vector<16xf32>, vector<16xf32>, vector<16xf32>, vector<16xf32>, vector<16xf32>, vector<16xf32>, vector<16xf32>, vector<16xf32>, vector<16xf32>, vector<16xf32>, vector<16xf32>, vector<16xf32>, vector<16xf32>, vector<16xf32>, vector<16xf32>, vector<16xf32>
      }
      %scan3A_751 = arith.constant 128 : i32
      %abs3A_752 = math.absf %scan3A_750#0 : vector<16xf32>
      %mul3A_753 = arith.mulf %scan3A_750#0, %abs3A_752 : vector<16xf32>
      %max3A_754 = arith.constant 1.000000e-16 : f32
      %max3A_755 = vector.broadcast %max3A_754 : f32 to vector<16xf32>
      %max3A_756 = arith.maximumf %scan3A_750#1, %max3A_755 : vector<16xf32>
      %div3A_757 = arith.divf %mul3A_753, %max3A_756 : vector<16xf32>
      %add3A_758 = arith.constant 0 : i32
      %add3A_759 = vector.broadcast %add3A_758 : i32 to vector<16xi32>
      %add3A_760 = arith.addi %add3A_759, %iota3A_688 : vector<16xi32>
      %lt3A_761 = arith.constant 136 : i32
      %lt3A_762 = vector.broadcast %lt3A_761 : i32 to vector<16xi32>
      %lt3A_763 = arith.cmpi slt, %add3A_760, %lt3A_762 : vector<16xi32>
      %jit3A_764 = arith.constant 0xFF800000 : f32
      %broadcast_in_dim3A_765 = vector.broadcast %jit3A_764 : f32 to vector<16xf32>
      %select_n3A_766 = arith.select %lt3A_763, %div3A_757, %broadcast_in_dim3A_765 : vector<16xi1>, vector<16xf32>
      %gt3A_767 = arith.cmpf ogt, %select_n3A_766, %select_n3A_644 : vector<16xf32>
      %select_n3A_768 = arith.select %gt3A_767, %select_n3A_766, %select_n3A_644 : vector<16xi1>, vector<16xf32>
      %add3A_769 = vector.broadcast %multiple_of3A_687 : i32 to vector<16xi32>
      %add3A_770 = arith.addi %add3A_769, %add3A_760 : vector<16xi32>
      %select_n3A_771 = arith.select %gt3A_767, %add3A_770, %select_n3A_647 : vector<16xi1>, vector<16xi32>
      %abs3A_772 = math.absf %scan3A_750#2 : vector<16xf32>
      %mul3A_773 = arith.mulf %scan3A_750#2, %abs3A_772 : vector<16xf32>
      %max3A_774 = arith.constant 1.000000e-16 : f32
      %max3A_775 = vector.broadcast %max3A_774 : f32 to vector<16xf32>
      %max3A_776 = arith.maximumf %scan3A_750#3, %max3A_775 : vector<16xf32>
      %div3A_777 = arith.divf %mul3A_773, %max3A_776 : vector<16xf32>
      %add3A_778 = arith.constant 16 : i32
      %add3A_779 = vector.broadcast %add3A_778 : i32 to vector<16xi32>
      %add3A_780 = arith.addi %add3A_779, %iota3A_688 : vector<16xi32>
      %lt3A_781 = arith.constant 136 : i32
      %lt3A_782 = vector.broadcast %lt3A_781 : i32 to vector<16xi32>
      %lt3A_783 = arith.cmpi slt, %add3A_780, %lt3A_782 : vector<16xi32>
      %jit3A_784 = arith.constant 0xFF800000 : f32
      %broadcast_in_dim3A_785 = vector.broadcast %jit3A_784 : f32 to vector<16xf32>
      %select_n3A_786 = arith.select %lt3A_783, %div3A_777, %broadcast_in_dim3A_785 : vector<16xi1>, vector<16xf32>
      %gt3A_787 = arith.cmpf ogt, %select_n3A_786, %select_n3A_768 : vector<16xf32>
      %select_n3A_788 = arith.select %gt3A_787, %select_n3A_786, %select_n3A_768 : vector<16xi1>, vector<16xf32>
      %add3A_789 = vector.broadcast %multiple_of3A_687 : i32 to vector<16xi32>
      %add3A_790 = arith.addi %add3A_789, %add3A_780 : vector<16xi32>
      %select_n3A_791 = arith.select %gt3A_787, %add3A_790, %select_n3A_771 : vector<16xi1>, vector<16xi32>
      %abs3A_792 = math.absf %scan3A_750#4 : vector<16xf32>
      %mul3A_793 = arith.mulf %scan3A_750#4, %abs3A_792 : vector<16xf32>
      %max3A_794 = arith.constant 1.000000e-16 : f32
      %max3A_795 = vector.broadcast %max3A_794 : f32 to vector<16xf32>
      %max3A_796 = arith.maximumf %scan3A_750#5, %max3A_795 : vector<16xf32>
      %div3A_797 = arith.divf %mul3A_793, %max3A_796 : vector<16xf32>
      %add3A_798 = arith.constant 32 : i32
      %add3A_799 = vector.broadcast %add3A_798 : i32 to vector<16xi32>
      %add3A_800 = arith.addi %add3A_799, %iota3A_688 : vector<16xi32>
      %lt3A_801 = arith.constant 136 : i32
      %lt3A_802 = vector.broadcast %lt3A_801 : i32 to vector<16xi32>
      %lt3A_803 = arith.cmpi slt, %add3A_800, %lt3A_802 : vector<16xi32>
      %jit3A_804 = arith.constant 0xFF800000 : f32
      %broadcast_in_dim3A_805 = vector.broadcast %jit3A_804 : f32 to vector<16xf32>
      %select_n3A_806 = arith.select %lt3A_803, %div3A_797, %broadcast_in_dim3A_805 : vector<16xi1>, vector<16xf32>
      %gt3A_807 = arith.cmpf ogt, %select_n3A_806, %select_n3A_788 : vector<16xf32>
      %select_n3A_808 = arith.select %gt3A_807, %select_n3A_806, %select_n3A_788 : vector<16xi1>, vector<16xf32>
      %add3A_809 = vector.broadcast %multiple_of3A_687 : i32 to vector<16xi32>
      %add3A_810 = arith.addi %add3A_809, %add3A_800 : vector<16xi32>
      %select_n3A_811 = arith.select %gt3A_807, %add3A_810, %select_n3A_791 : vector<16xi1>, vector<16xi32>
      %abs3A_812 = math.absf %scan3A_750#6 : vector<16xf32>
      %mul3A_813 = arith.mulf %scan3A_750#6, %abs3A_812 : vector<16xf32>
      %max3A_814 = arith.constant 1.000000e-16 : f32
      %max3A_815 = vector.broadcast %max3A_814 : f32 to vector<16xf32>
      %max3A_816 = arith.maximumf %scan3A_750#7, %max3A_815 : vector<16xf32>
      %div3A_817 = arith.divf %mul3A_813, %max3A_816 : vector<16xf32>
      %add3A_818 = arith.constant 48 : i32
      %add3A_819 = vector.broadcast %add3A_818 : i32 to vector<16xi32>
      %add3A_820 = arith.addi %add3A_819, %iota3A_688 : vector<16xi32>
      %lt3A_821 = arith.constant 136 : i32
      %lt3A_822 = vector.broadcast %lt3A_821 : i32 to vector<16xi32>
      %lt3A_823 = arith.cmpi slt, %add3A_820, %lt3A_822 : vector<16xi32>
      %jit3A_824 = arith.constant 0xFF800000 : f32
      %broadcast_in_dim3A_825 = vector.broadcast %jit3A_824 : f32 to vector<16xf32>
      %select_n3A_826 = arith.select %lt3A_823, %div3A_817, %broadcast_in_dim3A_825 : vector<16xi1>, vector<16xf32>
      %gt3A_827 = arith.cmpf ogt, %select_n3A_826, %select_n3A_808 : vector<16xf32>
      %select_n3A_828 = arith.select %gt3A_827, %select_n3A_826, %select_n3A_808 : vector<16xi1>, vector<16xf32>
      %add3A_829 = vector.broadcast %multiple_of3A_687 : i32 to vector<16xi32>
      %add3A_830 = arith.addi %add3A_829, %add3A_820 : vector<16xi32>
      %select_n3A_831 = arith.select %gt3A_827, %add3A_830, %select_n3A_811 : vector<16xi1>, vector<16xi32>
      %abs3A_832 = math.absf %scan3A_750#8 : vector<16xf32>
      %mul3A_833 = arith.mulf %scan3A_750#8, %abs3A_832 : vector<16xf32>
      %max3A_834 = arith.constant 1.000000e-16 : f32
      %max3A_835 = vector.broadcast %max3A_834 : f32 to vector<16xf32>
      %max3A_836 = arith.maximumf %scan3A_750#9, %max3A_835 : vector<16xf32>
      %div3A_837 = arith.divf %mul3A_833, %max3A_836 : vector<16xf32>
      %add3A_838 = arith.constant 64 : i32
      %add3A_839 = vector.broadcast %add3A_838 : i32 to vector<16xi32>
      %add3A_840 = arith.addi %add3A_839, %iota3A_688 : vector<16xi32>
      %lt3A_841 = arith.constant 136 : i32
      %lt3A_842 = vector.broadcast %lt3A_841 : i32 to vector<16xi32>
      %lt3A_843 = arith.cmpi slt, %add3A_840, %lt3A_842 : vector<16xi32>
      %jit3A_844 = arith.constant 0xFF800000 : f32
      %broadcast_in_dim3A_845 = vector.broadcast %jit3A_844 : f32 to vector<16xf32>
      %select_n3A_846 = arith.select %lt3A_843, %div3A_837, %broadcast_in_dim3A_845 : vector<16xi1>, vector<16xf32>
      %gt3A_847 = arith.cmpf ogt, %select_n3A_846, %select_n3A_828 : vector<16xf32>
      %select_n3A_848 = arith.select %gt3A_847, %select_n3A_846, %select_n3A_828 : vector<16xi1>, vector<16xf32>
      %add3A_849 = vector.broadcast %multiple_of3A_687 : i32 to vector<16xi32>
      %add3A_850 = arith.addi %add3A_849, %add3A_840 : vector<16xi32>
      %select_n3A_851 = arith.select %gt3A_847, %add3A_850, %select_n3A_831 : vector<16xi1>, vector<16xi32>
      %abs3A_852 = math.absf %scan3A_750#10 : vector<16xf32>
      %mul3A_853 = arith.mulf %scan3A_750#10, %abs3A_852 : vector<16xf32>
      %max3A_854 = arith.constant 1.000000e-16 : f32
      %max3A_855 = vector.broadcast %max3A_854 : f32 to vector<16xf32>
      %max3A_856 = arith.maximumf %scan3A_750#11, %max3A_855 : vector<16xf32>
      %div3A_857 = arith.divf %mul3A_853, %max3A_856 : vector<16xf32>
      %add3A_858 = arith.constant 80 : i32
      %add3A_859 = vector.broadcast %add3A_858 : i32 to vector<16xi32>
      %add3A_860 = arith.addi %add3A_859, %iota3A_688 : vector<16xi32>
      %lt3A_861 = arith.constant 136 : i32
      %lt3A_862 = vector.broadcast %lt3A_861 : i32 to vector<16xi32>
      %lt3A_863 = arith.cmpi slt, %add3A_860, %lt3A_862 : vector<16xi32>
      %jit3A_864 = arith.constant 0xFF800000 : f32
      %broadcast_in_dim3A_865 = vector.broadcast %jit3A_864 : f32 to vector<16xf32>
      %select_n3A_866 = arith.select %lt3A_863, %div3A_857, %broadcast_in_dim3A_865 : vector<16xi1>, vector<16xf32>
      %gt3A_867 = arith.cmpf ogt, %select_n3A_866, %select_n3A_848 : vector<16xf32>
      %select_n3A_868 = arith.select %gt3A_867, %select_n3A_866, %select_n3A_848 : vector<16xi1>, vector<16xf32>
      %add3A_869 = vector.broadcast %multiple_of3A_687 : i32 to vector<16xi32>
      %add3A_870 = arith.addi %add3A_869, %add3A_860 : vector<16xi32>
      %select_n3A_871 = arith.select %gt3A_867, %add3A_870, %select_n3A_851 : vector<16xi1>, vector<16xi32>
      %abs3A_872 = math.absf %scan3A_750#12 : vector<16xf32>
      %mul3A_873 = arith.mulf %scan3A_750#12, %abs3A_872 : vector<16xf32>
      %max3A_874 = arith.constant 1.000000e-16 : f32
      %max3A_875 = vector.broadcast %max3A_874 : f32 to vector<16xf32>
      %max3A_876 = arith.maximumf %scan3A_750#13, %max3A_875 : vector<16xf32>
      %div3A_877 = arith.divf %mul3A_873, %max3A_876 : vector<16xf32>
      %add3A_878 = arith.constant 96 : i32
      %add3A_879 = vector.broadcast %add3A_878 : i32 to vector<16xi32>
      %add3A_880 = arith.addi %add3A_879, %iota3A_688 : vector<16xi32>
      %lt3A_881 = arith.constant 136 : i32
      %lt3A_882 = vector.broadcast %lt3A_881 : i32 to vector<16xi32>
      %lt3A_883 = arith.cmpi slt, %add3A_880, %lt3A_882 : vector<16xi32>
      %jit3A_884 = arith.constant 0xFF800000 : f32
      %broadcast_in_dim3A_885 = vector.broadcast %jit3A_884 : f32 to vector<16xf32>
      %select_n3A_886 = arith.select %lt3A_883, %div3A_877, %broadcast_in_dim3A_885 : vector<16xi1>, vector<16xf32>
      %gt3A_887 = arith.cmpf ogt, %select_n3A_886, %select_n3A_868 : vector<16xf32>
      %select_n3A_888 = arith.select %gt3A_887, %select_n3A_886, %select_n3A_868 : vector<16xi1>, vector<16xf32>
      %add3A_889 = vector.broadcast %multiple_of3A_687 : i32 to vector<16xi32>
      %add3A_890 = arith.addi %add3A_889, %add3A_880 : vector<16xi32>
      %select_n3A_891 = arith.select %gt3A_887, %add3A_890, %select_n3A_871 : vector<16xi1>, vector<16xi32>
      %abs3A_892 = math.absf %scan3A_750#14 : vector<16xf32>
      %mul3A_893 = arith.mulf %scan3A_750#14, %abs3A_892 : vector<16xf32>
      %max3A_894 = arith.constant 1.000000e-16 : f32
      %max3A_895 = vector.broadcast %max3A_894 : f32 to vector<16xf32>
      %max3A_896 = arith.maximumf %scan3A_750#15, %max3A_895 : vector<16xf32>
      %div3A_897 = arith.divf %mul3A_893, %max3A_896 : vector<16xf32>
      %add3A_898 = arith.constant 112 : i32
      %add3A_899 = vector.broadcast %add3A_898 : i32 to vector<16xi32>
      %add3A_900 = arith.addi %add3A_899, %iota3A_688 : vector<16xi32>
      %lt3A_901 = arith.constant 136 : i32
      %lt3A_902 = vector.broadcast %lt3A_901 : i32 to vector<16xi32>
      %lt3A_903 = arith.cmpi slt, %add3A_900, %lt3A_902 : vector<16xi32>
      %jit3A_904 = arith.constant 0xFF800000 : f32
      %broadcast_in_dim3A_905 = vector.broadcast %jit3A_904 : f32 to vector<16xf32>
      %select_n3A_906 = arith.select %lt3A_903, %div3A_897, %broadcast_in_dim3A_905 : vector<16xi1>, vector<16xf32>
      %gt3A_907 = arith.cmpf ogt, %select_n3A_906, %select_n3A_888 : vector<16xf32>
      %select_n3A_908 = arith.select %gt3A_907, %select_n3A_906, %select_n3A_888 : vector<16xi1>, vector<16xf32>
      %add3A_909 = vector.broadcast %multiple_of3A_687 : i32 to vector<16xi32>
      %add3A_910 = arith.addi %add3A_909, %add3A_900 : vector<16xi32>
      %select_n3A_911 = arith.select %gt3A_907, %add3A_910, %select_n3A_891 : vector<16xi1>, vector<16xi32>
      %abs3A_912 = math.absf %scan3A_750#16 : vector<16xf32>
      %mul3A_913 = arith.mulf %scan3A_750#16, %abs3A_912 : vector<16xf32>
      %max3A_914 = arith.constant 1.000000e-16 : f32
      %max3A_915 = vector.broadcast %max3A_914 : f32 to vector<16xf32>
      %max3A_916 = arith.maximumf %scan3A_750#17, %max3A_915 : vector<16xf32>
      %div3A_917 = arith.divf %mul3A_913, %max3A_916 : vector<16xf32>
      %add3A_918 = arith.constant 128 : i32
      %add3A_919 = vector.broadcast %add3A_918 : i32 to vector<16xi32>
      %add3A_920 = arith.addi %add3A_919, %iota3A_688 : vector<16xi32>
      %lt3A_921 = arith.constant 136 : i32
      %lt3A_922 = vector.broadcast %lt3A_921 : i32 to vector<16xi32>
      %lt3A_923 = arith.cmpi slt, %add3A_920, %lt3A_922 : vector<16xi32>
      %jit3A_924 = arith.constant 0xFF800000 : f32
      %broadcast_in_dim3A_925 = vector.broadcast %jit3A_924 : f32 to vector<16xf32>
      %select_n3A_926 = arith.select %lt3A_923, %div3A_917, %broadcast_in_dim3A_925 : vector<16xi1>, vector<16xf32>
      %gt3A_927 = arith.cmpf ogt, %select_n3A_926, %select_n3A_908 : vector<16xf32>
      %select_n3A_928 = arith.select %gt3A_927, %select_n3A_926, %select_n3A_908 : vector<16xi1>, vector<16xf32>
      %add3A_929 = vector.broadcast %multiple_of3A_687 : i32 to vector<16xi32>
      %add3A_930 = arith.addi %add3A_929, %add3A_920 : vector<16xi32>
      %select_n3A_931 = arith.select %gt3A_927, %add3A_930, %select_n3A_911 : vector<16xi1>, vector<16xi32>
      %add3A_932 = arith.constant 4 : i32
      %add3A_933 = arith.addi %add3A_658, %add3A_932 : i32
      %lt3A_934 = arith.constant 8 : i32
      %lt3A_935 = arith.cmpi slt, %add3A_933, %lt3A_934 : i32
      %convert_element_type3A_936 = arith.extui %lt3A_935 : i1 to i32
      %cond3A_937 = arith.constant 0 : i32
      %cond3A_938 = arith.cmpi ne, %convert_element_type3A_936, %cond3A_937 : i32
      scf.if %cond3A_938 {
        %add3A_1223 = arith.constant 4 : i32
        %add3A_1224 = arith.addi %add3A_658, %add3A_1223 : i32
        %mul3A_1225 = arith.constant 32 : i32
        %mul3A_1226 = arith.muli %mul3A_1225, %add3A_1224 : i32
        %add3A_1227 = arith.addi %add3A, %mul3A_1226 : i32
        %mul3A_1228 = arith.constant 136 : i32
        %mul3A_1229 = arith.muli %add3A_1227, %mul3A_1228 : i32
        %add3A_1230 = arith.constant 65184 : i32
        %add3A_1231 = arith.addi %add3A_1230, %mul3A_1229 : i32
        %multiple_of3A_1232 = tpu.assume_multiple %add3A_1231, 8 : i32
        %dma_start3A_1233 = arith.constant 2 : i32
        %dma_start3A_1234 = arith.constant 0 : i32
        %dma_start3A_1235 = arith.constant 0 : i32
        %dma_start3A_1236 = tpu.memref_slice %arg7[%dma_start3A_1233, %dma_start3A_1234, %dma_start3A_1235] : memref<4x136x128xf32, #tpu.memory_space<vmem>> -> memref<1x136x128xf32, #tpu.memory_space<vmem>>
        %dma_start3A_1237 = tpu.memref_squeeze %dma_start3A_1236 : memref<1x136x128xf32, #tpu.memory_space<vmem>> -> memref<136x128xf32, #tpu.memory_space<vmem>>
        %dma_start3A_1238 = arith.constant 0 : i32
        %dma_start3A_1239 = tpu.memref_slice %arg3[%multiple_of3A_1232, %dma_start3A_1238] : memref<100000x128xf32, #tpu.memory_space<hbm>> -> memref<136x128xf32, #tpu.memory_space<hbm>>
        %dma_start3A_1240 = arith.constant 0 : i32
        %dma_start3A_1241 = arith.constant 0 : i32
        %dma_start3A_1242 = tpu.memref_slice %arg7[%dma_start3A_1233, %dma_start3A_1240, %dma_start3A_1241] : memref<4x136x128xf32, #tpu.memory_space<vmem>> -> memref<1x136x128xf32, #tpu.memory_space<vmem>>
        %dma_start3A_1243 = tpu.memref_squeeze %dma_start3A_1242 : memref<1x136x128xf32, #tpu.memory_space<vmem>> -> memref<136x128xf32, #tpu.memory_space<vmem>>
        %dma_start3A_1244 = arith.constant 0 : i32
        %dma_start3A_1245 = tpu.memref_slice %arg3[%multiple_of3A_1232, %dma_start3A_1244] : memref<100000x128xf32, #tpu.memory_space<hbm>> -> memref<136x128xf32, #tpu.memory_space<hbm>>
        tpu.enqueue_dma source(%dma_start3A_1245 : memref<136x128xf32, #tpu.memory_space<hbm>>) target(%dma_start3A_1243 : memref<136x128xf32, #tpu.memory_space<vmem>>) target_semaphore(%arg12 : memref<!tpu.dma_semaphore, #tpu.memory_space<semaphore_mem>>)
      } else {
      }
      %mul3A_939 = arith.constant 4 : i32
      %mul3A_940 = arith.muli %mul3A_939, %scan3A_96 : i32
      %add3A_941 = arith.constant 3 : i32
      %add3A_942 = arith.addi %mul3A_940, %add3A_941 : i32
      %mul3A_943 = arith.constant 32 : i32
      %mul3A_944 = arith.muli %mul3A_943, %add3A_942 : i32
      %add3A_945 = arith.addi %add3A, %mul3A_944 : i32
      %mul3A_946 = arith.constant 136 : i32
      %mul3A_947 = arith.muli %add3A_945, %mul3A_946 : i32
      %add3A_948 = arith.constant 65184 : i32
      %add3A_949 = arith.addi %add3A_948, %mul3A_947 : i32
      %multiple_of3A_950 = tpu.assume_multiple %add3A_949, 8 : i32
      %dma_wait3A_951 = arith.constant 3 : i32
      %dma_wait3A_952 = arith.constant 0 : i32
      %dma_wait3A_953 = arith.constant 0 : i32
      %dma_wait3A_954 = tpu.memref_slice %arg7[%dma_wait3A_951, %dma_wait3A_952, %dma_wait3A_953] : memref<4x136x128xf32, #tpu.memory_space<vmem>> -> memref<1x136x128xf32, #tpu.memory_space<vmem>>
      %dma_wait3A_955 = tpu.memref_squeeze %dma_wait3A_954 : memref<1x136x128xf32, #tpu.memory_space<vmem>> -> memref<136x128xf32, #tpu.memory_space<vmem>>
      %dma_wait3A_956 = arith.constant 0 : i32
      %dma_wait3A_957 = tpu.memref_slice %arg3[%multiple_of3A_950, %dma_wait3A_956] : memref<100000x128xf32, #tpu.memory_space<hbm>> -> memref<136x128xf32, #tpu.memory_space<hbm>>
      %dma_wait3A_958 = arith.constant 0 : i32
      %dma_wait3A_959 = arith.constant 0 : i32
      %dma_wait3A_960 = tpu.memref_slice %arg7[%dma_wait3A_951, %dma_wait3A_958, %dma_wait3A_959] : memref<4x136x128xf32, #tpu.memory_space<vmem>> -> memref<1x136x128xf32, #tpu.memory_space<vmem>>
      %dma_wait3A_961 = tpu.memref_squeeze %dma_wait3A_960 : memref<1x136x128xf32, #tpu.memory_space<vmem>> -> memref<136x128xf32, #tpu.memory_space<vmem>>
      %dma_wait3A_962 = arith.constant 0 : i32
      %dma_wait3A_963 = tpu.memref_slice %arg3[%multiple_of3A_950, %dma_wait3A_962] : memref<100000x128xf32, #tpu.memory_space<hbm>> -> memref<136x128xf32, #tpu.memory_space<hbm>>
      tpu.wait_dma2 semaphore(%arg13 : memref<!tpu.dma_semaphore, #tpu.memory_space<semaphore_mem>>) src(%dma_wait3A_963 : memref<136x128xf32, #tpu.memory_space<hbm>>) dst(%dma_wait3A_961 : memref<136x128xf32, #tpu.memory_space<vmem>>)
      %mul3A_964 = arith.constant 32 : i32
      %mul3A_965 = arith.muli %mul3A_964, %add3A_942 : i32
      %add3A_966 = arith.addi %add3A, %mul3A_965 : i32
      %mul3A_967 = arith.constant 136 : i32
      %mul3A_968 = arith.muli %add3A_966, %mul3A_967 : i32
      %add3A_969 = arith.constant 65184 : i32
      %add3A_970 = arith.addi %add3A_969, %mul3A_968 : i32
      %multiple_of3A_971 = tpu.assume_multiple %add3A_970, 8 : i32
      %iota3A_972 = tpu.iota {dimensions = array<i32: 0>} : vector<16xi32>
      %add3A_973 = arith.constant 0 : i32
      %add3A_974 = vector.broadcast %add3A_973 : i32 to vector<16xi32>
      %add3A_975 = arith.addi %add3A_974, %iota3A_972 : vector<16xi32>
      %min3A_976 = arith.constant 135 : i32
      %min3A_977 = vector.broadcast %min3A_976 : i32 to vector<16xi32>
      %min3A_978 = arith.minsi %add3A_975, %min3A_977 : vector<16xi32>
      %add3A_979 = arith.constant 16 : i32
      %add3A_980 = vector.broadcast %add3A_979 : i32 to vector<16xi32>
      %add3A_981 = arith.addi %add3A_980, %iota3A_972 : vector<16xi32>
      %min3A_982 = arith.constant 135 : i32
      %min3A_983 = vector.broadcast %min3A_982 : i32 to vector<16xi32>
      %min3A_984 = arith.minsi %add3A_981, %min3A_983 : vector<16xi32>
      %add3A_985 = arith.constant 32 : i32
      %add3A_986 = vector.broadcast %add3A_985 : i32 to vector<16xi32>
      %add3A_987 = arith.addi %add3A_986, %iota3A_972 : vector<16xi32>
      %min3A_988 = arith.constant 135 : i32
      %min3A_989 = vector.broadcast %min3A_988 : i32 to vector<16xi32>
      %min3A_990 = arith.minsi %add3A_987, %min3A_989 : vector<16xi32>
      %add3A_991 = arith.constant 48 : i32
      %add3A_992 = vector.broadcast %add3A_991 : i32 to vector<16xi32>
      %add3A_993 = arith.addi %add3A_992, %iota3A_972 : vector<16xi32>
      %min3A_994 = arith.constant 135 : i32
      %min3A_995 = vector.broadcast %min3A_994 : i32 to vector<16xi32>
      %min3A_996 = arith.minsi %add3A_993, %min3A_995 : vector<16xi32>
      %add3A_997 = arith.constant 64 : i32
      %add3A_998 = vector.broadcast %add3A_997 : i32 to vector<16xi32>
      %add3A_999 = arith.addi %add3A_998, %iota3A_972 : vector<16xi32>
      %min3A_1000 = arith.constant 135 : i32
      %min3A_1001 = vector.broadcast %min3A_1000 : i32 to vector<16xi32>
      %min3A_1002 = arith.minsi %add3A_999, %min3A_1001 : vector<16xi32>
      %add3A_1003 = arith.constant 80 : i32
      %add3A_1004 = vector.broadcast %add3A_1003 : i32 to vector<16xi32>
      %add3A_1005 = arith.addi %add3A_1004, %iota3A_972 : vector<16xi32>
      %min3A_1006 = arith.constant 135 : i32
      %min3A_1007 = vector.broadcast %min3A_1006 : i32 to vector<16xi32>
      %min3A_1008 = arith.minsi %add3A_1005, %min3A_1007 : vector<16xi32>
      %add3A_1009 = arith.constant 96 : i32
      %add3A_1010 = vector.broadcast %add3A_1009 : i32 to vector<16xi32>
      %add3A_1011 = arith.addi %add3A_1010, %iota3A_972 : vector<16xi32>
      %min3A_1012 = arith.constant 135 : i32
      %min3A_1013 = vector.broadcast %min3A_1012 : i32 to vector<16xi32>
      %min3A_1014 = arith.minsi %add3A_1011, %min3A_1013 : vector<16xi32>
      %add3A_1015 = arith.constant 112 : i32
      %add3A_1016 = vector.broadcast %add3A_1015 : i32 to vector<16xi32>
      %add3A_1017 = arith.addi %add3A_1016, %iota3A_972 : vector<16xi32>
      %min3A_1018 = arith.constant 135 : i32
      %min3A_1019 = vector.broadcast %min3A_1018 : i32 to vector<16xi32>
      %min3A_1020 = arith.minsi %add3A_1017, %min3A_1019 : vector<16xi32>
      %add3A_1021 = arith.constant 128 : i32
      %add3A_1022 = vector.broadcast %add3A_1021 : i32 to vector<16xi32>
      %add3A_1023 = arith.addi %add3A_1022, %iota3A_972 : vector<16xi32>
      %min3A_1024 = arith.constant 135 : i32
      %min3A_1025 = vector.broadcast %min3A_1024 : i32 to vector<16xi32>
      %min3A_1026 = arith.minsi %add3A_1023, %min3A_1025 : vector<16xi32>
      %broadcast_in_dim3A_1027 = arith.constant 0.000000e+00 : f32
      %broadcast_in_dim3A_1028 = vector.broadcast %broadcast_in_dim3A_1027 : f32 to vector<16xf32>
      %scan3A_1029 = arith.constant 3 : i32
      %scan3A_1030 = arith.constant 0 : i32
      %scan3A_1031 = arith.constant 128 : i32
      %scan3A_1032 = arith.addi %scan3A_1030, %scan3A_1031 : i32
      %scan3A_1033 = arith.constant 1 : i32
      %scan3A_1034:18 = scf.for %scan3A_1223 = %scan3A_1030 to %scan3A_1032 step %scan3A_1033 iter_args(%scan3A_1224 = %broadcast_in_dim3A_1028, %scan3A_1225 = %broadcast_in_dim3A_1028, %scan3A_1226 = %broadcast_in_dim3A_1028, %scan3A_1227 = %broadcast_in_dim3A_1028, %scan3A_1228 = %broadcast_in_dim3A_1028, %scan3A_1229 = %broadcast_in_dim3A_1028, %scan3A_1230 = %broadcast_in_dim3A_1028, %scan3A_1231 = %broadcast_in_dim3A_1028, %scan3A_1232 = %broadcast_in_dim3A_1028, %scan3A_1233 = %broadcast_in_dim3A_1028, %scan3A_1234 = %broadcast_in_dim3A_1028, %scan3A_1235 = %broadcast_in_dim3A_1028, %scan3A_1236 = %broadcast_in_dim3A_1028, %scan3A_1237 = %broadcast_in_dim3A_1028, %scan3A_1238 = %broadcast_in_dim3A_1028, %scan3A_1239 = %broadcast_in_dim3A_1028, %scan3A_1240 = %broadcast_in_dim3A_1028, %scan3A_1241 = %broadcast_in_dim3A_1028) -> (vector<16xf32>, vector<16xf32>, vector<16xf32>, vector<16xf32>, vector<16xf32>, vector<16xf32>, vector<16xf32>, vector<16xf32>, vector<16xf32>, vector<16xf32>, vector<16xf32>, vector<16xf32>, vector<16xf32>, vector<16xf32>, vector<16xf32>, vector<16xf32>, vector<16xf32>, vector<16xf32>)  : i32 {
        %get3A_1242 = arith.index_cast %scan3A_1223 : i32 to index
        %get3A_1243 = tpu.vector_load %arg6[%get3A_1242] {strides = array<i32>} : memref<144xf32, #tpu.memory_space<vmem>>, vector<16xf32>,
        %add3A_1244 = vector.broadcast %scan3A_1223 : i32 to vector<16xi32>
        %add3A_1245 = arith.addi %iota3A_972, %add3A_1244 : vector<16xi32>
        %ge3A = arith.constant 128 : i32
        %ge3A_1246 = vector.broadcast %ge3A : i32 to vector<16xi32>
        %ge3A_1247 = arith.cmpi sge, %add3A_1245, %ge3A_1246 : vector<16xi32>
        %sub3A = arith.constant 128 : i32
        %sub3A_1248 = vector.broadcast %sub3A : i32 to vector<16xi32>
        %sub3A_1249 = arith.subi %add3A_1245, %sub3A_1248 : vector<16xi32>
        %select_n3A_1250 = arith.select %ge3A_1247, %sub3A_1249, %add3A_1245 : vector<16xi1>, vector<16xi32>
        %gather3A = arith.constant 0 : i32
        %gather3A_1251 = arith.constant 0 : i32
        %gather3A_1252 = tpu.memref_slice %arg7[%scan3A_1029, %gather3A, %gather3A_1251] : memref<4x136x128xf32, #tpu.memory_space<vmem>> -> memref<1x136x128xf32, #tpu.memory_space<vmem>>
        %gather3A_1253 = tpu.memref_squeeze %gather3A_1252 : memref<1x136x128xf32, #tpu.memory_space<vmem>> -> memref<136x128xf32, #tpu.memory_space<vmem>>
        %gather3A_1254 = tpu.vector_load_idx %gather3A_1253[%min3A_978, %select_n3A_1250] : memref<136x128xf32, #tpu.memory_space<vmem>>[vector<16xi32>, vector<16xi32>], vector<16xf32>,
        %mul3A_1255 = arith.mulf %gather3A_1254, %get3A_1243 : vector<16xf32>
        %add3A_1256 = arith.addf %scan3A_1224, %mul3A_1255 : vector<16xf32>
        %mul3A_1257 = arith.mulf %gather3A_1254, %gather3A_1254 : vector<16xf32>
        %add3A_1258 = arith.addf %scan3A_1225, %mul3A_1257 : vector<16xf32>
        %gather3A_1259 = arith.constant 0 : i32
        %gather3A_1260 = arith.constant 0 : i32
        %gather3A_1261 = tpu.memref_slice %arg7[%scan3A_1029, %gather3A_1259, %gather3A_1260] : memref<4x136x128xf32, #tpu.memory_space<vmem>> -> memref<1x136x128xf32, #tpu.memory_space<vmem>>
        %gather3A_1262 = tpu.memref_squeeze %gather3A_1261 : memref<1x136x128xf32, #tpu.memory_space<vmem>> -> memref<136x128xf32, #tpu.memory_space<vmem>>
        %gather3A_1263 = tpu.vector_load_idx %gather3A_1262[%min3A_984, %select_n3A_1250] : memref<136x128xf32, #tpu.memory_space<vmem>>[vector<16xi32>, vector<16xi32>], vector<16xf32>,
        %mul3A_1264 = arith.mulf %gather3A_1263, %get3A_1243 : vector<16xf32>
        %add3A_1265 = arith.addf %scan3A_1226, %mul3A_1264 : vector<16xf32>
        %mul3A_1266 = arith.mulf %gather3A_1263, %gather3A_1263 : vector<16xf32>
        %add3A_1267 = arith.addf %scan3A_1227, %mul3A_1266 : vector<16xf32>
        %gather3A_1268 = arith.constant 0 : i32
        %gather3A_1269 = arith.constant 0 : i32
        %gather3A_1270 = tpu.memref_slice %arg7[%scan3A_1029, %gather3A_1268, %gather3A_1269] : memref<4x136x128xf32, #tpu.memory_space<vmem>> -> memref<1x136x128xf32, #tpu.memory_space<vmem>>
        %gather3A_1271 = tpu.memref_squeeze %gather3A_1270 : memref<1x136x128xf32, #tpu.memory_space<vmem>> -> memref<136x128xf32, #tpu.memory_space<vmem>>
        %gather3A_1272 = tpu.vector_load_idx %gather3A_1271[%min3A_990, %select_n3A_1250] : memref<136x128xf32, #tpu.memory_space<vmem>>[vector<16xi32>, vector<16xi32>], vector<16xf32>,
        %mul3A_1273 = arith.mulf %gather3A_1272, %get3A_1243 : vector<16xf32>
        %add3A_1274 = arith.addf %scan3A_1228, %mul3A_1273 : vector<16xf32>
        %mul3A_1275 = arith.mulf %gather3A_1272, %gather3A_1272 : vector<16xf32>
        %add3A_1276 = arith.addf %scan3A_1229, %mul3A_1275 : vector<16xf32>
        %gather3A_1277 = arith.constant 0 : i32
        %gather3A_1278 = arith.constant 0 : i32
        %gather3A_1279 = tpu.memref_slice %arg7[%scan3A_1029, %gather3A_1277, %gather3A_1278] : memref<4x136x128xf32, #tpu.memory_space<vmem>> -> memref<1x136x128xf32, #tpu.memory_space<vmem>>
        %gather3A_1280 = tpu.memref_squeeze %gather3A_1279 : memref<1x136x128xf32, #tpu.memory_space<vmem>> -> memref<136x128xf32, #tpu.memory_space<vmem>>
        %gather3A_1281 = tpu.vector_load_idx %gather3A_1280[%min3A_996, %select_n3A_1250] : memref<136x128xf32, #tpu.memory_space<vmem>>[vector<16xi32>, vector<16xi32>], vector<16xf32>,
        %mul3A_1282 = arith.mulf %gather3A_1281, %get3A_1243 : vector<16xf32>
        %add3A_1283 = arith.addf %scan3A_1230, %mul3A_1282 : vector<16xf32>
        %mul3A_1284 = arith.mulf %gather3A_1281, %gather3A_1281 : vector<16xf32>
        %add3A_1285 = arith.addf %scan3A_1231, %mul3A_1284 : vector<16xf32>
        %gather3A_1286 = arith.constant 0 : i32
        %gather3A_1287 = arith.constant 0 : i32
        %gather3A_1288 = tpu.memref_slice %arg7[%scan3A_1029, %gather3A_1286, %gather3A_1287] : memref<4x136x128xf32, #tpu.memory_space<vmem>> -> memref<1x136x128xf32, #tpu.memory_space<vmem>>
        %gather3A_1289 = tpu.memref_squeeze %gather3A_1288 : memref<1x136x128xf32, #tpu.memory_space<vmem>> -> memref<136x128xf32, #tpu.memory_space<vmem>>
        %gather3A_1290 = tpu.vector_load_idx %gather3A_1289[%min3A_1002, %select_n3A_1250] : memref<136x128xf32, #tpu.memory_space<vmem>>[vector<16xi32>, vector<16xi32>], vector<16xf32>,
        %mul3A_1291 = arith.mulf %gather3A_1290, %get3A_1243 : vector<16xf32>
        %add3A_1292 = arith.addf %scan3A_1232, %mul3A_1291 : vector<16xf32>
        %mul3A_1293 = arith.mulf %gather3A_1290, %gather3A_1290 : vector<16xf32>
        %add3A_1294 = arith.addf %scan3A_1233, %mul3A_1293 : vector<16xf32>
        %gather3A_1295 = arith.constant 0 : i32
        %gather3A_1296 = arith.constant 0 : i32
        %gather3A_1297 = tpu.memref_slice %arg7[%scan3A_1029, %gather3A_1295, %gather3A_1296] : memref<4x136x128xf32, #tpu.memory_space<vmem>> -> memref<1x136x128xf32, #tpu.memory_space<vmem>>
        %gather3A_1298 = tpu.memref_squeeze %gather3A_1297 : memref<1x136x128xf32, #tpu.memory_space<vmem>> -> memref<136x128xf32, #tpu.memory_space<vmem>>
        %gather3A_1299 = tpu.vector_load_idx %gather3A_1298[%min3A_1008, %select_n3A_1250] : memref<136x128xf32, #tpu.memory_space<vmem>>[vector<16xi32>, vector<16xi32>], vector<16xf32>,
        %mul3A_1300 = arith.mulf %gather3A_1299, %get3A_1243 : vector<16xf32>
        %add3A_1301 = arith.addf %scan3A_1234, %mul3A_1300 : vector<16xf32>
        %mul3A_1302 = arith.mulf %gather3A_1299, %gather3A_1299 : vector<16xf32>
        %add3A_1303 = arith.addf %scan3A_1235, %mul3A_1302 : vector<16xf32>
        %gather3A_1304 = arith.constant 0 : i32
        %gather3A_1305 = arith.constant 0 : i32
        %gather3A_1306 = tpu.memref_slice %arg7[%scan3A_1029, %gather3A_1304, %gather3A_1305] : memref<4x136x128xf32, #tpu.memory_space<vmem>> -> memref<1x136x128xf32, #tpu.memory_space<vmem>>
        %gather3A_1307 = tpu.memref_squeeze %gather3A_1306 : memref<1x136x128xf32, #tpu.memory_space<vmem>> -> memref<136x128xf32, #tpu.memory_space<vmem>>
        %gather3A_1308 = tpu.vector_load_idx %gather3A_1307[%min3A_1014, %select_n3A_1250] : memref<136x128xf32, #tpu.memory_space<vmem>>[vector<16xi32>, vector<16xi32>], vector<16xf32>,
        %mul3A_1309 = arith.mulf %gather3A_1308, %get3A_1243 : vector<16xf32>
        %add3A_1310 = arith.addf %scan3A_1236, %mul3A_1309 : vector<16xf32>
        %mul3A_1311 = arith.mulf %gather3A_1308, %gather3A_1308 : vector<16xf32>
        %add3A_1312 = arith.addf %scan3A_1237, %mul3A_1311 : vector<16xf32>
        %gather3A_1313 = arith.constant 0 : i32
        %gather3A_1314 = arith.constant 0 : i32
        %gather3A_1315 = tpu.memref_slice %arg7[%scan3A_1029, %gather3A_1313, %gather3A_1314] : memref<4x136x128xf32, #tpu.memory_space<vmem>> -> memref<1x136x128xf32, #tpu.memory_space<vmem>>
        %gather3A_1316 = tpu.memref_squeeze %gather3A_1315 : memref<1x136x128xf32, #tpu.memory_space<vmem>> -> memref<136x128xf32, #tpu.memory_space<vmem>>
        %gather3A_1317 = tpu.vector_load_idx %gather3A_1316[%min3A_1020, %select_n3A_1250] : memref<136x128xf32, #tpu.memory_space<vmem>>[vector<16xi32>, vector<16xi32>], vector<16xf32>,
        %mul3A_1318 = arith.mulf %gather3A_1317, %get3A_1243 : vector<16xf32>
        %add3A_1319 = arith.addf %scan3A_1238, %mul3A_1318 : vector<16xf32>
        %mul3A_1320 = arith.mulf %gather3A_1317, %gather3A_1317 : vector<16xf32>
        %add3A_1321 = arith.addf %scan3A_1239, %mul3A_1320 : vector<16xf32>
        %gather3A_1322 = arith.constant 0 : i32
        %gather3A_1323 = arith.constant 0 : i32
        %gather3A_1324 = tpu.memref_slice %arg7[%scan3A_1029, %gather3A_1322, %gather3A_1323] : memref<4x136x128xf32, #tpu.memory_space<vmem>> -> memref<1x136x128xf32, #tpu.memory_space<vmem>>
        %gather3A_1325 = tpu.memref_squeeze %gather3A_1324 : memref<1x136x128xf32, #tpu.memory_space<vmem>> -> memref<136x128xf32, #tpu.memory_space<vmem>>
        %gather3A_1326 = tpu.vector_load_idx %gather3A_1325[%min3A_1026, %select_n3A_1250] : memref<136x128xf32, #tpu.memory_space<vmem>>[vector<16xi32>, vector<16xi32>], vector<16xf32>,
        %mul3A_1327 = arith.mulf %gather3A_1326, %get3A_1243 : vector<16xf32>
        %add3A_1328 = arith.addf %scan3A_1240, %mul3A_1327 : vector<16xf32>
        %mul3A_1329 = arith.mulf %gather3A_1326, %gather3A_1326 : vector<16xf32>
        %add3A_1330 = arith.addf %scan3A_1241, %mul3A_1329 : vector<16xf32>
        scf.yield %add3A_1256, %add3A_1258, %add3A_1265, %add3A_1267, %add3A_1274, %add3A_1276, %add3A_1283, %add3A_1285, %add3A_1292, %add3A_1294, %add3A_1301, %add3A_1303, %add3A_1310, %add3A_1312, %add3A_1319, %add3A_1321, %add3A_1328, %add3A_1330 : vector<16xf32>, vector<16xf32>, vector<16xf32>, vector<16xf32>, vector<16xf32>, vector<16xf32>, vector<16xf32>, vector<16xf32>, vector<16xf32>, vector<16xf32>, vector<16xf32>, vector<16xf32>, vector<16xf32>, vector<16xf32>, vector<16xf32>, vector<16xf32>, vector<16xf32>, vector<16xf32>
      }
      %scan3A_1035 = arith.constant 128 : i32
      %abs3A_1036 = math.absf %scan3A_1034#0 : vector<16xf32>
      %mul3A_1037 = arith.mulf %scan3A_1034#0, %abs3A_1036 : vector<16xf32>
      %max3A_1038 = arith.constant 1.000000e-16 : f32
      %max3A_1039 = vector.broadcast %max3A_1038 : f32 to vector<16xf32>
      %max3A_1040 = arith.maximumf %scan3A_1034#1, %max3A_1039 : vector<16xf32>
      %div3A_1041 = arith.divf %mul3A_1037, %max3A_1040 : vector<16xf32>
      %add3A_1042 = arith.constant 0 : i32
      %add3A_1043 = vector.broadcast %add3A_1042 : i32 to vector<16xi32>
      %add3A_1044 = arith.addi %add3A_1043, %iota3A_972 : vector<16xi32>
      %lt3A_1045 = arith.constant 136 : i32
      %lt3A_1046 = vector.broadcast %lt3A_1045 : i32 to vector<16xi32>
      %lt3A_1047 = arith.cmpi slt, %add3A_1044, %lt3A_1046 : vector<16xi32>
      %jit3A_1048 = arith.constant 0xFF800000 : f32
      %broadcast_in_dim3A_1049 = vector.broadcast %jit3A_1048 : f32 to vector<16xf32>
      %select_n3A_1050 = arith.select %lt3A_1047, %div3A_1041, %broadcast_in_dim3A_1049 : vector<16xi1>, vector<16xf32>
      %gt3A_1051 = arith.cmpf ogt, %select_n3A_1050, %select_n3A_928 : vector<16xf32>
      %select_n3A_1052 = arith.select %gt3A_1051, %select_n3A_1050, %select_n3A_928 : vector<16xi1>, vector<16xf32>
      %add3A_1053 = vector.broadcast %multiple_of3A_971 : i32 to vector<16xi32>
      %add3A_1054 = arith.addi %add3A_1053, %add3A_1044 : vector<16xi32>
      %select_n3A_1055 = arith.select %gt3A_1051, %add3A_1054, %select_n3A_931 : vector<16xi1>, vector<16xi32>
      %abs3A_1056 = math.absf %scan3A_1034#2 : vector<16xf32>
      %mul3A_1057 = arith.mulf %scan3A_1034#2, %abs3A_1056 : vector<16xf32>
      %max3A_1058 = arith.constant 1.000000e-16 : f32
      %max3A_1059 = vector.broadcast %max3A_1058 : f32 to vector<16xf32>
      %max3A_1060 = arith.maximumf %scan3A_1034#3, %max3A_1059 : vector<16xf32>
      %div3A_1061 = arith.divf %mul3A_1057, %max3A_1060 : vector<16xf32>
      %add3A_1062 = arith.constant 16 : i32
      %add3A_1063 = vector.broadcast %add3A_1062 : i32 to vector<16xi32>
      %add3A_1064 = arith.addi %add3A_1063, %iota3A_972 : vector<16xi32>
      %lt3A_1065 = arith.constant 136 : i32
      %lt3A_1066 = vector.broadcast %lt3A_1065 : i32 to vector<16xi32>
      %lt3A_1067 = arith.cmpi slt, %add3A_1064, %lt3A_1066 : vector<16xi32>
      %jit3A_1068 = arith.constant 0xFF800000 : f32
      %broadcast_in_dim3A_1069 = vector.broadcast %jit3A_1068 : f32 to vector<16xf32>
      %select_n3A_1070 = arith.select %lt3A_1067, %div3A_1061, %broadcast_in_dim3A_1069 : vector<16xi1>, vector<16xf32>
      %gt3A_1071 = arith.cmpf ogt, %select_n3A_1070, %select_n3A_1052 : vector<16xf32>
      %select_n3A_1072 = arith.select %gt3A_1071, %select_n3A_1070, %select_n3A_1052 : vector<16xi1>, vector<16xf32>
      %add3A_1073 = vector.broadcast %multiple_of3A_971 : i32 to vector<16xi32>
      %add3A_1074 = arith.addi %add3A_1073, %add3A_1064 : vector<16xi32>
      %select_n3A_1075 = arith.select %gt3A_1071, %add3A_1074, %select_n3A_1055 : vector<16xi1>, vector<16xi32>
      %abs3A_1076 = math.absf %scan3A_1034#4 : vector<16xf32>
      %mul3A_1077 = arith.mulf %scan3A_1034#4, %abs3A_1076 : vector<16xf32>
      %max3A_1078 = arith.constant 1.000000e-16 : f32
      %max3A_1079 = vector.broadcast %max3A_1078 : f32 to vector<16xf32>
      %max3A_1080 = arith.maximumf %scan3A_1034#5, %max3A_1079 : vector<16xf32>
      %div3A_1081 = arith.divf %mul3A_1077, %max3A_1080 : vector<16xf32>
      %add3A_1082 = arith.constant 32 : i32
      %add3A_1083 = vector.broadcast %add3A_1082 : i32 to vector<16xi32>
      %add3A_1084 = arith.addi %add3A_1083, %iota3A_972 : vector<16xi32>
      %lt3A_1085 = arith.constant 136 : i32
      %lt3A_1086 = vector.broadcast %lt3A_1085 : i32 to vector<16xi32>
      %lt3A_1087 = arith.cmpi slt, %add3A_1084, %lt3A_1086 : vector<16xi32>
      %jit3A_1088 = arith.constant 0xFF800000 : f32
      %broadcast_in_dim3A_1089 = vector.broadcast %jit3A_1088 : f32 to vector<16xf32>
      %select_n3A_1090 = arith.select %lt3A_1087, %div3A_1081, %broadcast_in_dim3A_1089 : vector<16xi1>, vector<16xf32>
      %gt3A_1091 = arith.cmpf ogt, %select_n3A_1090, %select_n3A_1072 : vector<16xf32>
      %select_n3A_1092 = arith.select %gt3A_1091, %select_n3A_1090, %select_n3A_1072 : vector<16xi1>, vector<16xf32>
      %add3A_1093 = vector.broadcast %multiple_of3A_971 : i32 to vector<16xi32>
      %add3A_1094 = arith.addi %add3A_1093, %add3A_1084 : vector<16xi32>
      %select_n3A_1095 = arith.select %gt3A_1091, %add3A_1094, %select_n3A_1075 : vector<16xi1>, vector<16xi32>
      %abs3A_1096 = math.absf %scan3A_1034#6 : vector<16xf32>
      %mul3A_1097 = arith.mulf %scan3A_1034#6, %abs3A_1096 : vector<16xf32>
      %max3A_1098 = arith.constant 1.000000e-16 : f32
      %max3A_1099 = vector.broadcast %max3A_1098 : f32 to vector<16xf32>
      %max3A_1100 = arith.maximumf %scan3A_1034#7, %max3A_1099 : vector<16xf32>
      %div3A_1101 = arith.divf %mul3A_1097, %max3A_1100 : vector<16xf32>
      %add3A_1102 = arith.constant 48 : i32
      %add3A_1103 = vector.broadcast %add3A_1102 : i32 to vector<16xi32>
      %add3A_1104 = arith.addi %add3A_1103, %iota3A_972 : vector<16xi32>
      %lt3A_1105 = arith.constant 136 : i32
      %lt3A_1106 = vector.broadcast %lt3A_1105 : i32 to vector<16xi32>
      %lt3A_1107 = arith.cmpi slt, %add3A_1104, %lt3A_1106 : vector<16xi32>
      %jit3A_1108 = arith.constant 0xFF800000 : f32
      %broadcast_in_dim3A_1109 = vector.broadcast %jit3A_1108 : f32 to vector<16xf32>
      %select_n3A_1110 = arith.select %lt3A_1107, %div3A_1101, %broadcast_in_dim3A_1109 : vector<16xi1>, vector<16xf32>
      %gt3A_1111 = arith.cmpf ogt, %select_n3A_1110, %select_n3A_1092 : vector<16xf32>
      %select_n3A_1112 = arith.select %gt3A_1111, %select_n3A_1110, %select_n3A_1092 : vector<16xi1>, vector<16xf32>
      %add3A_1113 = vector.broadcast %multiple_of3A_971 : i32 to vector<16xi32>
      %add3A_1114 = arith.addi %add3A_1113, %add3A_1104 : vector<16xi32>
      %select_n3A_1115 = arith.select %gt3A_1111, %add3A_1114, %select_n3A_1095 : vector<16xi1>, vector<16xi32>
      %abs3A_1116 = math.absf %scan3A_1034#8 : vector<16xf32>
      %mul3A_1117 = arith.mulf %scan3A_1034#8, %abs3A_1116 : vector<16xf32>
      %max3A_1118 = arith.constant 1.000000e-16 : f32
      %max3A_1119 = vector.broadcast %max3A_1118 : f32 to vector<16xf32>
      %max3A_1120 = arith.maximumf %scan3A_1034#9, %max3A_1119 : vector<16xf32>
      %div3A_1121 = arith.divf %mul3A_1117, %max3A_1120 : vector<16xf32>
      %add3A_1122 = arith.constant 64 : i32
      %add3A_1123 = vector.broadcast %add3A_1122 : i32 to vector<16xi32>
      %add3A_1124 = arith.addi %add3A_1123, %iota3A_972 : vector<16xi32>
      %lt3A_1125 = arith.constant 136 : i32
      %lt3A_1126 = vector.broadcast %lt3A_1125 : i32 to vector<16xi32>
      %lt3A_1127 = arith.cmpi slt, %add3A_1124, %lt3A_1126 : vector<16xi32>
      %jit3A_1128 = arith.constant 0xFF800000 : f32
      %broadcast_in_dim3A_1129 = vector.broadcast %jit3A_1128 : f32 to vector<16xf32>
      %select_n3A_1130 = arith.select %lt3A_1127, %div3A_1121, %broadcast_in_dim3A_1129 : vector<16xi1>, vector<16xf32>
      %gt3A_1131 = arith.cmpf ogt, %select_n3A_1130, %select_n3A_1112 : vector<16xf32>
      %select_n3A_1132 = arith.select %gt3A_1131, %select_n3A_1130, %select_n3A_1112 : vector<16xi1>, vector<16xf32>
      %add3A_1133 = vector.broadcast %multiple_of3A_971 : i32 to vector<16xi32>
      %add3A_1134 = arith.addi %add3A_1133, %add3A_1124 : vector<16xi32>
      %select_n3A_1135 = arith.select %gt3A_1131, %add3A_1134, %select_n3A_1115 : vector<16xi1>, vector<16xi32>
      %abs3A_1136 = math.absf %scan3A_1034#10 : vector<16xf32>
      %mul3A_1137 = arith.mulf %scan3A_1034#10, %abs3A_1136 : vector<16xf32>
      %max3A_1138 = arith.constant 1.000000e-16 : f32
      %max3A_1139 = vector.broadcast %max3A_1138 : f32 to vector<16xf32>
      %max3A_1140 = arith.maximumf %scan3A_1034#11, %max3A_1139 : vector<16xf32>
      %div3A_1141 = arith.divf %mul3A_1137, %max3A_1140 : vector<16xf32>
      %add3A_1142 = arith.constant 80 : i32
      %add3A_1143 = vector.broadcast %add3A_1142 : i32 to vector<16xi32>
      %add3A_1144 = arith.addi %add3A_1143, %iota3A_972 : vector<16xi32>
      %lt3A_1145 = arith.constant 136 : i32
      %lt3A_1146 = vector.broadcast %lt3A_1145 : i32 to vector<16xi32>
      %lt3A_1147 = arith.cmpi slt, %add3A_1144, %lt3A_1146 : vector<16xi32>
      %jit3A_1148 = arith.constant 0xFF800000 : f32
      %broadcast_in_dim3A_1149 = vector.broadcast %jit3A_1148 : f32 to vector<16xf32>
      %select_n3A_1150 = arith.select %lt3A_1147, %div3A_1141, %broadcast_in_dim3A_1149 : vector<16xi1>, vector<16xf32>
      %gt3A_1151 = arith.cmpf ogt, %select_n3A_1150, %select_n3A_1132 : vector<16xf32>
      %select_n3A_1152 = arith.select %gt3A_1151, %select_n3A_1150, %select_n3A_1132 : vector<16xi1>, vector<16xf32>
      %add3A_1153 = vector.broadcast %multiple_of3A_971 : i32 to vector<16xi32>
      %add3A_1154 = arith.addi %add3A_1153, %add3A_1144 : vector<16xi32>
      %select_n3A_1155 = arith.select %gt3A_1151, %add3A_1154, %select_n3A_1135 : vector<16xi1>, vector<16xi32>
      %abs3A_1156 = math.absf %scan3A_1034#12 : vector<16xf32>
      %mul3A_1157 = arith.mulf %scan3A_1034#12, %abs3A_1156 : vector<16xf32>
      %max3A_1158 = arith.constant 1.000000e-16 : f32
      %max3A_1159 = vector.broadcast %max3A_1158 : f32 to vector<16xf32>
      %max3A_1160 = arith.maximumf %scan3A_1034#13, %max3A_1159 : vector<16xf32>
      %div3A_1161 = arith.divf %mul3A_1157, %max3A_1160 : vector<16xf32>
      %add3A_1162 = arith.constant 96 : i32
      %add3A_1163 = vector.broadcast %add3A_1162 : i32 to vector<16xi32>
      %add3A_1164 = arith.addi %add3A_1163, %iota3A_972 : vector<16xi32>
      %lt3A_1165 = arith.constant 136 : i32
      %lt3A_1166 = vector.broadcast %lt3A_1165 : i32 to vector<16xi32>
      %lt3A_1167 = arith.cmpi slt, %add3A_1164, %lt3A_1166 : vector<16xi32>
      %jit3A_1168 = arith.constant 0xFF800000 : f32
      %broadcast_in_dim3A_1169 = vector.broadcast %jit3A_1168 : f32 to vector<16xf32>
      %select_n3A_1170 = arith.select %lt3A_1167, %div3A_1161, %broadcast_in_dim3A_1169 : vector<16xi1>, vector<16xf32>
      %gt3A_1171 = arith.cmpf ogt, %select_n3A_1170, %select_n3A_1152 : vector<16xf32>
      %select_n3A_1172 = arith.select %gt3A_1171, %select_n3A_1170, %select_n3A_1152 : vector<16xi1>, vector<16xf32>
      %add3A_1173 = vector.broadcast %multiple_of3A_971 : i32 to vector<16xi32>
      %add3A_1174 = arith.addi %add3A_1173, %add3A_1164 : vector<16xi32>
      %select_n3A_1175 = arith.select %gt3A_1171, %add3A_1174, %select_n3A_1155 : vector<16xi1>, vector<16xi32>
      %abs3A_1176 = math.absf %scan3A_1034#14 : vector<16xf32>
      %mul3A_1177 = arith.mulf %scan3A_1034#14, %abs3A_1176 : vector<16xf32>
      %max3A_1178 = arith.constant 1.000000e-16 : f32
      %max3A_1179 = vector.broadcast %max3A_1178 : f32 to vector<16xf32>
      %max3A_1180 = arith.maximumf %scan3A_1034#15, %max3A_1179 : vector<16xf32>
      %div3A_1181 = arith.divf %mul3A_1177, %max3A_1180 : vector<16xf32>
      %add3A_1182 = arith.constant 112 : i32
      %add3A_1183 = vector.broadcast %add3A_1182 : i32 to vector<16xi32>
      %add3A_1184 = arith.addi %add3A_1183, %iota3A_972 : vector<16xi32>
      %lt3A_1185 = arith.constant 136 : i32
      %lt3A_1186 = vector.broadcast %lt3A_1185 : i32 to vector<16xi32>
      %lt3A_1187 = arith.cmpi slt, %add3A_1184, %lt3A_1186 : vector<16xi32>
      %jit3A_1188 = arith.constant 0xFF800000 : f32
      %broadcast_in_dim3A_1189 = vector.broadcast %jit3A_1188 : f32 to vector<16xf32>
      %select_n3A_1190 = arith.select %lt3A_1187, %div3A_1181, %broadcast_in_dim3A_1189 : vector<16xi1>, vector<16xf32>
      %gt3A_1191 = arith.cmpf ogt, %select_n3A_1190, %select_n3A_1172 : vector<16xf32>
      %select_n3A_1192 = arith.select %gt3A_1191, %select_n3A_1190, %select_n3A_1172 : vector<16xi1>, vector<16xf32>
      %add3A_1193 = vector.broadcast %multiple_of3A_971 : i32 to vector<16xi32>
      %add3A_1194 = arith.addi %add3A_1193, %add3A_1184 : vector<16xi32>
      %select_n3A_1195 = arith.select %gt3A_1191, %add3A_1194, %select_n3A_1175 : vector<16xi1>, vector<16xi32>
      %abs3A_1196 = math.absf %scan3A_1034#16 : vector<16xf32>
      %mul3A_1197 = arith.mulf %scan3A_1034#16, %abs3A_1196 : vector<16xf32>
      %max3A_1198 = arith.constant 1.000000e-16 : f32
      %max3A_1199 = vector.broadcast %max3A_1198 : f32 to vector<16xf32>
      %max3A_1200 = arith.maximumf %scan3A_1034#17, %max3A_1199 : vector<16xf32>
      %div3A_1201 = arith.divf %mul3A_1197, %max3A_1200 : vector<16xf32>
      %add3A_1202 = arith.constant 128 : i32
      %add3A_1203 = vector.broadcast %add3A_1202 : i32 to vector<16xi32>
      %add3A_1204 = arith.addi %add3A_1203, %iota3A_972 : vector<16xi32>
      %lt3A_1205 = arith.constant 136 : i32
      %lt3A_1206 = vector.broadcast %lt3A_1205 : i32 to vector<16xi32>
      %lt3A_1207 = arith.cmpi slt, %add3A_1204, %lt3A_1206 : vector<16xi32>
      %jit3A_1208 = arith.constant 0xFF800000 : f32
      %broadcast_in_dim3A_1209 = vector.broadcast %jit3A_1208 : f32 to vector<16xf32>
      %select_n3A_1210 = arith.select %lt3A_1207, %div3A_1201, %broadcast_in_dim3A_1209 : vector<16xi1>, vector<16xf32>
      %gt3A_1211 = arith.cmpf ogt, %select_n3A_1210, %select_n3A_1192 : vector<16xf32>
      %select_n3A_1212 = arith.select %gt3A_1211, %select_n3A_1210, %select_n3A_1192 : vector<16xi1>, vector<16xf32>
      %add3A_1213 = vector.broadcast %multiple_of3A_971 : i32 to vector<16xi32>
      %add3A_1214 = arith.addi %add3A_1213, %add3A_1204 : vector<16xi32>
      %select_n3A_1215 = arith.select %gt3A_1211, %add3A_1214, %select_n3A_1195 : vector<16xi1>, vector<16xi32>
      %add3A_1216 = arith.constant 4 : i32
      %add3A_1217 = arith.addi %add3A_942, %add3A_1216 : i32
      %lt3A_1218 = arith.constant 8 : i32
      %lt3A_1219 = arith.cmpi slt, %add3A_1217, %lt3A_1218 : i32
      %convert_element_type3A_1220 = arith.extui %lt3A_1219 : i1 to i32
      %cond3A_1221 = arith.constant 0 : i32
      %cond3A_1222 = arith.cmpi ne, %convert_element_type3A_1220, %cond3A_1221 : i32
      scf.if %cond3A_1222 {
        %add3A_1223 = arith.constant 4 : i32
        %add3A_1224 = arith.addi %add3A_942, %add3A_1223 : i32
        %mul3A_1225 = arith.constant 32 : i32
        %mul3A_1226 = arith.muli %mul3A_1225, %add3A_1224 : i32
        %add3A_1227 = arith.addi %add3A, %mul3A_1226 : i32
        %mul3A_1228 = arith.constant 136 : i32
        %mul3A_1229 = arith.muli %add3A_1227, %mul3A_1228 : i32
        %add3A_1230 = arith.constant 65184 : i32
        %add3A_1231 = arith.addi %add3A_1230, %mul3A_1229 : i32
        %multiple_of3A_1232 = tpu.assume_multiple %add3A_1231, 8 : i32
        %dma_start3A_1233 = arith.constant 3 : i32
        %dma_start3A_1234 = arith.constant 0 : i32
        %dma_start3A_1235 = arith.constant 0 : i32
        %dma_start3A_1236 = tpu.memref_slice %arg7[%dma_start3A_1233, %dma_start3A_1234, %dma_start3A_1235] : memref<4x136x128xf32, #tpu.memory_space<vmem>> -> memref<1x136x128xf32, #tpu.memory_space<vmem>>
        %dma_start3A_1237 = tpu.memref_squeeze %dma_start3A_1236 : memref<1x136x128xf32, #tpu.memory_space<vmem>> -> memref<136x128xf32, #tpu.memory_space<vmem>>
        %dma_start3A_1238 = arith.constant 0 : i32
        %dma_start3A_1239 = tpu.memref_slice %arg3[%multiple_of3A_1232, %dma_start3A_1238] : memref<100000x128xf32, #tpu.memory_space<hbm>> -> memref<136x128xf32, #tpu.memory_space<hbm>>
        %dma_start3A_1240 = arith.constant 0 : i32
        %dma_start3A_1241 = arith.constant 0 : i32
        %dma_start3A_1242 = tpu.memref_slice %arg7[%dma_start3A_1233, %dma_start3A_1240, %dma_start3A_1241] : memref<4x136x128xf32, #tpu.memory_space<vmem>> -> memref<1x136x128xf32, #tpu.memory_space<vmem>>
        %dma_start3A_1243 = tpu.memref_squeeze %dma_start3A_1242 : memref<1x136x128xf32, #tpu.memory_space<vmem>> -> memref<136x128xf32, #tpu.memory_space<vmem>>
        %dma_start3A_1244 = arith.constant 0 : i32
        %dma_start3A_1245 = tpu.memref_slice %arg3[%multiple_of3A_1232, %dma_start3A_1244] : memref<100000x128xf32, #tpu.memory_space<hbm>> -> memref<136x128xf32, #tpu.memory_space<hbm>>
        tpu.enqueue_dma source(%dma_start3A_1245 : memref<136x128xf32, #tpu.memory_space<hbm>>) target(%dma_start3A_1243 : memref<136x128xf32, #tpu.memory_space<vmem>>) target_semaphore(%arg13 : memref<!tpu.dma_semaphore, #tpu.memory_space<semaphore_mem>>)
      } else {
      }
      scf.yield %select_n3A_1212, %select_n3A_1215 : vector<16xf32>, vector<16xi32>
    }
    %scan3A_88 = arith.constant 2 : i32
    %swap3A_89 = arith.constant 0 : index
    %swap3A_90 = tpu.vector_load %arg8[%swap3A_89] {strides = array<i32>} : memref<16xf32, #tpu.memory_space<vmem>>, vector<16xf32>,
    tpu.vector_store %arg8[%swap3A_89], %scan3A_87#0 {strides = array<i32>} : memref<16xf32, #tpu.memory_space<vmem>>, vector<16xf32>,
    %swap3A_91 = arith.constant 0 : index
    %swap3A_92 = tpu.vector_load %arg9[%swap3A_91] {strides = array<i32>} : memref<16xi32, #tpu.memory_space<vmem>>, vector<16xi32>,
    tpu.vector_store %arg9[%swap3A_91], %scan3A_87#1 {strides = array<i32>} : memref<16xi32, #tpu.memory_space<vmem>>, vector<16xi32>,
    %mul3A_93 = arith.constant 16 : i32
    %mul3A_94 = arith.muli %add3A, %mul3A_93 : i32
    %multiple_of3A_95 = tpu.assume_multiple %mul3A_94, 8 : i32
    "tpu.region"() ({
      %run_scoped3A = tpu.sem_alloc : memref<!tpu.dma_semaphore, #tpu.memory_space<semaphore_mem>>
      %dma_start3A_96 = tpu.memref_slice %arg4[%multiple_of3A_95] : memref<512xf32, #tpu.memory_space<hbm>> -> memref<16xf32, #tpu.memory_space<hbm>>
      %dma_start3A_97 = tpu.memref_slice %arg4[%multiple_of3A_95] : memref<512xf32, #tpu.memory_space<hbm>> -> memref<16xf32, #tpu.memory_space<hbm>>
      tpu.enqueue_dma source(%arg8 : memref<16xf32, #tpu.memory_space<vmem>>) target(%dma_start3A_97 : memref<16xf32, #tpu.memory_space<hbm>>) target_semaphore(%run_scoped3A : memref<!tpu.dma_semaphore, #tpu.memory_space<semaphore_mem>>)
      %dma_wait3A = tpu.memref_slice %arg4[%multiple_of3A_95] : memref<512xf32, #tpu.memory_space<hbm>> -> memref<16xf32, #tpu.memory_space<hbm>>
      %dma_wait3A_98 = tpu.memref_slice %arg4[%multiple_of3A_95] : memref<512xf32, #tpu.memory_space<hbm>> -> memref<16xf32, #tpu.memory_space<hbm>>
      tpu.wait_dma2 semaphore(%run_scoped3A : memref<!tpu.dma_semaphore, #tpu.memory_space<semaphore_mem>>) src(%arg8 : memref<16xf32, #tpu.memory_space<vmem>>) dst(%dma_wait3A_98 : memref<16xf32, #tpu.memory_space<hbm>>)
      tpu.yield
    }) : () -> ()
    "tpu.region"() ({
      %run_scoped3A = tpu.sem_alloc : memref<!tpu.dma_semaphore, #tpu.memory_space<semaphore_mem>>
      %dma_start3A_96 = tpu.memref_slice %arg5[%multiple_of3A_95] : memref<512xi32, #tpu.memory_space<hbm>> -> memref<16xi32, #tpu.memory_space<hbm>>
      %dma_start3A_97 = tpu.memref_slice %arg5[%multiple_of3A_95] : memref<512xi32, #tpu.memory_space<hbm>> -> memref<16xi32, #tpu.memory_space<hbm>>
      tpu.enqueue_dma source(%arg9 : memref<16xi32, #tpu.memory_space<vmem>>) target(%dma_start3A_97 : memref<16xi32, #tpu.memory_space<hbm>>) target_semaphore(%run_scoped3A : memref<!tpu.dma_semaphore, #tpu.memory_space<semaphore_mem>>)
      %dma_wait3A = tpu.memref_slice %arg5[%multiple_of3A_95] : memref<512xi32, #tpu.memory_space<hbm>> -> memref<16xi32, #tpu.memory_space<hbm>>
      %dma_wait3A_98 = tpu.memref_slice %arg5[%multiple_of3A_95] : memref<512xi32, #tpu.memory_space<hbm>> -> memref<16xi32, #tpu.memory_space<hbm>>
      tpu.wait_dma2 semaphore(%run_scoped3A : memref<!tpu.dma_semaphore, #tpu.memory_space<semaphore_mem>>) src(%arg9 : memref<16xi32, #tpu.memory_space<vmem>>) dst(%dma_wait3A_98 : memref<16xi32, #tpu.memory_space<hbm>>)
      tpu.yield
    }) : () -> ()
    return
  }
}

module attributes {stable_mosaic.version = 14 : i64} {
  func.func @_tc_body(%arg0: memref<1x128xf32, #tpu.memory_space<vmem>>, %arg1: memref<100000x128xf32, #tpu.memory_space<any>>, %arg2: memref<1x128xf32, #tpu.memory_space<vmem>>, %arg3: memref<1x128xi32, #tpu.memory_space<vmem>>, %arg4: memref<4x4080x128xf32, #tpu.memory_space<vmem>>, %arg5: memref<!tpu.dma_semaphore, #tpu.memory_space<semaphore_mem>>, %arg6: memref<!tpu.dma_semaphore, #tpu.memory_space<semaphore_mem>>, %arg7: memref<!tpu.dma_semaphore, #tpu.memory_space<semaphore_mem>>, %arg8: memref<!tpu.dma_semaphore, #tpu.memory_space<semaphore_mem>>) attributes {dimension_semantics = [], scalar_prefetch = 0 : i64, scratch_operands = 5 : i64, tpu.core_type = #tpu.core_type<tc>} {
    %get3A = arith.constant 0 : index
    %get3A_0 = arith.constant 0 : index
    %get3A_1 = vector.load %arg0[%get3A, %get3A_0] : memref<1x128xf32, #tpu.memory_space<vmem>>, vector<1x128xf32>
    %multiple_of3A = arith.constant 0 : i32
    %multiple_of3A_2 = tpu.assume_multiple %multiple_of3A, 8 : i32
    %dma_start3A = arith.constant 0 : i32
    %dma_start3A_3 = arith.constant 0 : i32
    %dma_start3A_4 = arith.constant 0 : i32
    %dma_start3A_5 = tpu.memref_slice %arg4[%dma_start3A, %dma_start3A_3, %dma_start3A_4] : memref<4x4080x128xf32, #tpu.memory_space<vmem>> -> memref<1x4080x128xf32, #tpu.memory_space<vmem>>
    %dma_start3A_6 = tpu.memref_squeeze %dma_start3A_5 : memref<1x4080x128xf32, #tpu.memory_space<vmem>> -> memref<4080x128xf32, #tpu.memory_space<vmem>>
    %dma_start3A_7 = arith.constant 0 : i32
    %dma_start3A_8 = tpu.memref_slice %arg1[%multiple_of3A_2, %dma_start3A_7] : memref<100000x128xf32, #tpu.memory_space<any>> -> memref<4080x128xf32, #tpu.memory_space<any>>
    tpu.enqueue_dma source(%dma_start3A_8 : memref<4080x128xf32, #tpu.memory_space<any>>) target(%dma_start3A_6 : memref<4080x128xf32, #tpu.memory_space<vmem>>) target_semaphore(%arg5 : memref<!tpu.dma_semaphore, #tpu.memory_space<semaphore_mem>>)
    %multiple_of3A_9 = arith.constant 4080 : i32
    %multiple_of3A_10 = tpu.assume_multiple %multiple_of3A_9, 8 : i32
    %dma_start3A_11 = arith.constant 1 : i32
    %dma_start3A_12 = arith.constant 0 : i32
    %dma_start3A_13 = arith.constant 0 : i32
    %dma_start3A_14 = tpu.memref_slice %arg4[%dma_start3A_11, %dma_start3A_12, %dma_start3A_13] : memref<4x4080x128xf32, #tpu.memory_space<vmem>> -> memref<1x4080x128xf32, #tpu.memory_space<vmem>>
    %dma_start3A_15 = tpu.memref_squeeze %dma_start3A_14 : memref<1x4080x128xf32, #tpu.memory_space<vmem>> -> memref<4080x128xf32, #tpu.memory_space<vmem>>
    %dma_start3A_16 = arith.constant 0 : i32
    %dma_start3A_17 = tpu.memref_slice %arg1[%multiple_of3A_10, %dma_start3A_16] : memref<100000x128xf32, #tpu.memory_space<any>> -> memref<4080x128xf32, #tpu.memory_space<any>>
    tpu.enqueue_dma source(%dma_start3A_17 : memref<4080x128xf32, #tpu.memory_space<any>>) target(%dma_start3A_15 : memref<4080x128xf32, #tpu.memory_space<vmem>>) target_semaphore(%arg6 : memref<!tpu.dma_semaphore, #tpu.memory_space<semaphore_mem>>)
    %multiple_of3A_18 = arith.constant 8160 : i32
    %multiple_of3A_19 = tpu.assume_multiple %multiple_of3A_18, 8 : i32
    %dma_start3A_20 = arith.constant 2 : i32
    %dma_start3A_21 = arith.constant 0 : i32
    %dma_start3A_22 = arith.constant 0 : i32
    %dma_start3A_23 = tpu.memref_slice %arg4[%dma_start3A_20, %dma_start3A_21, %dma_start3A_22] : memref<4x4080x128xf32, #tpu.memory_space<vmem>> -> memref<1x4080x128xf32, #tpu.memory_space<vmem>>
    %dma_start3A_24 = tpu.memref_squeeze %dma_start3A_23 : memref<1x4080x128xf32, #tpu.memory_space<vmem>> -> memref<4080x128xf32, #tpu.memory_space<vmem>>
    %dma_start3A_25 = arith.constant 0 : i32
    %dma_start3A_26 = tpu.memref_slice %arg1[%multiple_of3A_19, %dma_start3A_25] : memref<100000x128xf32, #tpu.memory_space<any>> -> memref<4080x128xf32, #tpu.memory_space<any>>
    tpu.enqueue_dma source(%dma_start3A_26 : memref<4080x128xf32, #tpu.memory_space<any>>) target(%dma_start3A_24 : memref<4080x128xf32, #tpu.memory_space<vmem>>) target_semaphore(%arg7 : memref<!tpu.dma_semaphore, #tpu.memory_space<semaphore_mem>>)
    %multiple_of3A_27 = arith.constant 12240 : i32
    %multiple_of3A_28 = tpu.assume_multiple %multiple_of3A_27, 8 : i32
    %dma_start3A_29 = arith.constant 3 : i32
    %dma_start3A_30 = arith.constant 0 : i32
    %dma_start3A_31 = arith.constant 0 : i32
    %dma_start3A_32 = tpu.memref_slice %arg4[%dma_start3A_29, %dma_start3A_30, %dma_start3A_31] : memref<4x4080x128xf32, #tpu.memory_space<vmem>> -> memref<1x4080x128xf32, #tpu.memory_space<vmem>>
    %dma_start3A_33 = tpu.memref_squeeze %dma_start3A_32 : memref<1x4080x128xf32, #tpu.memory_space<vmem>> -> memref<4080x128xf32, #tpu.memory_space<vmem>>
    %dma_start3A_34 = arith.constant 0 : i32
    %dma_start3A_35 = tpu.memref_slice %arg1[%multiple_of3A_28, %dma_start3A_34] : memref<100000x128xf32, #tpu.memory_space<any>> -> memref<4080x128xf32, #tpu.memory_space<any>>
    tpu.enqueue_dma source(%dma_start3A_35 : memref<4080x128xf32, #tpu.memory_space<any>>) target(%dma_start3A_33 : memref<4080x128xf32, #tpu.memory_space<vmem>>) target_semaphore(%arg8 : memref<!tpu.dma_semaphore, #tpu.memory_space<semaphore_mem>>)
    %scan3A = arith.constant 0xFF800000 : f32
    %scan3A_36 = arith.constant 0 : i32
    %scan3A_37 = arith.constant 0 : i32
    %scan3A_38 = arith.constant 4 : i32
    %scan3A_39 = arith.addi %scan3A_37, %scan3A_38 : i32
    %scan3A_40 = arith.constant 1 : i32
    %scan3A_41:2 = scf.for %scan3A_49 = %scan3A_37 to %scan3A_39 step %scan3A_40 iter_args(%scan3A_50 = %scan3A, %scan3A_51 = %scan3A_36) -> (f32, i32)  : i32 {
      %mul3A = arith.constant 4 : i32
      %mul3A_52 = arith.muli %mul3A, %scan3A_49 : i32
      %add3A = arith.constant 0 : i32
      %add3A_53 = arith.addi %mul3A_52, %add3A : i32
      %mul3A_54 = arith.constant 4080 : i32
      %mul3A_55 = arith.muli %add3A_53, %mul3A_54 : i32
      %multiple_of3A_56 = tpu.assume_multiple %mul3A_55, 8 : i32
      %dma_wait3A = arith.constant 0 : i32
      %dma_wait3A_57 = arith.constant 0 : i32
      %dma_wait3A_58 = arith.constant 0 : i32
      %dma_wait3A_59 = tpu.memref_slice %arg4[%dma_wait3A, %dma_wait3A_57, %dma_wait3A_58] : memref<4x4080x128xf32, #tpu.memory_space<vmem>> -> memref<1x4080x128xf32, #tpu.memory_space<vmem>>
      %dma_wait3A_60 = tpu.memref_squeeze %dma_wait3A_59 : memref<1x4080x128xf32, #tpu.memory_space<vmem>> -> memref<4080x128xf32, #tpu.memory_space<vmem>>
      %dma_wait3A_61 = arith.constant 0 : i32
      %dma_wait3A_62 = tpu.memref_slice %arg1[%multiple_of3A_56, %dma_wait3A_61] : memref<100000x128xf32, #tpu.memory_space<any>> -> memref<4080x128xf32, #tpu.memory_space<any>>
      tpu.wait_dma2 semaphore(%arg5 : memref<!tpu.dma_semaphore, #tpu.memory_space<semaphore_mem>>) src(%dma_wait3A_62 : memref<4080x128xf32, #tpu.memory_space<any>>) dst(%dma_wait3A_60 : memref<4080x128xf32, #tpu.memory_space<vmem>>)
      %get3A_63 = arith.constant 0 : index
      %get3A_64 = arith.constant 0 : index
      %get3A_65 = arith.constant 0 : index
      %get3A_66 = vector.load %arg4[%get3A_63, %get3A_64, %get3A_65] : memref<4x4080x128xf32, #tpu.memory_space<vmem>>, vector<1x4080x128xf32>
      %get3A_67 = vector.shape_cast %get3A_66 : vector<1x4080x128xf32> to vector<4080x128xf32>
      %add3A_68 = arith.constant 4 : i32
      %add3A_69 = arith.addi %add3A_53, %add3A_68 : i32
      %lt3A = arith.constant 16 : i32
      %lt3A_70 = arith.cmpi slt, %add3A_69, %lt3A : i32
      %convert_element_type3A = arith.extui %lt3A_70 : i1 to i32
      %cond3A = arith.constant 0 : i32
      %cond3A_71 = arith.cmpi ne, %convert_element_type3A, %cond3A : i32
      scf.if %cond3A_71 {
        %add3A_290 = arith.constant 4 : i32
        %add3A_291 = arith.addi %add3A_53, %add3A_290 : i32
        %mul3A_292 = arith.constant 4080 : i32
        %mul3A_293 = arith.muli %add3A_291, %mul3A_292 : i32
        %multiple_of3A_294 = tpu.assume_multiple %mul3A_293, 8 : i32
        %dma_start3A_295 = arith.constant 0 : i32
        %dma_start3A_296 = arith.constant 0 : i32
        %dma_start3A_297 = arith.constant 0 : i32
        %dma_start3A_298 = tpu.memref_slice %arg4[%dma_start3A_295, %dma_start3A_296, %dma_start3A_297] : memref<4x4080x128xf32, #tpu.memory_space<vmem>> -> memref<1x4080x128xf32, #tpu.memory_space<vmem>>
        %dma_start3A_299 = tpu.memref_squeeze %dma_start3A_298 : memref<1x4080x128xf32, #tpu.memory_space<vmem>> -> memref<4080x128xf32, #tpu.memory_space<vmem>>
        %dma_start3A_300 = arith.constant 0 : i32
        %dma_start3A_301 = tpu.memref_slice %arg1[%multiple_of3A_294, %dma_start3A_300] : memref<100000x128xf32, #tpu.memory_space<any>> -> memref<4080x128xf32, #tpu.memory_space<any>>
        tpu.enqueue_dma source(%dma_start3A_301 : memref<4080x128xf32, #tpu.memory_space<any>>) target(%dma_start3A_299 : memref<4080x128xf32, #tpu.memory_space<vmem>>) target_semaphore(%arg5 : memref<!tpu.dma_semaphore, #tpu.memory_space<semaphore_mem>>)
      } else {
      }
      %dot_general3A = arith.constant dense<0.000000e+00> : vector<4080x1xf32>
      %dot_general3A_72 = tpu.matmul %get3A_67, %get3A_1, %dot_general3A {dimension_numbers = #tpu.dot_dimension_numbers<[1], [1], [0], [0], [0, 0, 1, 0], [], []>, precision = #tpu.contract_precision<fp32>, transpose_lhs_hint = false} : vector<4080x128xf32>, vector<1x128xf32>, vector<4080x1xf32> -> vector<4080x1xf32>
      %squeeze3A = vector.shape_cast %dot_general3A_72 : vector<4080x1xf32> to vector<4080xf32>
      %mul3A_73 = arith.mulf %get3A_67, %get3A_67 : vector<4080x128xf32>
      %reduce_sum3A = arith.constant dense<0.000000e+00> : vector<4080xf32>
      %reduce_sum3A_74 = vector.multi_reduction <add>, %mul3A_73, %reduce_sum3A [1] : vector<4080x128xf32> to vector<4080xf32>
      %abs3A = math.absf %squeeze3A : vector<4080xf32>
      %mul3A_75 = arith.mulf %squeeze3A, %abs3A : vector<4080xf32>
      %max3A = arith.constant 1.000000e-16 : f32
      %max3A_76 = vector.broadcast %max3A : f32 to vector<4080xf32>
      %max3A_77 = arith.maximumf %reduce_sum3A_74, %max3A_76 : vector<4080xf32>
      %div3A = arith.divf %mul3A_75, %max3A_77 : vector<4080xf32>
      %mul3A_78 = arith.constant 4080 : i32
      %mul3A_79 = arith.muli %add3A_53, %mul3A_78 : i32
      %iota3A = tpu.iota {dimensions = array<i32: 1>} : vector<1x4080xi32>
      %iota3A_80 = vector.shape_cast %iota3A : vector<1x4080xi32> to vector<4080xi32>
      %add3A_81 = vector.broadcast %mul3A_79 : i32 to vector<4080xi32>
      %add3A_82 = arith.addi %add3A_81, %iota3A_80 : vector<4080xi32>
      %lt3A_83 = arith.constant 65184 : i32
      %lt3A_84 = vector.broadcast %lt3A_83 : i32 to vector<4080xi32>
      %lt3A_85 = arith.cmpi slt, %add3A_82, %lt3A_84 : vector<4080xi32>
      %jit3A = arith.constant 0xFF800000 : f32
      %broadcast_in_dim3A_86 = vector.broadcast %jit3A : f32 to vector<4080xf32>
      %select_n3A = arith.select %lt3A_85, %div3A, %broadcast_in_dim3A_86 : vector<4080xi1>, vector<4080xf32>
      %reduce_max3A = vector.shape_cast %select_n3A : vector<4080xf32> to vector<1x4080xf32>
      %reduce_max3A_87 = arith.constant dense<0xFF800000> : vector<1xf32>
      %reduce_max3A_88 = vector.multi_reduction <maximumf>, %reduce_max3A, %reduce_max3A_87 [1] : vector<1x4080xf32> to vector<1xf32>
      %reduce_max3A_89 = vector.shape_cast %reduce_max3A_88 : vector<1xf32> to vector<1x1xf32>
      %reduce_max3A_90 = vector.extract %reduce_max3A_89[0, 0] : f32 from vector<1x1xf32>
      %gt3A = arith.cmpf ogt, %reduce_max3A_90, %scan3A_50 : f32
      %mul3A_91 = arith.constant 4080 : i32
      %mul3A_92 = arith.muli %add3A_53, %mul3A_91 : i32
      %argmax3A = vector.shape_cast %select_n3A : vector<4080xf32> to vector<1x4080xf32>
      %argmax3A_93 = tpu.reduce_index %argmax3A {axis = 1 : i32, kind = #tpu.reduction_kind<arg_max>} : vector<1x4080xf32> -> vector<1xi32>
      %argmax3A_94 = vector.extract %argmax3A_93[0] : i32 from vector<1xi32>
      %add3A_95 = arith.addi %mul3A_92, %argmax3A_94 : i32
      %select_n3A_96 = arith.select %gt3A, %add3A_95, %scan3A_51 : i32
      %select_n3A_97 = arith.select %gt3A, %reduce_max3A_90, %scan3A_50 : f32
      %mul3A_98 = arith.constant 4 : i32
      %mul3A_99 = arith.muli %mul3A_98, %scan3A_49 : i32
      %add3A_100 = arith.constant 1 : i32
      %add3A_101 = arith.addi %mul3A_99, %add3A_100 : i32
      %mul3A_102 = arith.constant 4080 : i32
      %mul3A_103 = arith.muli %add3A_101, %mul3A_102 : i32
      %multiple_of3A_104 = tpu.assume_multiple %mul3A_103, 8 : i32
      %dma_wait3A_105 = arith.constant 1 : i32
      %dma_wait3A_106 = arith.constant 0 : i32
      %dma_wait3A_107 = arith.constant 0 : i32
      %dma_wait3A_108 = tpu.memref_slice %arg4[%dma_wait3A_105, %dma_wait3A_106, %dma_wait3A_107] : memref<4x4080x128xf32, #tpu.memory_space<vmem>> -> memref<1x4080x128xf32, #tpu.memory_space<vmem>>
      %dma_wait3A_109 = tpu.memref_squeeze %dma_wait3A_108 : memref<1x4080x128xf32, #tpu.memory_space<vmem>> -> memref<4080x128xf32, #tpu.memory_space<vmem>>
      %dma_wait3A_110 = arith.constant 0 : i32
      %dma_wait3A_111 = tpu.memref_slice %arg1[%multiple_of3A_104, %dma_wait3A_110] : memref<100000x128xf32, #tpu.memory_space<any>> -> memref<4080x128xf32, #tpu.memory_space<any>>
      tpu.wait_dma2 semaphore(%arg6 : memref<!tpu.dma_semaphore, #tpu.memory_space<semaphore_mem>>) src(%dma_wait3A_111 : memref<4080x128xf32, #tpu.memory_space<any>>) dst(%dma_wait3A_109 : memref<4080x128xf32, #tpu.memory_space<vmem>>)
      %get3A_112 = arith.constant 1 : index
      %get3A_113 = arith.constant 0 : index
      %get3A_114 = arith.constant 0 : index
      %get3A_115 = vector.load %arg4[%get3A_112, %get3A_113, %get3A_114] : memref<4x4080x128xf32, #tpu.memory_space<vmem>>, vector<1x4080x128xf32>
      %get3A_116 = vector.shape_cast %get3A_115 : vector<1x4080x128xf32> to vector<4080x128xf32>
      %add3A_117 = arith.constant 4 : i32
      %add3A_118 = arith.addi %add3A_101, %add3A_117 : i32
      %lt3A_119 = arith.constant 16 : i32
      %lt3A_120 = arith.cmpi slt, %add3A_118, %lt3A_119 : i32
      %convert_element_type3A_121 = arith.extui %lt3A_120 : i1 to i32
      %cond3A_122 = arith.constant 0 : i32
      %cond3A_123 = arith.cmpi ne, %convert_element_type3A_121, %cond3A_122 : i32
      scf.if %cond3A_123 {
        %add3A_290 = arith.constant 4 : i32
        %add3A_291 = arith.addi %add3A_101, %add3A_290 : i32
        %mul3A_292 = arith.constant 4080 : i32
        %mul3A_293 = arith.muli %add3A_291, %mul3A_292 : i32
        %multiple_of3A_294 = tpu.assume_multiple %mul3A_293, 8 : i32
        %dma_start3A_295 = arith.constant 1 : i32
        %dma_start3A_296 = arith.constant 0 : i32
        %dma_start3A_297 = arith.constant 0 : i32
        %dma_start3A_298 = tpu.memref_slice %arg4[%dma_start3A_295, %dma_start3A_296, %dma_start3A_297] : memref<4x4080x128xf32, #tpu.memory_space<vmem>> -> memref<1x4080x128xf32, #tpu.memory_space<vmem>>
        %dma_start3A_299 = tpu.memref_squeeze %dma_start3A_298 : memref<1x4080x128xf32, #tpu.memory_space<vmem>> -> memref<4080x128xf32, #tpu.memory_space<vmem>>
        %dma_start3A_300 = arith.constant 0 : i32
        %dma_start3A_301 = tpu.memref_slice %arg1[%multiple_of3A_294, %dma_start3A_300] : memref<100000x128xf32, #tpu.memory_space<any>> -> memref<4080x128xf32, #tpu.memory_space<any>>
        tpu.enqueue_dma source(%dma_start3A_301 : memref<4080x128xf32, #tpu.memory_space<any>>) target(%dma_start3A_299 : memref<4080x128xf32, #tpu.memory_space<vmem>>) target_semaphore(%arg6 : memref<!tpu.dma_semaphore, #tpu.memory_space<semaphore_mem>>)
      } else {
      }
      %dot_general3A_124 = arith.constant dense<0.000000e+00> : vector<4080x1xf32>
      %dot_general3A_125 = tpu.matmul %get3A_116, %get3A_1, %dot_general3A_124 {dimension_numbers = #tpu.dot_dimension_numbers<[1], [1], [0], [0], [0, 0, 1, 0], [], []>, precision = #tpu.contract_precision<fp32>, transpose_lhs_hint = false} : vector<4080x128xf32>, vector<1x128xf32>, vector<4080x1xf32> -> vector<4080x1xf32>
      %squeeze3A_126 = vector.shape_cast %dot_general3A_125 : vector<4080x1xf32> to vector<4080xf32>
      %mul3A_127 = arith.mulf %get3A_116, %get3A_116 : vector<4080x128xf32>
      %reduce_sum3A_128 = arith.constant dense<0.000000e+00> : vector<4080xf32>
      %reduce_sum3A_129 = vector.multi_reduction <add>, %mul3A_127, %reduce_sum3A_128 [1] : vector<4080x128xf32> to vector<4080xf32>
      %abs3A_130 = math.absf %squeeze3A_126 : vector<4080xf32>
      %mul3A_131 = arith.mulf %squeeze3A_126, %abs3A_130 : vector<4080xf32>
      %max3A_132 = arith.constant 1.000000e-16 : f32
      %max3A_133 = vector.broadcast %max3A_132 : f32 to vector<4080xf32>
      %max3A_134 = arith.maximumf %reduce_sum3A_129, %max3A_133 : vector<4080xf32>
      %div3A_135 = arith.divf %mul3A_131, %max3A_134 : vector<4080xf32>
      %mul3A_136 = arith.constant 4080 : i32
      %mul3A_137 = arith.muli %add3A_101, %mul3A_136 : i32
      %iota3A_138 = tpu.iota {dimensions = array<i32: 1>} : vector<1x4080xi32>
      %iota3A_139 = vector.shape_cast %iota3A_138 : vector<1x4080xi32> to vector<4080xi32>
      %add3A_140 = vector.broadcast %mul3A_137 : i32 to vector<4080xi32>
      %add3A_141 = arith.addi %add3A_140, %iota3A_139 : vector<4080xi32>
      %lt3A_142 = arith.constant 65184 : i32
      %lt3A_143 = vector.broadcast %lt3A_142 : i32 to vector<4080xi32>
      %lt3A_144 = arith.cmpi slt, %add3A_141, %lt3A_143 : vector<4080xi32>
      %jit3A_145 = arith.constant 0xFF800000 : f32
      %broadcast_in_dim3A_146 = vector.broadcast %jit3A_145 : f32 to vector<4080xf32>
      %select_n3A_147 = arith.select %lt3A_144, %div3A_135, %broadcast_in_dim3A_146 : vector<4080xi1>, vector<4080xf32>
      %reduce_max3A_148 = vector.shape_cast %select_n3A_147 : vector<4080xf32> to vector<1x4080xf32>
      %reduce_max3A_149 = arith.constant dense<0xFF800000> : vector<1xf32>
      %reduce_max3A_150 = vector.multi_reduction <maximumf>, %reduce_max3A_148, %reduce_max3A_149 [1] : vector<1x4080xf32> to vector<1xf32>
      %reduce_max3A_151 = vector.shape_cast %reduce_max3A_150 : vector<1xf32> to vector<1x1xf32>
      %reduce_max3A_152 = vector.extract %reduce_max3A_151[0, 0] : f32 from vector<1x1xf32>
      %gt3A_153 = arith.cmpf ogt, %reduce_max3A_152, %select_n3A_97 : f32
      %mul3A_154 = arith.constant 4080 : i32
      %mul3A_155 = arith.muli %add3A_101, %mul3A_154 : i32
      %argmax3A_156 = vector.shape_cast %select_n3A_147 : vector<4080xf32> to vector<1x4080xf32>
      %argmax3A_157 = tpu.reduce_index %argmax3A_156 {axis = 1 : i32, kind = #tpu.reduction_kind<arg_max>} : vector<1x4080xf32> -> vector<1xi32>
      %argmax3A_158 = vector.extract %argmax3A_157[0] : i32 from vector<1xi32>
      %add3A_159 = arith.addi %mul3A_155, %argmax3A_158 : i32
      %select_n3A_160 = arith.select %gt3A_153, %add3A_159, %select_n3A_96 : i32
      %select_n3A_161 = arith.select %gt3A_153, %reduce_max3A_152, %select_n3A_97 : f32
      %mul3A_162 = arith.constant 4 : i32
      %mul3A_163 = arith.muli %mul3A_162, %scan3A_49 : i32
      %add3A_164 = arith.constant 2 : i32
      %add3A_165 = arith.addi %mul3A_163, %add3A_164 : i32
      %mul3A_166 = arith.constant 4080 : i32
      %mul3A_167 = arith.muli %add3A_165, %mul3A_166 : i32
      %multiple_of3A_168 = tpu.assume_multiple %mul3A_167, 8 : i32
      %dma_wait3A_169 = arith.constant 2 : i32
      %dma_wait3A_170 = arith.constant 0 : i32
      %dma_wait3A_171 = arith.constant 0 : i32
      %dma_wait3A_172 = tpu.memref_slice %arg4[%dma_wait3A_169, %dma_wait3A_170, %dma_wait3A_171] : memref<4x4080x128xf32, #tpu.memory_space<vmem>> -> memref<1x4080x128xf32, #tpu.memory_space<vmem>>
      %dma_wait3A_173 = tpu.memref_squeeze %dma_wait3A_172 : memref<1x4080x128xf32, #tpu.memory_space<vmem>> -> memref<4080x128xf32, #tpu.memory_space<vmem>>
      %dma_wait3A_174 = arith.constant 0 : i32
      %dma_wait3A_175 = tpu.memref_slice %arg1[%multiple_of3A_168, %dma_wait3A_174] : memref<100000x128xf32, #tpu.memory_space<any>> -> memref<4080x128xf32, #tpu.memory_space<any>>
      tpu.wait_dma2 semaphore(%arg7 : memref<!tpu.dma_semaphore, #tpu.memory_space<semaphore_mem>>) src(%dma_wait3A_175 : memref<4080x128xf32, #tpu.memory_space<any>>) dst(%dma_wait3A_173 : memref<4080x128xf32, #tpu.memory_space<vmem>>)
      %get3A_176 = arith.constant 2 : index
      %get3A_177 = arith.constant 0 : index
      %get3A_178 = arith.constant 0 : index
      %get3A_179 = vector.load %arg4[%get3A_176, %get3A_177, %get3A_178] : memref<4x4080x128xf32, #tpu.memory_space<vmem>>, vector<1x4080x128xf32>
      %get3A_180 = vector.shape_cast %get3A_179 : vector<1x4080x128xf32> to vector<4080x128xf32>
      %add3A_181 = arith.constant 4 : i32
      %add3A_182 = arith.addi %add3A_165, %add3A_181 : i32
      %lt3A_183 = arith.constant 16 : i32
      %lt3A_184 = arith.cmpi slt, %add3A_182, %lt3A_183 : i32
      %convert_element_type3A_185 = arith.extui %lt3A_184 : i1 to i32
      %cond3A_186 = arith.constant 0 : i32
      %cond3A_187 = arith.cmpi ne, %convert_element_type3A_185, %cond3A_186 : i32
      scf.if %cond3A_187 {
        %add3A_290 = arith.constant 4 : i32
        %add3A_291 = arith.addi %add3A_165, %add3A_290 : i32
        %mul3A_292 = arith.constant 4080 : i32
        %mul3A_293 = arith.muli %add3A_291, %mul3A_292 : i32
        %multiple_of3A_294 = tpu.assume_multiple %mul3A_293, 8 : i32
        %dma_start3A_295 = arith.constant 2 : i32
        %dma_start3A_296 = arith.constant 0 : i32
        %dma_start3A_297 = arith.constant 0 : i32
        %dma_start3A_298 = tpu.memref_slice %arg4[%dma_start3A_295, %dma_start3A_296, %dma_start3A_297] : memref<4x4080x128xf32, #tpu.memory_space<vmem>> -> memref<1x4080x128xf32, #tpu.memory_space<vmem>>
        %dma_start3A_299 = tpu.memref_squeeze %dma_start3A_298 : memref<1x4080x128xf32, #tpu.memory_space<vmem>> -> memref<4080x128xf32, #tpu.memory_space<vmem>>
        %dma_start3A_300 = arith.constant 0 : i32
        %dma_start3A_301 = tpu.memref_slice %arg1[%multiple_of3A_294, %dma_start3A_300] : memref<100000x128xf32, #tpu.memory_space<any>> -> memref<4080x128xf32, #tpu.memory_space<any>>
        tpu.enqueue_dma source(%dma_start3A_301 : memref<4080x128xf32, #tpu.memory_space<any>>) target(%dma_start3A_299 : memref<4080x128xf32, #tpu.memory_space<vmem>>) target_semaphore(%arg7 : memref<!tpu.dma_semaphore, #tpu.memory_space<semaphore_mem>>)
      } else {
      }
      %dot_general3A_188 = arith.constant dense<0.000000e+00> : vector<4080x1xf32>
      %dot_general3A_189 = tpu.matmul %get3A_180, %get3A_1, %dot_general3A_188 {dimension_numbers = #tpu.dot_dimension_numbers<[1], [1], [0], [0], [0, 0, 1, 0], [], []>, precision = #tpu.contract_precision<fp32>, transpose_lhs_hint = false} : vector<4080x128xf32>, vector<1x128xf32>, vector<4080x1xf32> -> vector<4080x1xf32>
      %squeeze3A_190 = vector.shape_cast %dot_general3A_189 : vector<4080x1xf32> to vector<4080xf32>
      %mul3A_191 = arith.mulf %get3A_180, %get3A_180 : vector<4080x128xf32>
      %reduce_sum3A_192 = arith.constant dense<0.000000e+00> : vector<4080xf32>
      %reduce_sum3A_193 = vector.multi_reduction <add>, %mul3A_191, %reduce_sum3A_192 [1] : vector<4080x128xf32> to vector<4080xf32>
      %abs3A_194 = math.absf %squeeze3A_190 : vector<4080xf32>
      %mul3A_195 = arith.mulf %squeeze3A_190, %abs3A_194 : vector<4080xf32>
      %max3A_196 = arith.constant 1.000000e-16 : f32
      %max3A_197 = vector.broadcast %max3A_196 : f32 to vector<4080xf32>
      %max3A_198 = arith.maximumf %reduce_sum3A_193, %max3A_197 : vector<4080xf32>
      %div3A_199 = arith.divf %mul3A_195, %max3A_198 : vector<4080xf32>
      %mul3A_200 = arith.constant 4080 : i32
      %mul3A_201 = arith.muli %add3A_165, %mul3A_200 : i32
      %iota3A_202 = tpu.iota {dimensions = array<i32: 1>} : vector<1x4080xi32>
      %iota3A_203 = vector.shape_cast %iota3A_202 : vector<1x4080xi32> to vector<4080xi32>
      %add3A_204 = vector.broadcast %mul3A_201 : i32 to vector<4080xi32>
      %add3A_205 = arith.addi %add3A_204, %iota3A_203 : vector<4080xi32>
      %lt3A_206 = arith.constant 65184 : i32
      %lt3A_207 = vector.broadcast %lt3A_206 : i32 to vector<4080xi32>
      %lt3A_208 = arith.cmpi slt, %add3A_205, %lt3A_207 : vector<4080xi32>
      %jit3A_209 = arith.constant 0xFF800000 : f32
      %broadcast_in_dim3A_210 = vector.broadcast %jit3A_209 : f32 to vector<4080xf32>
      %select_n3A_211 = arith.select %lt3A_208, %div3A_199, %broadcast_in_dim3A_210 : vector<4080xi1>, vector<4080xf32>
      %reduce_max3A_212 = vector.shape_cast %select_n3A_211 : vector<4080xf32> to vector<1x4080xf32>
      %reduce_max3A_213 = arith.constant dense<0xFF800000> : vector<1xf32>
      %reduce_max3A_214 = vector.multi_reduction <maximumf>, %reduce_max3A_212, %reduce_max3A_213 [1] : vector<1x4080xf32> to vector<1xf32>
      %reduce_max3A_215 = vector.shape_cast %reduce_max3A_214 : vector<1xf32> to vector<1x1xf32>
      %reduce_max3A_216 = vector.extract %reduce_max3A_215[0, 0] : f32 from vector<1x1xf32>
      %gt3A_217 = arith.cmpf ogt, %reduce_max3A_216, %select_n3A_161 : f32
      %mul3A_218 = arith.constant 4080 : i32
      %mul3A_219 = arith.muli %add3A_165, %mul3A_218 : i32
      %argmax3A_220 = vector.shape_cast %select_n3A_211 : vector<4080xf32> to vector<1x4080xf32>
      %argmax3A_221 = tpu.reduce_index %argmax3A_220 {axis = 1 : i32, kind = #tpu.reduction_kind<arg_max>} : vector<1x4080xf32> -> vector<1xi32>
      %argmax3A_222 = vector.extract %argmax3A_221[0] : i32 from vector<1xi32>
      %add3A_223 = arith.addi %mul3A_219, %argmax3A_222 : i32
      %select_n3A_224 = arith.select %gt3A_217, %add3A_223, %select_n3A_160 : i32
      %select_n3A_225 = arith.select %gt3A_217, %reduce_max3A_216, %select_n3A_161 : f32
      %mul3A_226 = arith.constant 4 : i32
      %mul3A_227 = arith.muli %mul3A_226, %scan3A_49 : i32
      %add3A_228 = arith.constant 3 : i32
      %add3A_229 = arith.addi %mul3A_227, %add3A_228 : i32
      %mul3A_230 = arith.constant 4080 : i32
      %mul3A_231 = arith.muli %add3A_229, %mul3A_230 : i32
      %multiple_of3A_232 = tpu.assume_multiple %mul3A_231, 8 : i32
      %dma_wait3A_233 = arith.constant 3 : i32
      %dma_wait3A_234 = arith.constant 0 : i32
      %dma_wait3A_235 = arith.constant 0 : i32
      %dma_wait3A_236 = tpu.memref_slice %arg4[%dma_wait3A_233, %dma_wait3A_234, %dma_wait3A_235] : memref<4x4080x128xf32, #tpu.memory_space<vmem>> -> memref<1x4080x128xf32, #tpu.memory_space<vmem>>
      %dma_wait3A_237 = tpu.memref_squeeze %dma_wait3A_236 : memref<1x4080x128xf32, #tpu.memory_space<vmem>> -> memref<4080x128xf32, #tpu.memory_space<vmem>>
      %dma_wait3A_238 = arith.constant 0 : i32
      %dma_wait3A_239 = tpu.memref_slice %arg1[%multiple_of3A_232, %dma_wait3A_238] : memref<100000x128xf32, #tpu.memory_space<any>> -> memref<4080x128xf32, #tpu.memory_space<any>>
      tpu.wait_dma2 semaphore(%arg8 : memref<!tpu.dma_semaphore, #tpu.memory_space<semaphore_mem>>) src(%dma_wait3A_239 : memref<4080x128xf32, #tpu.memory_space<any>>) dst(%dma_wait3A_237 : memref<4080x128xf32, #tpu.memory_space<vmem>>)
      %get3A_240 = arith.constant 3 : index
      %get3A_241 = arith.constant 0 : index
      %get3A_242 = arith.constant 0 : index
      %get3A_243 = vector.load %arg4[%get3A_240, %get3A_241, %get3A_242] : memref<4x4080x128xf32, #tpu.memory_space<vmem>>, vector<1x4080x128xf32>
      %get3A_244 = vector.shape_cast %get3A_243 : vector<1x4080x128xf32> to vector<4080x128xf32>
      %add3A_245 = arith.constant 4 : i32
      %add3A_246 = arith.addi %add3A_229, %add3A_245 : i32
      %lt3A_247 = arith.constant 16 : i32
      %lt3A_248 = arith.cmpi slt, %add3A_246, %lt3A_247 : i32
      %convert_element_type3A_249 = arith.extui %lt3A_248 : i1 to i32
      %cond3A_250 = arith.constant 0 : i32
      %cond3A_251 = arith.cmpi ne, %convert_element_type3A_249, %cond3A_250 : i32
      scf.if %cond3A_251 {
        %add3A_290 = arith.constant 4 : i32
        %add3A_291 = arith.addi %add3A_229, %add3A_290 : i32
        %mul3A_292 = arith.constant 4080 : i32
        %mul3A_293 = arith.muli %add3A_291, %mul3A_292 : i32
        %multiple_of3A_294 = tpu.assume_multiple %mul3A_293, 8 : i32
        %dma_start3A_295 = arith.constant 3 : i32
        %dma_start3A_296 = arith.constant 0 : i32
        %dma_start3A_297 = arith.constant 0 : i32
        %dma_start3A_298 = tpu.memref_slice %arg4[%dma_start3A_295, %dma_start3A_296, %dma_start3A_297] : memref<4x4080x128xf32, #tpu.memory_space<vmem>> -> memref<1x4080x128xf32, #tpu.memory_space<vmem>>
        %dma_start3A_299 = tpu.memref_squeeze %dma_start3A_298 : memref<1x4080x128xf32, #tpu.memory_space<vmem>> -> memref<4080x128xf32, #tpu.memory_space<vmem>>
        %dma_start3A_300 = arith.constant 0 : i32
        %dma_start3A_301 = tpu.memref_slice %arg1[%multiple_of3A_294, %dma_start3A_300] : memref<100000x128xf32, #tpu.memory_space<any>> -> memref<4080x128xf32, #tpu.memory_space<any>>
        tpu.enqueue_dma source(%dma_start3A_301 : memref<4080x128xf32, #tpu.memory_space<any>>) target(%dma_start3A_299 : memref<4080x128xf32, #tpu.memory_space<vmem>>) target_semaphore(%arg8 : memref<!tpu.dma_semaphore, #tpu.memory_space<semaphore_mem>>)
      } else {
      }
      %dot_general3A_252 = arith.constant dense<0.000000e+00> : vector<4080x1xf32>
      %dot_general3A_253 = tpu.matmul %get3A_244, %get3A_1, %dot_general3A_252 {dimension_numbers = #tpu.dot_dimension_numbers<[1], [1], [0], [0], [0, 0, 1, 0], [], []>, precision = #tpu.contract_precision<fp32>, transpose_lhs_hint = false} : vector<4080x128xf32>, vector<1x128xf32>, vector<4080x1xf32> -> vector<4080x1xf32>
      %squeeze3A_254 = vector.shape_cast %dot_general3A_253 : vector<4080x1xf32> to vector<4080xf32>
      %mul3A_255 = arith.mulf %get3A_244, %get3A_244 : vector<4080x128xf32>
      %reduce_sum3A_256 = arith.constant dense<0.000000e+00> : vector<4080xf32>
      %reduce_sum3A_257 = vector.multi_reduction <add>, %mul3A_255, %reduce_sum3A_256 [1] : vector<4080x128xf32> to vector<4080xf32>
      %abs3A_258 = math.absf %squeeze3A_254 : vector<4080xf32>
      %mul3A_259 = arith.mulf %squeeze3A_254, %abs3A_258 : vector<4080xf32>
      %max3A_260 = arith.constant 1.000000e-16 : f32
      %max3A_261 = vector.broadcast %max3A_260 : f32 to vector<4080xf32>
      %max3A_262 = arith.maximumf %reduce_sum3A_257, %max3A_261 : vector<4080xf32>
      %div3A_263 = arith.divf %mul3A_259, %max3A_262 : vector<4080xf32>
      %mul3A_264 = arith.constant 4080 : i32
      %mul3A_265 = arith.muli %add3A_229, %mul3A_264 : i32
      %iota3A_266 = tpu.iota {dimensions = array<i32: 1>} : vector<1x4080xi32>
      %iota3A_267 = vector.shape_cast %iota3A_266 : vector<1x4080xi32> to vector<4080xi32>
      %add3A_268 = vector.broadcast %mul3A_265 : i32 to vector<4080xi32>
      %add3A_269 = arith.addi %add3A_268, %iota3A_267 : vector<4080xi32>
      %lt3A_270 = arith.constant 65184 : i32
      %lt3A_271 = vector.broadcast %lt3A_270 : i32 to vector<4080xi32>
      %lt3A_272 = arith.cmpi slt, %add3A_269, %lt3A_271 : vector<4080xi32>
      %jit3A_273 = arith.constant 0xFF800000 : f32
      %broadcast_in_dim3A_274 = vector.broadcast %jit3A_273 : f32 to vector<4080xf32>
      %select_n3A_275 = arith.select %lt3A_272, %div3A_263, %broadcast_in_dim3A_274 : vector<4080xi1>, vector<4080xf32>
      %reduce_max3A_276 = vector.shape_cast %select_n3A_275 : vector<4080xf32> to vector<1x4080xf32>
      %reduce_max3A_277 = arith.constant dense<0xFF800000> : vector<1xf32>
      %reduce_max3A_278 = vector.multi_reduction <maximumf>, %reduce_max3A_276, %reduce_max3A_277 [1] : vector<1x4080xf32> to vector<1xf32>
      %reduce_max3A_279 = vector.shape_cast %reduce_max3A_278 : vector<1xf32> to vector<1x1xf32>
      %reduce_max3A_280 = vector.extract %reduce_max3A_279[0, 0] : f32 from vector<1x1xf32>
      %gt3A_281 = arith.cmpf ogt, %reduce_max3A_280, %select_n3A_225 : f32
      %mul3A_282 = arith.constant 4080 : i32
      %mul3A_283 = arith.muli %add3A_229, %mul3A_282 : i32
      %argmax3A_284 = vector.shape_cast %select_n3A_275 : vector<4080xf32> to vector<1x4080xf32>
      %argmax3A_285 = tpu.reduce_index %argmax3A_284 {axis = 1 : i32, kind = #tpu.reduction_kind<arg_max>} : vector<1x4080xf32> -> vector<1xi32>
      %argmax3A_286 = vector.extract %argmax3A_285[0] : i32 from vector<1xi32>
      %add3A_287 = arith.addi %mul3A_283, %argmax3A_286 : i32
      %select_n3A_288 = arith.select %gt3A_281, %add3A_287, %select_n3A_224 : i32
      %select_n3A_289 = arith.select %gt3A_281, %reduce_max3A_280, %select_n3A_225 : f32
      scf.yield %select_n3A_289, %select_n3A_288 : f32, i32
    }
    %scan3A_42 = arith.constant 4 : i32
    %broadcast_in_dim3A = vector.broadcast %scan3A_41#0 : f32 to vector<1x128xf32>
    %swap3A = arith.constant 0 : index
    %swap3A_43 = arith.constant 0 : index
    %swap3A_44 = vector.load %arg2[%swap3A, %swap3A_43] : memref<1x128xf32, #tpu.memory_space<vmem>>, vector<1x128xf32>
    tpu.vector_store %arg2[%swap3A, %swap3A_43], %broadcast_in_dim3A {strides = array<i32>} : memref<1x128xf32, #tpu.memory_space<vmem>>, vector<1x128xf32>,
    %broadcast_in_dim3A_45 = vector.broadcast %scan3A_41#1 : i32 to vector<1x128xi32>
    %swap3A_46 = arith.constant 0 : index
    %swap3A_47 = arith.constant 0 : index
    %swap3A_48 = vector.load %arg3[%swap3A_46, %swap3A_47] : memref<1x128xi32, #tpu.memory_space<vmem>>, vector<1x128xi32>
    tpu.vector_store %arg3[%swap3A_46, %swap3A_47], %broadcast_in_dim3A_45 {strides = array<i32>} : memref<1x128xi32, #tpu.memory_space<vmem>>, vector<1x128xi32>,
    return
  }
}

module attributes {stable_mosaic.version = 14 : i64} {
  func.func @_merge_body(%arg0: memref<100000x128xf32, #tpu.memory_space<any>>, %arg1: memref<4x128xf32, #tpu.memory_space<vmem>>, %arg2: memref<4x128xi32, #tpu.memory_space<vmem>>, %arg3: memref<1x128xf32, #tpu.memory_space<vmem>>, %arg4: memref<1x128xi32, #tpu.memory_space<vmem>>, %arg5: memref<1x128xf32, #tpu.memory_space<vmem>>, %arg6: memref<1x128xf32, #tpu.memory_space<vmem>>, %arg7: memref<!tpu.dma_semaphore, #tpu.memory_space<semaphore_mem>>) attributes {dimension_semantics = [], scalar_prefetch = 0 : i64, scratch_operands = 2 : i64, tpu.core_type = #tpu.core_type<tc>} {
    %get3A = arith.constant 0 : index
    %get3A_0 = arith.constant 0 : index
    %get3A_1 = vector.load %arg1[%get3A, %get3A_0] : memref<4x128xf32, #tpu.memory_space<vmem>>, vector<4x128xf32>
    %get3A_2 = arith.constant 0 : index
    %get3A_3 = arith.constant 0 : index
    %get3A_4 = vector.load %arg2[%get3A_2, %get3A_3] : memref<4x128xi32, #tpu.memory_space<vmem>>, vector<4x128xi32>
    %get3A_5 = arith.constant 0 : index
    %get3A_6 = arith.constant 0 : index
    %get3A_7 = vector.load %arg3[%get3A_5, %get3A_6] : memref<1x128xf32, #tpu.memory_space<vmem>>, vector<1x128xf32>
    %get3A_8 = arith.constant 0 : index
    %get3A_9 = arith.constant 0 : index
    %get3A_10 = vector.load %arg4[%get3A_8, %get3A_9] : memref<1x128xi32, #tpu.memory_space<vmem>>, vector<1x128xi32>
    %reduce_max3A = vector.shape_cast %get3A_1 : vector<4x128xf32> to vector<1x4x128xf32>
    %reduce_max3A_11 = arith.constant dense<0xFF800000> : vector<1xf32>
    %reduce_max3A_12 = vector.multi_reduction <maximumf>, %reduce_max3A, %reduce_max3A_11 [1, 2] : vector<1x4x128xf32> to vector<1xf32>
    %reduce_max3A_13 = vector.shape_cast %reduce_max3A_12 : vector<1xf32> to vector<1x1x1xf32>
    %reduce_max3A_14 = vector.extract %reduce_max3A_13[0, 0, 0] : f32 from vector<1x1x1xf32>
    %reduce_max3A_15 = vector.shape_cast %get3A_7 : vector<1x128xf32> to vector<1x1x128xf32>
    %reduce_max3A_16 = arith.constant dense<0xFF800000> : vector<1xf32>
    %reduce_max3A_17 = vector.multi_reduction <maximumf>, %reduce_max3A_15, %reduce_max3A_16 [1, 2] : vector<1x1x128xf32> to vector<1xf32>
    %reduce_max3A_18 = vector.shape_cast %reduce_max3A_17 : vector<1xf32> to vector<1x1x1xf32>
    %reduce_max3A_19 = vector.extract %reduce_max3A_18[0, 0, 0] : f32 from vector<1x1x1xf32>
    %max3A = arith.maximumf %reduce_max3A_14, %reduce_max3A_19 : f32
    %eq3A = vector.broadcast %max3A : f32 to vector<4x128xf32>
    %eq3A_20 = arith.cmpf oeq, %get3A_1, %eq3A : vector<4x128xf32>
    %jit3A = arith.constant 2147483647 : i32
    %broadcast_in_dim3A = vector.broadcast %jit3A : i32 to vector<4x128xi32>
    %select_n3A = arith.select %eq3A_20, %get3A_4, %broadcast_in_dim3A : vector<4x128xi1>, vector<4x128xi32>
    %reduce_min3A = vector.shape_cast %select_n3A : vector<4x128xi32> to vector<1x4x128xi32>
    %reduce_min3A_21 = arith.constant dense<2147483647> : vector<1xi32>
    %reduce_min3A_22 = vector.multi_reduction <minsi>, %reduce_min3A, %reduce_min3A_21 [1, 2] : vector<1x4x128xi32> to vector<1xi32>
    %reduce_min3A_23 = vector.shape_cast %reduce_min3A_22 : vector<1xi32> to vector<1x1x1xi32>
    %reduce_min3A_24 = vector.extract %reduce_min3A_23[0, 0, 0] : i32 from vector<1x1x1xi32>
    %eq3A_25 = vector.broadcast %max3A : f32 to vector<1x128xf32>
    %eq3A_26 = arith.cmpf oeq, %get3A_7, %eq3A_25 : vector<1x128xf32>
    %jit3A_27 = arith.constant 2147483647 : i32
    %broadcast_in_dim3A_28 = vector.broadcast %jit3A_27 : i32 to vector<1x128xi32>
    %select_n3A_29 = arith.select %eq3A_26, %get3A_10, %broadcast_in_dim3A_28 : vector<1x128xi1>, vector<1x128xi32>
    %reduce_min3A_30 = vector.shape_cast %select_n3A_29 : vector<1x128xi32> to vector<1x1x128xi32>
    %reduce_min3A_31 = arith.constant dense<2147483647> : vector<1xi32>
    %reduce_min3A_32 = vector.multi_reduction <minsi>, %reduce_min3A_30, %reduce_min3A_31 [1, 2] : vector<1x1x128xi32> to vector<1xi32>
    %reduce_min3A_33 = vector.shape_cast %reduce_min3A_32 : vector<1xi32> to vector<1x1x1xi32>
    %reduce_min3A_34 = vector.extract %reduce_min3A_33[0, 0, 0] : i32 from vector<1x1x1xi32>
    %min3A = arith.minsi %reduce_min3A_24, %reduce_min3A_34 : i32
    %dma_start3A = arith.constant 0 : i32
    %dma_start3A_35 = tpu.memref_slice %arg0[%min3A, %dma_start3A] : memref<100000x128xf32, #tpu.memory_space<any>> -> memref<1x128xf32, #tpu.memory_space<any>>
    tpu.enqueue_dma source(%dma_start3A_35 : memref<1x128xf32, #tpu.memory_space<any>>) target(%arg6 : memref<1x128xf32, #tpu.memory_space<vmem>>) target_semaphore(%arg7 : memref<!tpu.dma_semaphore, #tpu.memory_space<semaphore_mem>>)
    %dma_wait3A = arith.constant 0 : i32
    %dma_wait3A_36 = tpu.memref_slice %arg0[%min3A, %dma_wait3A] : memref<100000x128xf32, #tpu.memory_space<any>> -> memref<1x128xf32, #tpu.memory_space<any>>
    tpu.wait_dma2 semaphore(%arg7 : memref<!tpu.dma_semaphore, #tpu.memory_space<semaphore_mem>>) src(%dma_wait3A_36 : memref<1x128xf32, #tpu.memory_space<any>>) dst(%arg6 : memref<1x128xf32, #tpu.memory_space<vmem>>)
    %get3A_37 = arith.constant 0 : index
    %get3A_38 = arith.constant 0 : index
    %get3A_39 = vector.load %arg6[%get3A_37, %get3A_38] : memref<1x128xf32, #tpu.memory_space<vmem>>, vector<1x128xf32>
    %swap3A = arith.constant 0 : index
    %swap3A_40 = arith.constant 0 : index
    %swap3A_41 = vector.load %arg5[%swap3A, %swap3A_40] : memref<1x128xf32, #tpu.memory_space<vmem>>, vector<1x128xf32>
    tpu.vector_store %arg5[%swap3A, %swap3A_40], %get3A_39 {strides = array<i32>} : memref<1x128xf32, #tpu.memory_space<vmem>>, vector<1x128xf32>,
    return
  }
}

</mosaic_0001>

<sc_bundles>
// kernel: kernel.5.cloned.1.call-start
scs
__scs_entry_jumppad:
0x0: {  	(pc) =	sbr.rel $0x88, $3  }
0x1: {  	(tag) =	ssettag $0x0;
	lr =	simm.s32 $0x1  }
0x2: {  	[smem:$0x3F9F] =	sst lr;
	_ =	strace $0xD0000000  }
0x3: {  	_ = 	snop  }
0x4: {  	_ = 	snop  }
0x5: {  	_ = 	snop  }
0x6: {  	_ = 	snop  }
0x7: {  	_ = 	snop  }
__scs_overlays_trampoline_lowered:
0x8: {  	[smem:$0x3FAE] =	sst s0  }
0x9: {  	[smem:$0x3FAF] =	sst s1  }
0xa: {  	[smem:$0x3FB0] =	sst s2  }
0xb: {  	[smem:$0x3FB1] =	sst s3  }
0xc: {  	[smem:$0x3FB2] =	sst s4  }
0xd: {  	[smem:$0x3FB3] =	sst s5  }
0xe: {  	[smem:$0x3FB4] =	sst s6  }
0xf: {  	[smem:$0x3FB5] =	sst s7  }
0x10: {  	[smem:$0x3FB6] =	sst s8  }
0x11: {  	[smem:$0x3FB7] =	sst s9;
	s0 =	simm.s32 @!p0 $0x0  }
0x12: {  	s1 =	sld [smem:$0x3F9D];
	s0 =	simm.s32 @p0 $0x1  }
0x13: {  	[smem:$0x3FB8] =	sst s0;
	s0 =	simm.s32 @!p1 $0x0  }
0x14: {  	s2 =	sld [smem:$0x3F9C];
	s0 =	simm.s32 @p1 $0x1  }
0x15: {  	[smem:$0x3FB9] =	sst s0;
	s0 =	simm.s32 @!p2 $0x0  }
0x16: {  	s3 =	sld [smem:$0x3FDB];
	s0 =	simm.s32 @p2 $0x1  }
0x17: {  	s4 =	simm.s32 $0x1BF5;
	[smem:$0x3FBB] =	sst s0  }
0x18: {  	s0 =	sld [smem:$0x3F9E];
	_ =	swait.ge [sflag:s4], $0x0  }
0x19: {  	s7 =	sld [smem:$0x3F9F]  }
0x1a: {  	s8 =	sadd.s32 $0xFFFFE003, lr  }
0x1b: {  	s9 =	sadd.s32 $0xFFFFFEF7, lr;
	s5 =	simm.s32 $0xFFFFFFFF;
	p2 =	slt.u32 s8, $0xFFFFF086  }
0x1c: {  	p1 =	slt.u32 s9, $0xF7A;
	s5 =	simm.s32 @!p2 $0x0  }
0x1d: {  	s5 =	simm.s32 @p1 $0x1;
	p0 =	seq.s32 s7, s2  }
0x1e: {  	s7 =	smul.u32 @!p0 $0xF7A, s2;
	p2 =	seq.s32 @!p0 s5, $0x0  }
0x1f: {  	s9 =	smul.u32 $0xF7A, s1;
	s8 =	simm.s32 @!p0 $0x1BF5;
	p2 =	por !p2, p0  }
0x20: {  	[sflag:s8] =	ssyncset.s32 @!p0 $0xFFFFF086;
	s6 =	sadd.s32 @!p0 s3, s7;
	s7 =	simm.s32 @!p0 $0x108  }
0x21: {  	s3 =	sadd.s32 s3, s9;
	s6 =	sadd.s32 @!p0 $0x88, s6;
	s7 =	simm.s32 @p2 $0x1082  }
0x22: {  	[simem:s7], [sflag:s8] =	dma.local @!p0 [hbm:s6], $0xF7A  }
0x23: {  	s9 =	sor.u32 $0xD0000000, s2;
	s6 =	simm.s32 $0x108;
	_ =	swait.ge @!p0 [sflag:s8], $0x0  }
0x24: {  	s3 =	sadd.s32 $0x88, s3;
	s6 =	simm.s32 @!p1 $0x1082;
	[sflag:s4] =	ssyncset.s32 $0xFFFFF086  }
0x25: {  	[simem:s6], [sflag:s4] =	dma.local [hbm:s3], $0xF7A  }
0x26: {  	[smem:$0x3F9F] =	sst s1;
	(tag) =	ssettag s2;
	_ =	strace s9  }
0x27: {  	s1 =	sld [smem:$0x3FAF]  }
0x28: {  	s2 =	sld [smem:$0x3FB0]  }
0x29: {  	s4 =	sld [smem:$0x3FB2]  }
0x2a: {  	p0 =	seq.s32 s5, $0x0;
	s5 =	sld [smem:$0x3FB3]  }
0x2b: {  	s6 =	sld [smem:$0x3FB4]  }
0x2c: {  	s7 =	sld [smem:$0x3FB5]  }
0x2d: {  	s3 =	simm.s32 $0x108;
	s8 =	sld [smem:$0x3FB6]  }
0x2e: {  	s3 =	simm.s32 @!p0 $0x1082;
	s9 =	sld [smem:$0x3FB7]  }
0x2f: {  	lr =	sadd.s32 s0, s3;
	s0 =	sld [smem:$0x3FAE]  }
0x30: {  	s3 =	sld [smem:$0x3FB1]  }
0x31: {  	[smem:$0x3FBA] =	sst s10  }
0x32: {  	s10 =	sld [smem:$0x3FB8];
	_ =	sdelay $0x3  }
0x33: {  	p0 =	seq.s32 s10, $0x1;
	s10 =	sld [smem:$0x3FBA];
	_ =	sdelay $0x3  }
0x34: {  	[smem:$0x3FBA] =	sst s10  }
0x35: {  	s10 =	sld [smem:$0x3FB9];
	_ =	sdelay $0x3  }
0x36: {  	p1 =	seq.s32 s10, $0x1;
	s10 =	sld [smem:$0x3FBA];
	_ =	sdelay $0x3  }
0x37: {  	[smem:$0x3FBA] =	sst s10  }
0x38: {  	s10 =	sld [smem:$0x3FBB]  }
0x39: {  	_ = 	snop;
	(pc) =	sbr.ind lr, $3  }
0x3a: {  	_ = 	snop  }
0x3b: {  	_ = 	snop  }
0x3c: {  	p2 =	seq.s32 s10, $0x1;
	s10 =	sld [smem:$0x3FBA]  }
0x3d: {  	_ =	shalt  }
0x3e: {  	_ =	shalt  }
0x3f: {  	_ =	shalt  }
0x40: {  	_ =	shalt  }
0x41: {  	_ =	shalt  }
0x42: {  	_ =	shalt  }
0x43: {  	_ =	shalt  }
0x44: {  	_ =	shalt  }
0x45: {  	_ =	shalt  }
0x46: {  	_ =	shalt  }
0x47: {  	_ =	shalt  }
0x48: {  	_ =	shalt  }
0x49: {  	_ =	shalt  }
0x4a: {  	_ =	shalt  }
0x4b: {  	_ =	shalt  }
0x4c: {  	_ =	shalt  }
0x4d: {  	_ =	shalt  }
0x4e: {  	_ =	shalt  }
0x4f: {  	_ =	shalt  }
0x50: {  	_ =	shalt  }
0x51: {  	_ =	shalt  }
0x52: {  	_ =	shalt  }
0x53: {  	_ =	shalt  }
0x54: {  	_ =	shalt  }
0x55: {  	_ =	shalt  }
0x56: {  	_ =	shalt  }
0x57: {  	_ =	shalt  }
0x58: {  	_ =	shalt  }
0x59: {  	_ =	shalt  }
0x5a: {  	_ =	shalt  }
0x5b: {  	_ =	shalt  }
0x5c: {  	_ =	shalt  }
0x5d: {  	_ =	shalt  }
0x5e: {  	_ =	shalt  }
0x5f: {  	_ =	shalt  }
0x60: {  	_ =	shalt  }
0x61: {  	_ =	shalt  }
0x62: {  	_ =	shalt  }
0x63: {  	_ =	shalt  }
0x64: {  	_ =	shalt  }
0x65: {  	_ =	shalt  }
0x66: {  	_ =	shalt  }
0x67: {  	_ =	shalt  }
0x68: {  	_ =	shalt  }
0x69: {  	_ =	shalt  }
0x6a: {  	_ =	shalt  }
0x6b: {  	_ =	shalt  }
0x6c: {  	_ =	shalt  }
0x6d: {  	_ =	shalt  }
0x6e: {  	_ =	shalt  }
0x6f: {  	_ =	shalt  }
0x70: {  	_ =	shalt  }
0x71: {  	_ =	shalt  }
0x72: {  	_ =	shalt  }
0x73: {  	_ =	shalt  }
0x74: {  	_ =	shalt  }
0x75: {  	_ =	shalt  }
0x76: {  	_ =	shalt  }
0x77: {  	_ =	shalt  }
0x78: {  	_ =	shalt  }
0x79: {  	_ =	shalt  }
0x7a: {  	_ =	shalt  }
0x7b: {  	_ =	shalt  }
0x7c: {  	_ =	shalt  }
0x7d: {  	_ =	shalt  }
0x7e: {  	_ =	shalt  }
0x7f: {  	_ =	shalt  }
0x80: {  	_ =	shalt  }
0x81: {  	_ =	shalt  }
0x82: {  	_ =	shalt  }
0x83: {  	_ =	shalt  }
0x84: {  	_ =	shalt  }
0x85: {  	_ =	shalt  }
0x86: {  	_ =	shalt  }
0x87: {  	_ =	shalt  }
.Lfunc_end0:
.L_simem_size_0:
called_computation_lowered:
.L_overlay_start_0:
0x88: {  	s2 =	sld [smem:$0x3FD9]  }
0x89: {  	s3 =	sld [smem:$0x3FFE];
	_ =	sdelay $0x1  }
0x8a: {  	s1 =	srdreg.scid  }
0x8b: {  	s0 =	sand.u32 $0x1, s1  }
0x8c: {  	s17 =	sshll.u32 s0, $0xA;
	s2 =	sadd.s32 s3, s2  }
0x8d: {  	s2 =	sadd.s32 s2, s17  }
0x8e: {  	[smem:$0x3FC6] =	sst s2  }
0x8f: {  	_ = 	snop  }
0x90: {  	s2 =	sld [smem:$0x3FC9]  }
0x91: {  	s18 =	sld [smem:$0x3FC8];
	(tm) =	ssettm $0x1  }
0x92: {  	s4 =	sld [smem:$0x3FFB];
	_ =	sdelay $0x3  }
0x93: {  	_ =	strace s4  }
0x94: {  	s4 =	sld [smem:$0x3FFC];
	_ =	sdelay $0x3  }
0x95: {  	_ =	strace s4  }
0x96: {  	s4 =	sld [smem:$0x3FFD];
	_ =	sdelay $0x3  }
0x97: {  	_ =	strace s4  }
0x98: {  	_ =	strace $0x8FFFFFFF  }
0x99: {  	s19 =	sld [smem:$0x3FDB];
	_ =	sdelay $0x1  }
0x9a: {  	s5 =	simm.s32 $_scs_section_size  }
0x9b: {  	s6 =	simm.s32 $_size__tile_overlayer_lowered;
	s7 =	simm.s32 $_tile_overlayer_lowered  }
0x9c: {  	s22 =	simm.s32 $0x1BFF;
	s21 =	sshll.u32 s7, $0x1;
	s4 =	sadd.s32 s5, s19  }
0x9d: {  	s8 =	simm.s32 $0x0;
	s20 =	sshll.u32 s6, $0x1;
	s6 =	sadd.s32 s21, s4  }
0x9e: {  	[timem:s8], [sflag:s22] =	dma.local [hbm:s6], s20  }
0x9f: {  	_ =	swait.ge [sflag:s22], s20  }
0xa0: {  	s5 =	ssub.s32 $0x0, s20;
	[sflag:s22] =	ssyncset.done $0x0  }
0xa1: {  	[sflag:s22] =	ssyncadd.s32 s5;
	_ =	sdelay $0x1  }
0xa2: {  	s23 =	simm.s32 $0x1B8B  }
0xa3: {  	_ =	swait.ge [sflag:s23], $0x1  }
0xa4: {  	[sflag:s23] =	ssyncset.done $0x0  }
0xa5: {  	s25 =	simm.s32 $0x1B8E;
	s24 =	sld [smem:$0x3FFE];
	[sflag:s23] =	ssyncadd.s32 $0xFFFFFFFF  }
0xa6: {  	s26 =	simm.s32 $execute0_lowered;
	[smem:$0x3FD2] =	sst s25  }
0xa7: {  	s6 =	sshll.u32 s26, $0x1;
	_ =	strace $0x80000046;
	[dreg:$0x1] =	wrdreg $0xFFFFFFFF  }
0xa8: {  	s28 =	simm.s32 $_size_execute0_lowered;
	s4 =	sadd.s32 s4, s6;
	[dreg:$0x0] =	wrdreg $0x0  }
0xa9: {  	s6 =	sshll.u32 s28, $0x1;
	[dreg:$0x2] =	wrdreg s4  }
0xaa: {  	[dreg:$0x3] =	wrdreg s6  }
0xab: {  	[dreg:$0x4] =	wrdreg $0xC0  }
0xac: {  	_ =	task [dreg:s8], $0x5FFFF  }
0xad: {  	[dreg:$0x1] =	wrdreg $0xFFFFFFFF  }
0xae: {  	[dreg:$0x0] =	wrdreg $0x60  }
0xaf: {  	[dreg:$0x2] =	wrdreg s2  }
0xb0: {  	[dreg:$0x3] =	wrdreg s18  }
0xb1: {  	[dreg:$0x4] =	wrdreg s24  }
0xb2: {  	[dreg:$0x5] =	wrdreg $0x9  }
0xb3: {  	_ =	task.clear_ibuf [dreg:s8], $0x6FFFF;
	_ =	strace $0x90000046  }
0xb4: {  	s29 =	simm.s32 $0x9;
	_ =	strace $0x80000048  }
0xb5: {  	_ =	swait.ge [sflag:s29], $0x1  }
0xb6: {  	[sflag:s29] =	ssyncadd.s32 $0xFFFFFFFF  }
0xb7: {  	_ =	strace $0x90000048  }
0xb8: {  	_ =	sfence  }
0xb9: {  	s30 =	sld [smem:$0x0];
	_ =	sdelay $0x2  }
0xba: {  	s31 =	sshll.u32 s1, $0xD;
	s1 =	sshrl.u32 s1, $0x2  }
0xbb: {  	s3 =	sand.u32 $0x4000, s31;
	s1 =	sadd.s32 s1, s30  }
0xbc: {  	s0 =	sor.u32 s3, s0;
	s1 =	sshll.u32 s1, $0x11  }
0xbd: {  	s0 =	sor.u32 s1, s0  }
0xbe: {  	s0 =	sadd.s32 $0x8F2B, s0  }
0xbf: {  	[sflag:s0] =	ssyncadd.remote.s32 $0x1  }
0xc0: {  	_ =	sfence.sel $0xFFFF  }
0xc1: {  	[dreg:$0x0] =	wrdreg $0xFFFFFFFF;
	(pc) =	sbr.abs _section_cstart, $3  }
0xc2: {  	[dreg:$0x1] =	wrdreg $0xFFFFFFFF  }
0xc3: {  	_ =	task.clear_ibuf [dreg:s8], $0x2FFFF;
	_ =	strace $0x9FFFFFFF  }
0xc4: {  	(tm) =	ssettm $0x7FFFFFFF  }
0xc5: {  	_ =	shalt  }
tec
execute0_lowered:
.L_overlay_start_1:
0x0: {  	(tag) =	ssettag $0x1  }
0x1: {  	s2 =	srdreg.scid;
	s3 =	rddreg [dreg:$0x1]  }
0x2: {  	s0 =	stileid.u32;
	s7 =	rddreg [dreg:$0x2];
	s5 =	simm.s32 $0x0  }
0x3: {  	v0 =	vlaneseq.u32;
	s17 =	simm.s32 $0x5;
	s18 =	simm.s32 $0x100;
	s19 =	simm.s32 $0x4500  }
0x4: {  	v3 =	vimm.s32 $0x4380;
	vm0 =	vcmask $0x300;
	s20 =	simm.s32 $0x8900;
	s21 =	simm.s32 $0xCD00;
	s22 =	simm.s32 $0x1;
	v1 =	vmul.u32 $0x80, v0  }
0x5: {  	s23 =	simm.s32 $0x2;
	s24 =	simm.s32 $0x3;
	s26 =	simm.s32 $0x11100;
	v2 =	vor.u32 $0xFFFFFF80, v0;
	v4 =	vsel vm0, $0x4000, v3;
	vm0 =	vcmask $0x704  }
0x6: {  	s28 =	simm.s32 $0x11180;
	s2 =	sand.u32 $0x1, s2;
	s4 =	sshll.u32 s0, $0x1;
	v12 =	vor.u32 $0x20, v0;
	v13 =	vor.u32 $0x30, v0;
	v14 =	vor.u32 $0x40, v0  }
0x7: {  	[smem:$0x7FF] =	sst s5;
	v15 =	vor.u32 $0x50, v0;
	v16 =	vor.u32 $0x60, v0;
	v17 =	vor.u32 $0x70, v0;
	s4 =	sor.u32 s2, s4;
	s2 =	ssub.s32 $0x2, s2  }
0x8: {  	v18 =	vor.u32 $0x80, v0;
	v5 =	vsel vm0, $0x4080, v4;
	vm0 =	vcmask $0xB08;
	s13 =	smul.u32 $0x4400, s4;
	s8 =	sshll.u32 s4, $0x1;
	s14 =	sshrl.u32 s2, $0x1  }
0x9: {  	_ =	strace $0x80000047;
	v3 =	vor.u32 $0x800, v1;
	v4 =	vor.u32 $0x1000, v1;
	v6 =	vsel vm0, $0x4100, v5;
	s15 =	sadd.s32 s8, s7;
	s2 =	ssub.s32 s2, s14  }
0xa: {  	vm0 =	vcmask $0xF0C;
	v5 =	vor.u32 $0x1800, v1;
	v9 =	vor.u32 $0x3800, v1;
	s6 =	sshrl.u32 s13, $0x3;
	s10 =	sadd.s32 $0x98D000, s13;
	s13 =	sadd.s32 $0xBAD000, s13  }
0xb: {  	v7 =	vsel vm0, $0x4180, v6;
	vm0 =	vcmask $0x1310;
	v6 =	vor.u32 $0x2000, v1;
	s14 =	sadd.s32 $0x1000, s15;
	s15 =	sadd.s32 $0x1200, s15;
	s12 =	sadd.s32 s3, s6  }
0xc: {  	s25 =	simm.s32 $0x4;
	v11 =	vor.u32 $0x10, v0;
	v8 =	vsel vm0, $0x4200, v7;
	vm0 =	vcmask $0x1714;
	s6 =	sadd.s32 $0x10FA00, s12;
	s7 =	sadd.s32 $0x120A00, s12  }
0xd: {  	s29 =	simm.s32 $0x0;
	v7 =	vor.u32 $0x2800, v1;
	v10 =	vsel vm0, $0x4280, v8;
	vm0 =	vcmask $0x1B18;
	s8 =	sadd.s32 $0xFEA00, s12;
	s9 =	sadd.s32 $0x142A00, s12  }
0xe: {  	s16 =	smax.u32 s2, $0x1;
	v8 =	vor.u32 $0x3000, v1;
	s11 =	sadd.s32 $0x153A00, s12;
	s12 =	sadd.s32 $0x164A00, s12;
	v10 =	vsel vm0, $0x4300, v10;
	vm0 =	vmmov $0xff  }
.LBB2_1:
0xf: {  	s0 =	rddreg [dreg:$0x0]  }
0x10: {  	[tilespmem:s5], [sflag:$0x5] =	stream.linear.gather [hbm4b:s0+s5], $0x80, $0x38;
	[tilespmem:$0x11200] =	vst v63  }
0x11: {  	_ =	swait.ge [sflag:s17], $0x80  }
0x12: {  	[sflag:s17] =	ssyncset.done $0x0  }
0x13: {  	[sflag:s17] =	ssyncadd.s32 $0xFFFFFF80  }
0x14: {  	v19 =	vld [tilespmem:$0x0];
	_ =	sdelay $0x4  }
0x15: {  	[tilespmem:$0x80] =	vst v19  }
0x16: {  	[tilespmem:s18], [sflag:$0x1] =	stream.linear.gather [hbm4b:s8+s5], $0x4400, $0x38;
	[tilespmem:$0x11200] =	vst v63  }
0x17: {  	_ = 	snop  }
0x18: {  	[tilespmem:s19], [sflag:$0x2] =	stream.linear.gather [hbm4b:s6+s5], $0x4400, $0x38;
	[tilespmem:$0x11200] =	vst v63  }
0x19: {  	p1 =	por $0x1, $0x1;
	s2 =	smov.u32 s10;
	s30 =	simm.s32 $0x0  }
0x1a: {  	v20 =	vimm.f32 $-Inf;
	v19 =	vimm.s32 $0x0;
	[tilespmem:s20], [sflag:$0x3] =	stream.linear.gather [hbm4b:s7+s5], $0x4400, $0x38;
	[tilespmem:$0x11200] =	vst v63  }
.LBB2_2:
0x1b: {  	s31 =	simm.s32 $0x0  }
0x1c: {  	v21 =	vadd.s32 s31, v0  }
0x1d: {  	s2 =	sshrl.u32 s2, $0x3;
	v22 =	vadd.s32 s31, v2;
	vm1 =	vgt.u32 v21, $0x7F  }
0x1e: {  	s2 =	sadd.s32 s3, s2;
	v21 =	vsel vm1, v22, v21  }
0x1f: {  	[tilespmem:s21], [sflag:$0x4] =	stream.linear.gather [hbm4b:s2+s31], $0x4400, $0x38;
	v22 =	vadd.s32 v1, v21;
	[tilespmem:$0x11200] =	vst v63  }
0x20: {  	_ =	swait.ge [sflag:s22], $0x4400;
	v24 =	vadd.s32 v4, v21  }
0x21: {  	[sflag:s22] =	ssyncset.done $0x0  }
0x22: {  	v31 =	vimm.f32 $0.0e+00;
	v28 =	vadd.s32 v10, v21;
	[sflag:s22] =	ssyncadd.s32 $0xFFFFBC00  }
0x23: {  	v25 =	vadd.s32 v7, v21;
	v26 =	vadd.s32 v3, v21;
	v43 =	vadd.s32 v5, v21;
	v23 =	vld [tilespmem:s31+$0x0]  }
0x24: {  	v44 =	vadd.s32 v8, v21;
	v27 =	vadd.s32 v9, v21;
	v21 =	vadd.s32 v6, v21;
	v22 =	vld.idx.msk [tilespmem:v22+s18+$0x0], $0xffff  }
0x25: {  	v41 =	vimm.f32 $0.0e+00;
	v36 =	vimm.f32 $0.0e+00;
	v39 =	vimm.f32 $0.0e+00;
	v24 =	vld.idx.msk [tilespmem:v24+s18+$0x0], $0xffff  }
0x26: {  	v37 =	vimm.f32 $0.0e+00;
	v38 =	vimm.f32 $0.0e+00;
	v35 =	vimm.f32 $0.0e+00  }
0x27: {  	v32 =	vimm.f32 $0.0e+00;
	v33 =	vimm.f32 $0.0e+00;
	v34 =	vimm.f32 $0.0e+00;
	v47 =	vld.idx.msk [tilespmem:v28+s18+$0x0], $0xffff  }
0x28: {  	v30 =	vimm.f32 $0.0e+00;
	v29 =	vimm.f32 $0.0e+00;
	v42 =	vld.idx.msk [tilespmem:v26+s18+$0x0], $0xffff;
	v28 =	vimm.f32 $0.0e+00  }
0x29: {  	v40 =	vld.idx.msk [tilespmem:v21+s18+$0x0], $0xffff;
	v26 =	vimm.f32 $0.0e+00;
	v21 =	vimm.f32 $0.0e+00;
	v49 =	vmul.f32 v22, v23  }
0x2a: {  	v46 =	vld.idx.msk [tilespmem:v25+s18+$0x0], $0xffff;
	v25 =	vimm.f32 $0.0e+00;
	v50 =	vmul.f32 v22, v22;
	v48 =	vmul.f32 v24, v23  }
0x2b: {  	p0 =	por p1, p1;
	s2 =	simm.s32 $0x1;
	v44 =	vld.idx.msk [tilespmem:v44+s18+$0x0], $0xffff;
	v45 =	vmul.f32 v24, v24;
	v24 =	vimm.f32 $0.0e+00;
	v22 =	vimm.f32 $0.0e+00  }
.LBB2_3:
0x2c: {  	p1 =	sne.s32 s2, $0x7F  }
0x2d: {  	v51 =	vadd.s32 s2, v2;
	v31 =	vadd.f32 v49, v31;
	v41 =	vadd.f32 v50, v41;
	s31 =	sadd.s32 $0x1, s31;
	s0 =	smov.u32 s2;
	s2 =	sadd.s32 $0x1, s2  }
0x2e: {  	v50 =	vmul.f32 v47, v47;
	v49 =	vadd.s32 s0, v0;
	v36 =	vadd.f32 v48, v36;
	v48 =	vld.idx.msk [tilespmem:v43+s18+$0x0], $0xffff  }
0x2f: {  	v52 =	vmul.f32 v46, v23;
	v43 =	vmul.f32 v42, v42;
	vm1 =	vgt.u32 v49, $0x7F  }
0x30: {  	v46 =	vmul.f32 v46, v46;
	v47 =	vmul.f32 v47, v23;
	v49 =	vsel vm1, v51, v49  }
0x31: {  	v39 =	vadd.f32 v43, v39;
	v51 =	vadd.s32 v1, v49;
	v53 =	vadd.s32 v3, v49  }
0x32: {  	v54 =	vadd.s32 v4, v49;
	v43 =	vadd.s32 v5, v49;
	v55 =	vmul.f32 v44, v44  }
0x33: {  	v37 =	vadd.f32 v50, v37;
	v56 =	vadd.s32 v7, v49;
	v57 =	vadd.s32 v8, v49;
	v58 =	vld.idx.msk [tilespmem:v27+s18+$0x0], $0xffff  }
0x34: {  	v50 =	vadd.s32 v10, v49;
	v27 =	vadd.s32 v9, v49;
	v59 =	vmul.f32 v48, v48  }
0x35: {  	v38 =	vadd.f32 v45, v38;
	v35 =	vadd.f32 v47, v35;
	v45 =	vmul.f32 v48, v23;
	v60 =	vld [tilespmem:s31+$0x0]  }
0x36: {  	v32 =	vadd.f32 v46, v32;
	v49 =	vadd.s32 v6, v49;
	v33 =	vadd.f32 v55, v33;
	v48 =	vld.idx.msk [tilespmem:v51+s18+$0x0], $0xffff  }
0x37: {  	v42 =	vmul.f32 v42, v23;
	v34 =	vadd.f32 v45, v34;
	v45 =	vmul.f32 v40, v40;
	v51 =	vld.idx.msk [tilespmem:v54+s18+$0x0], $0xffff  }
0x38: {  	v44 =	vmul.f32 v44, v23;
	v30 =	vadd.f32 v59, v30;
	v40 =	vmul.f32 v40, v23;
	v46 =	vld.idx.msk [tilespmem:v56+s18+$0x0], $0xffff  }
.Ltmp0:
0x39: {  	v29 =	vadd.f32 v42, v29;
	v28 =	vadd.f32 v45, v28;
	v45 =	vmul.f32 v58, v23;
	v47 =	vld.idx.msk [tilespmem:v50+s18+$0x0], $0xffff;
	(pc) =	sbr.rel @p1 .LBB2_3-.Ltmp0, $4  }
0x3a: {  	v22 =	vadd.f32 v44, v22;
	v24 =	vadd.f32 v40, v24;
	v44 =	vmul.f32 v58, v58;
	v42 =	vld.idx.msk [tilespmem:v53+s18+$0x0], $0xffff  }
0x3b: {  	v26 =	vadd.f32 v52, v26;
	v21 =	vadd.f32 v45, v21;
	v23 =	vmov v60;
	v40 =	vld.idx.msk [tilespmem:v49+s18+$0x0], $0xffff  }
0x3c: {  	v25 =	vadd.f32 v44, v25;
	v49 =	vmul.f32 v48, v23;
	v50 =	vmul.f32 v48, v48  }
0x3d: {  	v48 =	vmul.f32 v51, v23;
	v45 =	vmul.f32 v51, v51;
	v44 =	vld.idx.msk [tilespmem:v57+s18+$0x0], $0xffff  }
0x3e: {  	v41 =	vadd.f32 v50, v41;
	v63 =	vmul.f32 v47, v47  }
0x3f: {  	v31 =	vadd.f32 v49, v31;
	v51 =	vmul.f32 v46, v23;
	v52 =	vmul.f32 v46, v46  }
0x40: {  	v53 =	vmul.f32 v47, v23;
	v62 =	vmul.f32 v42, v42;
	v36 =	vadd.f32 v48, v36  }
0x41: {  	v38 =	vadd.f32 v45, v38;
	v57 =	vmul.f32 v42, v23;
	v41 =	vmax.f32 v41, $1.000000020e-16  }
0x42: {  	v43 =	vld.idx.msk [tilespmem:v43+s18+$0x0], $0xffff;
	v37 =	vadd.f32 v63, v37;
	v39 =	vadd.f32 v62, v39;
	(erf) = vrcp.f32 v41  }
0x43: {  	v35 =	vadd.f32 v53, v35;
	v32 =	vadd.f32 v52, v32;
	v58 =	vmul.f32 v40, v40  }
0x44: {  	v27 =	vld.idx.msk [tilespmem:v27+s18+$0x0], $0xffff;
	v59 =	vmul.f32 v40, v23;
	v61 =	vand.u32 $0x7FFFFFFF, v31;
	v39 =	vmax.f32 v39, $1.000000020e-16  }
0x45: {  	v26 =	vadd.f32 v51, v26;
	v38 =	vmax.f32 v38, $1.000000020e-16;
	(erf) = vrcp.f32 v39  }
0x46: {  	v29 =	vadd.f32 v57, v29;
	v31 =	vmul.f32 v61, v31;
	v54 =	vmul.f32 v44, v44  }
0x47: {  	v41 =	vimm.f32 $0.0e+00;
	v60 =	vmul.f32 v44, v23;
	v56 =	vmul.f32 v43, v43  }
0x48: {  	v28 =	vadd.f32 v58, v28;
	v24 =	vadd.f32 v59, v24;
	v55 =	vmul.f32 v43, v23  }
0x49: {  	v23 =	vmul.f32 v27, v23;
	v30 =	vadd.f32 v56, v30;
	(erf) = vrcp.f32 v38  }
0x4a: {  	v27 =	vmul.f32 v27, v27;
	v33 =	vadd.f32 v54, v33;
	v28 =	vmax.f32 v28, $1.000000020e-16  }
0x4b: {  	s0 =	sor.u32 s4, s30;
	v22 =	vadd.f32 v60, v22;
	v39 =	vimm.f32 $0.0e+00;
	v30 =	vmax.f32 v30, $1.000000020e-16;
	v62 =	vpop (erf)  }
0x4c: {  	s30 =	smul.u32 $0x88, s0;
	(erf) = vrcp.f32 v30;
	v30 =	vmul.f32 v62, v31;
	v31 =	vand.u32 $0x7FFFFFFF, v29  }
0x4d: {  	v34 =	vadd.f32 v55, v34;
	v25 =	vadd.f32 v27, v25;
	v29 =	vmul.f32 v31, v29  }
0x4e: {  	s2 =	sadd.s32 $0xFEA0, s30;
	v21 =	vadd.f32 v23, v21;
	v38 =	vimm.f32 $0.0e+00;
	vm1 =	vgt.f32 v30, v20;
	v27 =	vpop (erf)  }
0x4f: {  	(erf) = vrcp.f32 v28;
	v28 =	vadd.s32 s2, v0;
	v27 =	vmul.f32 v27, v29  }
0x50: {  	v29 =	vand.u32 $0x7FFFFFFF, v36;
	v20 =	vsel vm1, v30, v20;
	v19 =	vsel vm1, v28, v19  }
0x51: {  	v30 =	vmax.f32 v32, $1.000000020e-16;
	v29 =	vmul.f32 v29, v36;
	vm1 =	vgt.f32 v27, v20  }
0x52: {  	v28 =	vpop (erf);
	(erf) = vrcp.f32 v30;
	v20 =	vsel vm1, v27, v20;
	v27 =	vadd.s32 s2, v11  }
0x53: {  	v30 =	vmax.f32 v33, $1.000000020e-16;
	v28 =	vmul.f32 v28, v29;
	v29 =	vand.u32 $0x7FFFFFFF, v34  }
0x54: {  	v25 =	vmax.f32 v25, $1.000000020e-16;
	(erf) = vrcp.f32 v30;
	v29 =	vmul.f32 v29, v34  }
0x55: {  	v19 =	vsel vm1, v27, v19;
	(erf) = vrcp.f32 v25;
	v25 =	vmax.f32 v37, $1.000000020e-16;
	v27 =	vpop (erf)  }
0x56: {  	v31 =	vimm.f32 $0.0e+00;
	v27 =	vmul.f32 v27, v29;
	v29 =	vand.u32 $0x7FFFFFFF, v24  }
0x57: {  	v30 =	vadd.s32 s2, v12;
	vm1 =	vgt.f32 v28, v20;
	v24 =	vmul.f32 v29, v24  }
0x58: {  	(erf) = vrcp.f32 v25;
	v20 =	vsel vm1, v28, v20;
	v19 =	vsel vm1, v30, v19;
	v25 =	vpop (erf)  }
0x59: {  	vm1 =	vgt.f32 v27, v20;
	v24 =	vmul.f32 v25, v24;
	v25 =	vand.u32 $0x7FFFFFFF, v26  }
0x5a: {  	v20 =	vsel vm1, v27, v20;
	v27 =	vadd.s32 s2, v13;
	v25 =	vmul.f32 v25, v26  }
0x5b: {  	v32 =	vimm.f32 $0.0e+00;
	v36 =	vimm.f32 $0.0e+00;
	v26 =	vpop (erf);
	v19 =	vsel vm1, v27, v19  }
0x5c: {  	s31 =	simm.s32 $0x0;
	vm1 =	vgt.f32 v24, v20;
	v23 =	vmul.f32 v26, v25;
	v25 =	vand.u32 $0x7FFFFFFF, v22  }
0x5d: {  	v26 =	vadd.s32 s31, v0;
	v20 =	vsel vm1, v24, v20;
	v24 =	vadd.s32 s2, v14  }
0x5e: {  	v22 =	vmul.f32 v25, v22;
	v25 =	vadd.s32 s31, v2;
	vm2 =	vgt.u32 v26, $0x7F  }
0x5f: {  	v27 =	vpop (erf);
	v19 =	vsel vm1, v24, v19;
	v24 =	vadd.s32 s2, v15;
	v25 =	vsel vm2, v25, v26  }
0x60: {  	vm2 =	vgt.f32 v23, v20;
	v22 =	vmul.f32 v27, v22;
	v27 =	vand.u32 $0x7FFFFFFF, v21  }
0x61: {  	v29 =	vadd.s32 v1, v25;
	v21 =	vmul.f32 v27, v21;
	v27 =	vand.u32 $0x7FFFFFFF, v35  }
0x62: {  	s1 =	simm.s32 @p0 $0x100;
	s0 =	simm.s32 @p0 $0x0;
	v26 =	vpop (erf);
	v20 =	vsel vm2, v23, v20;
	v19 =	vsel vm2, v24, v19;
	v23 =	vmul.f32 v27, v35  }
0x63: {  	[tilespmem:s1], [sflag:$0x1] =	stream.linear.gather @p0 [hbm4b:s9+s0], $0x4400, $0x38;
	v24 =	vadd.s32 s2, v16;
	v28 =	vpop (erf);
	vm1 =	vgt.f32 v22, v20;
	v21 =	vmul.f32 v26, v21;
	[tilespmem:$0x11200] =	vst v63  }
0x64: {  	_ =	swait.ge [sflag:s23], $0x4400;
	v27 =	vadd.s32 v4, v25;
	v20 =	vsel vm1, v22, v20;
	v22 =	vmul.f32 v28, v23  }
0x65: {  	v63 =	vadd.s32 v8, v25;
	[sflag:s23] =	ssyncset.done $0x0;
	v19 =	vsel vm1, v24, v19;
	vm2 =	vgt.f32 v21, v20  }
0x66: {  	v24 =	vadd.s32 s2, v17;
	[sflag:s23] =	ssyncadd.s32 $0xFFFFBC00;
	v20 =	vsel vm2, v21, v20;
	v21 =	vnsel vm0, $0xFF800000, v22  }
0x67: {  	v28 =	vadd.s32 v10, v25;
	v23 =	vld [tilespmem:s31+$0x0];
	v19 =	vsel vm2, v24, v19;
	vm1 =	vgt.f32 v21, v20  }
0x68: {  	v22 =	vld.idx.msk [tilespmem:v29+s19+$0x0], $0xffff;
	v24 =	vadd.s32 v3, v25;
	v21 =	vsel vm1, v21, v20;
	v20 =	vadd.s32 s2, v18  }
0x69: {  	v33 =	vimm.f32 $0.0e+00;
	v26 =	vld.idx.msk [tilespmem:v27+s19+$0x0], $0xffff;
	v19 =	vsel vm1, v20, v19;
	v20 =	vadd.s32 v7, v25  }
0x6a: {  	v43 =	vadd.s32 v5, v25;
	v27 =	vadd.s32 v9, v25;
	v25 =	vadd.s32 v6, v25  }
0x6b: {  	v37 =	vimm.f32 $0.0e+00;
	v34 =	vimm.f32 $0.0e+00;
	v30 =	vimm.f32 $0.0e+00;
	v44 =	vld.idx.msk [tilespmem:v63+s19+$0x0], $0xffff  }
0x6c: {  	v35 =	vimm.f32 $0.0e+00;
	v29 =	vimm.f32 $0.0e+00;
	v47 =	vld.idx.msk [tilespmem:v28+s19+$0x0], $0xffff;
	v28 =	vimm.f32 $0.0e+00  }
0x6d: {  	v49 =	vmul.f32 v22, v23;
	v50 =	vmul.f32 v22, v22;
	v42 =	vld.idx.msk [tilespmem:v24+s19+$0x0], $0xffff;
	v24 =	vimm.f32 $0.0e+00  }
0x6e: {  	v22 =	vimm.f32 $0.0e+00;
	v48 =	vmul.f32 v26, v23;
	v45 =	vmul.f32 v26, v26;
	v46 =	vld.idx.msk [tilespmem:v20+s19+$0x0], $0xffff  }
0x6f: {  	s2 =	simm.s32 $0x1;
	v26 =	vimm.f32 $0.0e+00;
	v40 =	vld.idx.msk [tilespmem:v25+s19+$0x0], $0xffff;
	v25 =	vimm.f32 $0.0e+00;
	v20 =	vimm.f32 $0.0e+00  }
.LBB2_5:
0x70: {  	p1 =	sne.s32 s2, $0x7F  }
0x71: {  	v51 =	vadd.s32 s2, v2;
	v31 =	vadd.f32 v49, v31;
	v41 =	vadd.f32 v50, v41;
	s31 =	sadd.s32 $0x1, s31;
	s0 =	smov.u32 s2;
	s2 =	sadd.s32 $0x1, s2  }
0x72: {  	v50 =	vmul.f32 v47, v47;
	v49 =	vadd.s32 s0, v0;
	v36 =	vadd.f32 v48, v36;
	v48 =	vld.idx.msk [tilespmem:v43+s19+$0x0], $0xffff  }
0x73: {  	v52 =	vmul.f32 v46, v23;
	v43 =	vmul.f32 v42, v42;
	vm1 =	vgt.u32 v49, $0x7F  }
0x74: {  	v46 =	vmul.f32 v46, v46;
	v47 =	vmul.f32 v47, v23;
	v49 =	vsel vm1, v51, v49  }
0x75: {  	v39 =	vadd.f32 v43, v39;
	v51 =	vadd.s32 v1, v49;
	v53 =	vadd.s32 v3, v49  }
0x76: {  	v54 =	vadd.s32 v4, v49;
	v43 =	vadd.s32 v5, v49;
	v55 =	vmul.f32 v44, v44  }
0x77: {  	v37 =	vadd.f32 v50, v37;
	v56 =	vadd.s32 v7, v49;
	v57 =	vadd.s32 v8, v49;
	v58 =	vld.idx.msk [tilespmem:v27+s19+$0x0], $0xffff  }
0x78: {  	v50 =	vadd.s32 v10, v49;
	v27 =	vadd.s32 v9, v49;
	v59 =	vmul.f32 v48, v48  }
0x79: {  	v38 =	vadd.f32 v45, v38;
	v35 =	vadd.f32 v47, v35;
	v45 =	vmul.f32 v48, v23;
	v60 =	vld [tilespmem:s31+$0x0]  }
0x7a: {  	v32 =	vadd.f32 v46, v32;
	v49 =	vadd.s32 v6, v49;
	v33 =	vadd.f32 v55, v33;
	v48 =	vld.idx.msk [tilespmem:v51+s19+$0x0], $0xffff  }
0x7b: {  	v42 =	vmul.f32 v42, v23;
	v34 =	vadd.f32 v45, v34;
	v45 =	vmul.f32 v40, v40;
	v51 =	vld.idx.msk [tilespmem:v54+s19+$0x0], $0xffff  }
0x7c: {  	v44 =	vmul.f32 v44, v23;
	v30 =	vadd.f32 v59, v30;
	v40 =	vmul.f32 v40, v23;
	v46 =	vld.idx.msk [tilespmem:v56+s19+$0x0], $0xffff  }
.Ltmp1:
0x7d: {  	v29 =	vadd.f32 v42, v29;
	v28 =	vadd.f32 v45, v28;
	v45 =	vmul.f32 v58, v23;
	v47 =	vld.idx.msk [tilespmem:v50+s19+$0x0], $0xffff;
	(pc) =	sbr.rel @p1 .LBB2_5-.Ltmp1, $4  }
0x7e: {  	v22 =	vadd.f32 v44, v22;
	v24 =	vadd.f32 v40, v24;
	v44 =	vmul.f32 v58, v58;
	v42 =	vld.idx.msk [tilespmem:v53+s19+$0x0], $0xffff  }
0x7f: {  	v25 =	vadd.f32 v52, v25;
	v20 =	vadd.f32 v45, v20;
	v23 =	vmov v60;
	v40 =	vld.idx.msk [tilespmem:v49+s19+$0x0], $0xffff  }
0x80: {  	v26 =	vadd.f32 v44, v26;
	v49 =	vmul.f32 v48, v23;
	v50 =	vmul.f32 v48, v48  }
0x81: {  	v48 =	vmul.f32 v51, v23;
	v45 =	vmul.f32 v51, v51;
	v44 =	vld.idx.msk [tilespmem:v57+s19+$0x0], $0xffff  }
0x82: {  	v41 =	vadd.f32 v50, v41;
	v63 =	vmul.f32 v47, v47  }
0x83: {  	v31 =	vadd.f32 v49, v31;
	v51 =	vmul.f32 v46, v23;
	v52 =	vmul.f32 v46, v46  }
0x84: {  	v53 =	vmul.f32 v47, v23;
	v62 =	vmul.f32 v42, v42;
	v36 =	vadd.f32 v48, v36  }
0x85: {  	v38 =	vadd.f32 v45, v38;
	v57 =	vmul.f32 v42, v23;
	v41 =	vmax.f32 v41, $1.000000020e-16  }
0x86: {  	v43 =	vld.idx.msk [tilespmem:v43+s19+$0x0], $0xffff;
	v37 =	vadd.f32 v63, v37;
	v39 =	vadd.f32 v62, v39;
	(erf) = vrcp.f32 v41  }
0x87: {  	v35 =	vadd.f32 v53, v35;
	v32 =	vadd.f32 v52, v32;
	v58 =	vmul.f32 v40, v40  }
0x88: {  	v27 =	vld.idx.msk [tilespmem:v27+s19+$0x0], $0xffff;
	v59 =	vmul.f32 v40, v23;
	v61 =	vand.u32 $0x7FFFFFFF, v31;
	v39 =	vmax.f32 v39, $1.000000020e-16  }
0x89: {  	v25 =	vadd.f32 v51, v25;
	v38 =	vmax.f32 v38, $1.000000020e-16;
	(erf) = vrcp.f32 v39  }
0x8a: {  	v29 =	vadd.f32 v57, v29;
	v31 =	vmul.f32 v61, v31;
	v54 =	vmul.f32 v44, v44  }
0x8b: {  	v41 =	vimm.f32 $0.0e+00;
	v60 =	vmul.f32 v44, v23;
	v56 =	vmul.f32 v43, v43  }
0x8c: {  	v28 =	vadd.f32 v58, v28;
	v24 =	vadd.f32 v59, v24;
	v55 =	vmul.f32 v43, v23  }
0x8d: {  	v23 =	vmul.f32 v27, v23;
	v30 =	vadd.f32 v56, v30;
	(erf) = vrcp.f32 v38  }
0x8e: {  	v27 =	vmul.f32 v27, v27;
	v33 =	vadd.f32 v54, v33;
	v28 =	vmax.f32 v28, $1.000000020e-16  }
0x8f: {  	v22 =	vadd.f32 v60, v22;
	v39 =	vimm.f32 $0.0e+00;
	v30 =	vmax.f32 v30, $1.000000020e-16;
	v62 =	vpop (erf)  }
0x90: {  	(erf) = vrcp.f32 v30;
	v30 =	vmul.f32 v62, v31;
	v31 =	vand.u32 $0x7FFFFFFF, v29  }
0x91: {  	v34 =	vadd.f32 v55, v34;
	v26 =	vadd.f32 v27, v26;
	v29 =	vmul.f32 v31, v29  }
0x92: {  	s2 =	sadd.s32 $0x10FA0, s30;
	v20 =	vadd.f32 v23, v20;
	v38 =	vimm.f32 $0.0e+00;
	vm1 =	vgt.f32 v30, v21;
	v27 =	vpop (erf)  }
0x93: {  	(erf) = vrcp.f32 v28;
	v28 =	vadd.s32 s2, v0;
	v27 =	vmul.f32 v27, v29  }
0x94: {  	v29 =	vand.u32 $0x7FFFFFFF, v36;
	v21 =	vsel vm1, v30, v21;
	v19 =	vsel vm1, v28, v19  }
0x95: {  	v30 =	vmax.f32 v32, $1.000000020e-16;
	v29 =	vmul.f32 v29, v36;
	vm1 =	vgt.f32 v27, v21  }
0x96: {  	v28 =	vpop (erf);
	(erf) = vrcp.f32 v30;
	v21 =	vsel vm1, v27, v21;
	v27 =	vadd.s32 s2, v11  }
0x97: {  	v30 =	vmax.f32 v33, $1.000000020e-16;
	v28 =	vmul.f32 v28, v29;
	v29 =	vand.u32 $0x7FFFFFFF, v34  }
0x98: {  	v26 =	vmax.f32 v26, $1.000000020e-16;
	(erf) = vrcp.f32 v30;
	v29 =	vmul.f32 v29, v34  }
0x99: {  	v19 =	vsel vm1, v27, v19;
	(erf) = vrcp.f32 v26;
	v26 =	vmax.f32 v37, $1.000000020e-16;
	v27 =	vpop (erf)  }
0x9a: {  	v31 =	vimm.f32 $0.0e+00;
	v27 =	vmul.f32 v27, v29;
	v29 =	vand.u32 $0x7FFFFFFF, v24  }
0x9b: {  	v30 =	vadd.s32 s2, v12;
	vm1 =	vgt.f32 v28, v21;
	v24 =	vmul.f32 v29, v24  }
0x9c: {  	(erf) = vrcp.f32 v26;
	v21 =	vsel vm1, v28, v21;
	v19 =	vsel vm1, v30, v19;
	v26 =	vpop (erf)  }
0x9d: {  	vm1 =	vgt.f32 v27, v21;
	v24 =	vmul.f32 v26, v24;
	v26 =	vand.u32 $0x7FFFFFFF, v25  }
0x9e: {  	v32 =	vimm.f32 $0.0e+00;
	v21 =	vsel vm1, v27, v21;
	v27 =	vadd.s32 s2, v13  }
0x9f: {  	v25 =	vmul.f32 v26, v25;
	v19 =	vsel vm1, v27, v19;
	vm1 =	vgt.f32 v24, v21  }
0xa0: {  	s31 =	simm.s32 $0x0;
	v36 =	vimm.f32 $0.0e+00;
	v26 =	vpop (erf);
	v21 =	vsel vm1, v24, v21;
	v24 =	vadd.s32 s2, v14  }
0xa1: {  	v23 =	vmul.f32 v26, v25;
	v25 =	vand.u32 $0x7FFFFFFF, v22;
	v26 =	vadd.s32 s31, v0  }
0xa2: {  	v22 =	vmul.f32 v25, v22;
	v25 =	vadd.s32 s31, v2;
	vm2 =	vgt.u32 v26, $0x7F  }
0xa3: {  	v27 =	vpop (erf);
	v19 =	vsel vm1, v24, v19;
	v24 =	vadd.s32 s2, v15;
	v25 =	vsel vm2, v25, v26  }
0xa4: {  	vm2 =	vgt.f32 v23, v21;
	v22 =	vmul.f32 v27, v22;
	v27 =	vand.u32 $0x7FFFFFFF, v20  }
0xa5: {  	v29 =	vadd.s32 v1, v25;
	v20 =	vmul.f32 v27, v20;
	v27 =	vand.u32 $0x7FFFFFFF, v35  }
0xa6: {  	s0 =	simm.s32 @p0 $0x0;
	s1 =	simm.s32 @p0 $0x4500;
	v26 =	vpop (erf);
	v21 =	vsel vm2, v23, v21;
	v19 =	vsel vm2, v24, v19;
	v23 =	vmul.f32 v27, v35  }
0xa7: {  	[tilespmem:s1], [sflag:$0x2] =	stream.linear.gather @p0 [hbm4b:s11+s0], $0x4400, $0x38;
	v24 =	vadd.s32 s2, v16;
	v28 =	vpop (erf);
	vm1 =	vgt.f32 v22, v21;
	v20 =	vmul.f32 v26, v20;
	[tilespmem:$0x11200] =	vst v63  }
0xa8: {  	_ =	swait.ge [sflag:s24], $0x4400;
	v27 =	vadd.s32 v4, v25;
	v21 =	vsel vm1, v22, v21;
	v22 =	vmul.f32 v28, v23  }
0xa9: {  	v63 =	vadd.s32 v8, v25;
	[sflag:s24] =	ssyncset.done $0x0;
	v19 =	vsel vm1, v24, v19;
	vm2 =	vgt.f32 v20, v21  }
0xaa: {  	v24 =	vadd.s32 s2, v17;
	[sflag:s24] =	ssyncadd.s32 $0xFFFFBC00;
	v20 =	vsel vm2, v20, v21;
	v21 =	vnsel vm0, $0xFF800000, v22  }
0xab: {  	v28 =	vadd.s32 v10, v25;
	v23 =	vld [tilespmem:s31+$0x0];
	v19 =	vsel vm2, v24, v19;
	vm1 =	vgt.f32 v21, v20  }
0xac: {  	v22 =	vld.idx.msk [tilespmem:v29+s20+$0x0], $0xffff;
	v24 =	vadd.s32 v3, v25;
	v21 =	vsel vm1, v21, v20;
	v20 =	vadd.s32 s2, v18  }
0xad: {  	v33 =	vimm.f32 $0.0e+00;
	v26 =	vld.idx.msk [tilespmem:v27+s20+$0x0], $0xffff;
	v19 =	vsel vm1, v20, v19;
	v20 =	vadd.s32 v7, v25  }
0xae: {  	v43 =	vadd.s32 v5, v25;
	v27 =	vadd.s32 v9, v25;
	v25 =	vadd.s32 v6, v25  }
0xaf: {  	v37 =	vimm.f32 $0.0e+00;
	v34 =	vimm.f32 $0.0e+00;
	v30 =	vimm.f32 $0.0e+00;
	v44 =	vld.idx.msk [tilespmem:v63+s20+$0x0], $0xffff  }
0xb0: {  	v35 =	vimm.f32 $0.0e+00;
	v29 =	vimm.f32 $0.0e+00;
	v47 =	vld.idx.msk [tilespmem:v28+s20+$0x0], $0xffff;
	v28 =	vimm.f32 $0.0e+00  }
0xb1: {  	v49 =	vmul.f32 v22, v23;
	v50 =	vmul.f32 v22, v22;
	v42 =	vld.idx.msk [tilespmem:v24+s20+$0x0], $0xffff;
	v24 =	vimm.f32 $0.0e+00  }
0xb2: {  	v22 =	vimm.f32 $0.0e+00;
	v48 =	vmul.f32 v26, v23;
	v45 =	vmul.f32 v26, v26;
	v46 =	vld.idx.msk [tilespmem:v20+s20+$0x0], $0xffff  }
0xb3: {  	s2 =	simm.s32 $0x1;
	v26 =	vimm.f32 $0.0e+00;
	v40 =	vld.idx.msk [tilespmem:v25+s20+$0x0], $0xffff;
	v25 =	vimm.f32 $0.0e+00;
	v20 =	vimm.f32 $0.0e+00  }
.LBB2_7:
0xb4: {  	p1 =	sne.s32 s2, $0x7F  }
0xb5: {  	v51 =	vadd.s32 s2, v2;
	v31 =	vadd.f32 v49, v31;
	v41 =	vadd.f32 v50, v41;
	s31 =	sadd.s32 $0x1, s31;
	s0 =	smov.u32 s2;
	s2 =	sadd.s32 $0x1, s2  }
0xb6: {  	v50 =	vmul.f32 v47, v47;
	v49 =	vadd.s32 s0, v0;
	v36 =	vadd.f32 v48, v36;
	v48 =	vld.idx.msk [tilespmem:v43+s20+$0x0], $0xffff  }
0xb7: {  	v52 =	vmul.f32 v46, v23;
	v43 =	vmul.f32 v42, v42;
	vm1 =	vgt.u32 v49, $0x7F  }
0xb8: {  	v46 =	vmul.f32 v46, v46;
	v47 =	vmul.f32 v47, v23;
	v49 =	vsel vm1, v51, v49  }
0xb9: {  	v39 =	vadd.f32 v43, v39;
	v51 =	vadd.s32 v1, v49;
	v53 =	vadd.s32 v3, v49  }
0xba: {  	v54 =	vadd.s32 v4, v49;
	v43 =	vadd.s32 v5, v49;
	v55 =	vmul.f32 v44, v44  }
0xbb: {  	v37 =	vadd.f32 v50, v37;
	v56 =	vadd.s32 v7, v49;
	v57 =	vadd.s32 v8, v49;
	v58 =	vld.idx.msk [tilespmem:v27+s20+$0x0], $0xffff  }
0xbc: {  	v50 =	vadd.s32 v10, v49;
	v27 =	vadd.s32 v9, v49;
	v59 =	vmul.f32 v48, v48  }
0xbd: {  	v38 =	vadd.f32 v45, v38;
	v35 =	vadd.f32 v47, v35;
	v45 =	vmul.f32 v48, v23;
	v60 =	vld [tilespmem:s31+$0x0]  }
0xbe: {  	v32 =	vadd.f32 v46, v32;
	v49 =	vadd.s32 v6, v49;
	v33 =	vadd.f32 v55, v33;
	v48 =	vld.idx.msk [tilespmem:v51+s20+$0x0], $0xffff  }
0xbf: {  	v42 =	vmul.f32 v42, v23;
	v34 =	vadd.f32 v45, v34;
	v45 =	vmul.f32 v40, v40;
	v51 =	vld.idx.msk [tilespmem:v54+s20+$0x0], $0xffff  }
0xc0: {  	v44 =	vmul.f32 v44, v23;
	v30 =	vadd.f32 v59, v30;
	v40 =	vmul.f32 v40, v23;
	v46 =	vld.idx.msk [tilespmem:v56+s20+$0x0], $0xffff  }
.Ltmp2:
0xc1: {  	v29 =	vadd.f32 v42, v29;
	v28 =	vadd.f32 v45, v28;
	v45 =	vmul.f32 v58, v23;
	v47 =	vld.idx.msk [tilespmem:v50+s20+$0x0], $0xffff;
	(pc) =	sbr.rel @p1 .LBB2_7-.Ltmp2, $4  }
0xc2: {  	v22 =	vadd.f32 v44, v22;
	v24 =	vadd.f32 v40, v24;
	v44 =	vmul.f32 v58, v58;
	v42 =	vld.idx.msk [tilespmem:v53+s20+$0x0], $0xffff  }
0xc3: {  	v25 =	vadd.f32 v52, v25;
	v20 =	vadd.f32 v45, v20;
	v23 =	vmov v60;
	v40 =	vld.idx.msk [tilespmem:v49+s20+$0x0], $0xffff  }
0xc4: {  	v26 =	vadd.f32 v44, v26;
	v49 =	vmul.f32 v48, v23;
	v50 =	vmul.f32 v48, v48  }
0xc5: {  	v48 =	vmul.f32 v51, v23;
	v45 =	vmul.f32 v51, v51;
	v44 =	vld.idx.msk [tilespmem:v57+s20+$0x0], $0xffff  }
0xc6: {  	v41 =	vadd.f32 v50, v41;
	v63 =	vmul.f32 v47, v47  }
0xc7: {  	v31 =	vadd.f32 v49, v31;
	v51 =	vmul.f32 v46, v23;
	v52 =	vmul.f32 v46, v46  }
0xc8: {  	v53 =	vmul.f32 v47, v23;
	v62 =	vmul.f32 v42, v42;
	v36 =	vadd.f32 v48, v36  }
0xc9: {  	v38 =	vadd.f32 v45, v38;
	v57 =	vmul.f32 v42, v23;
	v41 =	vmax.f32 v41, $1.000000020e-16  }
0xca: {  	v43 =	vld.idx.msk [tilespmem:v43+s20+$0x0], $0xffff;
	v37 =	vadd.f32 v63, v37;
	v39 =	vadd.f32 v62, v39;
	(erf) = vrcp.f32 v41  }
0xcb: {  	v35 =	vadd.f32 v53, v35;
	v32 =	vadd.f32 v52, v32;
	v58 =	vmul.f32 v40, v40  }
0xcc: {  	v27 =	vld.idx.msk [tilespmem:v27+s20+$0x0], $0xffff;
	v59 =	vmul.f32 v40, v23;
	v61 =	vand.u32 $0x7FFFFFFF, v31;
	v39 =	vmax.f32 v39, $1.000000020e-16  }
0xcd: {  	v25 =	vadd.f32 v51, v25;
	v38 =	vmax.f32 v38, $1.000000020e-16;
	(erf) = vrcp.f32 v39  }
0xce: {  	v29 =	vadd.f32 v57, v29;
	v31 =	vmul.f32 v61, v31;
	v54 =	vmul.f32 v44, v44  }
0xcf: {  	v41 =	vimm.f32 $0.0e+00;
	v60 =	vmul.f32 v44, v23;
	v56 =	vmul.f32 v43, v43  }
0xd0: {  	v28 =	vadd.f32 v58, v28;
	v24 =	vadd.f32 v59, v24;
	v55 =	vmul.f32 v43, v23  }
0xd1: {  	v23 =	vmul.f32 v27, v23;
	v30 =	vadd.f32 v56, v30;
	(erf) = vrcp.f32 v38  }
0xd2: {  	v27 =	vmul.f32 v27, v27;
	v33 =	vadd.f32 v54, v33;
	v28 =	vmax.f32 v28, $1.000000020e-16  }
0xd3: {  	v22 =	vadd.f32 v60, v22;
	v39 =	vimm.f32 $0.0e+00;
	v30 =	vmax.f32 v30, $1.000000020e-16;
	v62 =	vpop (erf)  }
0xd4: {  	(erf) = vrcp.f32 v30;
	v30 =	vmul.f32 v62, v31;
	v31 =	vand.u32 $0x7FFFFFFF, v29  }
0xd5: {  	v34 =	vadd.f32 v55, v34;
	v26 =	vadd.f32 v27, v26;
	v29 =	vmul.f32 v31, v29  }
0xd6: {  	s2 =	sadd.s32 $0x120A0, s30;
	v20 =	vadd.f32 v23, v20;
	v38 =	vimm.f32 $0.0e+00;
	vm1 =	vgt.f32 v30, v21;
	v27 =	vpop (erf)  }
0xd7: {  	(erf) = vrcp.f32 v28;
	v28 =	vadd.s32 s2, v0;
	v27 =	vmul.f32 v27, v29  }
0xd8: {  	v29 =	vand.u32 $0x7FFFFFFF, v36;
	v21 =	vsel vm1, v30, v21;
	v19 =	vsel vm1, v28, v19  }
0xd9: {  	v30 =	vmax.f32 v32, $1.000000020e-16;
	v29 =	vmul.f32 v29, v36;
	vm1 =	vgt.f32 v27, v21  }
0xda: {  	v28 =	vpop (erf);
	(erf) = vrcp.f32 v30;
	v21 =	vsel vm1, v27, v21;
	v27 =	vadd.s32 s2, v11  }
0xdb: {  	v30 =	vmax.f32 v33, $1.000000020e-16;
	v28 =	vmul.f32 v28, v29;
	v29 =	vand.u32 $0x7FFFFFFF, v34  }
0xdc: {  	v26 =	vmax.f32 v26, $1.000000020e-16;
	(erf) = vrcp.f32 v30;
	v29 =	vmul.f32 v29, v34  }
0xdd: {  	v19 =	vsel vm1, v27, v19;
	(erf) = vrcp.f32 v26;
	v26 =	vmax.f32 v37, $1.000000020e-16;
	v27 =	vpop (erf)  }
0xde: {  	v31 =	vimm.f32 $0.0e+00;
	v27 =	vmul.f32 v27, v29;
	v29 =	vand.u32 $0x7FFFFFFF, v24  }
0xdf: {  	v30 =	vadd.s32 s2, v12;
	vm1 =	vgt.f32 v28, v21;
	v24 =	vmul.f32 v29, v24  }
0xe0: {  	(erf) = vrcp.f32 v26;
	v21 =	vsel vm1, v28, v21;
	v19 =	vsel vm1, v30, v19;
	v26 =	vpop (erf)  }
0xe1: {  	vm1 =	vgt.f32 v27, v21;
	v24 =	vmul.f32 v26, v24;
	v26 =	vand.u32 $0x7FFFFFFF, v25  }
0xe2: {  	v32 =	vimm.f32 $0.0e+00;
	v21 =	vsel vm1, v27, v21;
	v27 =	vadd.s32 s2, v13  }
0xe3: {  	v25 =	vmul.f32 v26, v25;
	v19 =	vsel vm1, v27, v19;
	vm1 =	vgt.f32 v24, v21  }
0xe4: {  	s31 =	simm.s32 $0x0;
	v36 =	vimm.f32 $0.0e+00;
	v26 =	vpop (erf);
	v21 =	vsel vm1, v24, v21;
	v24 =	vadd.s32 s2, v14  }
0xe5: {  	v23 =	vmul.f32 v26, v25;
	v25 =	vand.u32 $0x7FFFFFFF, v22;
	v26 =	vadd.s32 s31, v0  }
0xe6: {  	v22 =	vmul.f32 v25, v22;
	v25 =	vadd.s32 s31, v2;
	vm2 =	vgt.u32 v26, $0x7F  }
0xe7: {  	v27 =	vpop (erf);
	v19 =	vsel vm1, v24, v19;
	v24 =	vadd.s32 s2, v15;
	v25 =	vsel vm2, v25, v26  }
0xe8: {  	vm2 =	vgt.f32 v23, v21;
	v22 =	vmul.f32 v27, v22;
	v27 =	vand.u32 $0x7FFFFFFF, v20  }
0xe9: {  	v29 =	vadd.s32 v1, v25;
	v20 =	vmul.f32 v27, v20;
	v27 =	vand.u32 $0x7FFFFFFF, v35  }
0xea: {  	s0 =	simm.s32 @p0 $0x0;
	s1 =	simm.s32 @p0 $0x8900;
	v26 =	vpop (erf);
	v21 =	vsel vm2, v23, v21;
	v19 =	vsel vm2, v24, v19;
	v23 =	vmul.f32 v27, v35  }
0xeb: {  	[tilespmem:s1], [sflag:$0x3] =	stream.linear.gather @p0 [hbm4b:s12+s0], $0x4400, $0x38;
	v24 =	vadd.s32 s2, v16;
	v28 =	vpop (erf);
	vm1 =	vgt.f32 v22, v21;
	v20 =	vmul.f32 v26, v20;
	[tilespmem:$0x11200] =	vst v63  }
0xec: {  	_ =	swait.ge [sflag:s25], $0x4400;
	v27 =	vadd.s32 v4, v25;
	v21 =	vsel vm1, v22, v21;
	v23 =	vmul.f32 v28, v23  }
0xed: {  	v63 =	vadd.s32 v8, v25;
	[sflag:s25] =	ssyncset.done $0x0;
	v19 =	vsel vm1, v24, v19;
	vm2 =	vgt.f32 v20, v21  }
0xee: {  	v24 =	vadd.s32 s2, v17;
	[sflag:s25] =	ssyncadd.s32 $0xFFFFBC00;
	v20 =	vsel vm2, v20, v21;
	v21 =	vnsel vm0, $0xFF800000, v23  }
0xef: {  	v28 =	vadd.s32 v10, v25;
	v22 =	vld [tilespmem:s31+$0x0];
	v19 =	vsel vm2, v24, v19;
	vm1 =	vgt.f32 v21, v20  }
0xf0: {  	v23 =	vld.idx.msk [tilespmem:v29+s21+$0x0], $0xffff;
	v24 =	vadd.s32 v3, v25;
	v21 =	vsel vm1, v21, v20;
	v20 =	vadd.s32 s2, v18  }
0xf1: {  	v33 =	vimm.f32 $0.0e+00;
	v26 =	vld.idx.msk [tilespmem:v27+s21+$0x0], $0xffff;
	v19 =	vsel vm1, v20, v19;
	v20 =	vadd.s32 v7, v25  }
0xf2: {  	v43 =	vadd.s32 v5, v25;
	v27 =	vadd.s32 v9, v25;
	v25 =	vadd.s32 v6, v25  }
0xf3: {  	v37 =	vimm.f32 $0.0e+00;
	v34 =	vimm.f32 $0.0e+00;
	v30 =	vimm.f32 $0.0e+00;
	v44 =	vld.idx.msk [tilespmem:v63+s21+$0x0], $0xffff  }
0xf4: {  	v35 =	vimm.f32 $0.0e+00;
	v29 =	vimm.f32 $0.0e+00;
	v47 =	vld.idx.msk [tilespmem:v28+s21+$0x0], $0xffff;
	v28 =	vimm.f32 $0.0e+00  }
0xf5: {  	v49 =	vmul.f32 v23, v22;
	v50 =	vmul.f32 v23, v23;
	v42 =	vld.idx.msk [tilespmem:v24+s21+$0x0], $0xffff;
	v24 =	vimm.f32 $0.0e+00  }
0xf6: {  	v23 =	vimm.f32 $0.0e+00;
	v48 =	vmul.f32 v26, v22;
	v45 =	vmul.f32 v26, v26;
	v46 =	vld.idx.msk [tilespmem:v20+s21+$0x0], $0xffff  }
0xf7: {  	s2 =	simm.s32 $0x1;
	v26 =	vimm.f32 $0.0e+00;
	v40 =	vld.idx.msk [tilespmem:v25+s21+$0x0], $0xffff;
	v25 =	vimm.f32 $0.0e+00;
	v20 =	vimm.f32 $0.0e+00  }
.LBB2_9:
0xf8: {  	p1 =	sne.s32 s2, $0x7F  }
0xf9: {  	v51 =	vadd.s32 s2, v2;
	v30 =	vadd.f32 v49, v30;
	v41 =	vadd.f32 v50, v41;
	s31 =	sadd.s32 $0x1, s31;
	s0 =	smov.u32 s2;
	s2 =	sadd.s32 $0x1, s2  }
0xfa: {  	v50 =	vmul.f32 v47, v47;
	v49 =	vadd.s32 s0, v0;
	v39 =	vadd.f32 v48, v39;
	v48 =	vld.idx.msk [tilespmem:v43+s21+$0x0], $0xffff  }
0xfb: {  	v52 =	vmul.f32 v46, v22;
	v43 =	vmul.f32 v42, v42;
	vm1 =	vgt.u32 v49, $0x7F  }
0xfc: {  	v46 =	vmul.f32 v46, v46;
	v47 =	vmul.f32 v47, v22;
	v49 =	vsel vm1, v51, v49  }
0xfd: {  	v38 =	vadd.f32 v43, v38;
	v51 =	vadd.s32 v1, v49;
	v53 =	vadd.s32 v3, v49  }
0xfe: {  	v54 =	vadd.s32 v4, v49;
	v43 =	vadd.s32 v5, v49;
	v55 =	vmul.f32 v44, v44  }
0xff: {  	v37 =	vadd.f32 v50, v37;
	v56 =	vadd.s32 v7, v49;
	v57 =	vadd.s32 v8, v49;
	v58 =	vld.idx.msk [tilespmem:v27+s21+$0x0], $0xffff  }
0x100: {  	v50 =	vadd.s32 v10, v49;
	v27 =	vadd.s32 v9, v49;
	v59 =	vmul.f32 v48, v48  }
0x101: {  	v36 =	vadd.f32 v45, v36;
	v34 =	vadd.f32 v47, v34;
	v45 =	vmul.f32 v48, v22;
	v60 =	vld [tilespmem:s31+$0x0]  }
0x102: {  	v35 =	vadd.f32 v46, v35;
	v49 =	vadd.s32 v6, v49;
	v32 =	vadd.f32 v55, v32;
	v48 =	vld.idx.msk [tilespmem:v51+s21+$0x0], $0xffff  }
0x103: {  	v42 =	vmul.f32 v42, v22;
	v33 =	vadd.f32 v45, v33;
	v45 =	vmul.f32 v40, v40;
	v51 =	vld.idx.msk [tilespmem:v54+s21+$0x0], $0xffff  }
0x104: {  	v44 =	vmul.f32 v44, v22;
	v31 =	vadd.f32 v59, v31;
	v40 =	vmul.f32 v40, v22;
	v46 =	vld.idx.msk [tilespmem:v56+s21+$0x0], $0xffff  }
.Ltmp3:
0x105: {  	v28 =	vadd.f32 v42, v28;
	v29 =	vadd.f32 v45, v29;
	v45 =	vmul.f32 v58, v22;
	v47 =	vld.idx.msk [tilespmem:v50+s21+$0x0], $0xffff;
	(pc) =	sbr.rel @p1 .LBB2_9-.Ltmp3, $4  }
0x106: {  	v24 =	vadd.f32 v44, v24;
	v26 =	vadd.f32 v40, v26;
	v44 =	vmul.f32 v58, v58;
	v42 =	vld.idx.msk [tilespmem:v53+s21+$0x0], $0xffff  }
0x107: {  	v25 =	vadd.f32 v52, v25;
	v20 =	vadd.f32 v45, v20;
	v22 =	vmov v60;
	v40 =	vld.idx.msk [tilespmem:v49+s21+$0x0], $0xffff  }
0x108: {  	v23 =	vadd.f32 v44, v23;
	v49 =	vmul.f32 v48, v22;
	v50 =	vmul.f32 v48, v48  }
0x109: {  	v48 =	vmul.f32 v51, v22;
	v45 =	vmul.f32 v51, v51;
	v44 =	vld.idx.msk [tilespmem:v57+s21+$0x0], $0xffff  }
0x10a: {  	v52 =	vmul.f32 v47, v47  }
0x10b: {  	v41 =	vadd.f32 v50, v41;
	v54 =	vmul.f32 v46, v22;
	v55 =	vmul.f32 v46, v46  }
0x10c: {  	v30 =	vadd.f32 v49, v30;
	v56 =	vmul.f32 v47, v22;
	v53 =	vmul.f32 v42, v42  }
0x10d: {  	s2 =	sadd.s32 $0x131A0, s30;
	v39 =	vadd.f32 v48, v39;
	v36 =	vadd.f32 v45, v36;
	v59 =	vmul.f32 v42, v22  }
0x10e: {  	v43 =	vld.idx.msk [tilespmem:v43+s21+$0x0], $0xffff;
	v46 =	vadd.s32 s2, v0;
	v51 =	vadd.s32 s2, v11;
	v38 =	vadd.f32 v53, v38  }
0x10f: {  	v41 =	vmax.f32 v41, $1.000000020e-16;
	v37 =	vadd.f32 v52, v37;
	v34 =	vadd.f32 v56, v34  }
0x110: {  	v60 =	vmul.f32 v40, v40;
	(erf) = vrcp.f32 v41;
	v38 =	vmax.f32 v38, $1.000000020e-16  }
0x111: {  	v35 =	vadd.f32 v55, v35;
	v61 =	vmul.f32 v40, v22;
	(erf) = vrcp.f32 v38  }
0x112: {  	v27 =	vld.idx.msk [tilespmem:v27+s21+$0x0], $0xffff;
	v62 =	vand.u32 $0x7FFFFFFF, v30;
	v25 =	vadd.f32 v54, v25;
	v36 =	vmax.f32 v36, $1.000000020e-16  }
0x113: {  	v56 =	vadd.s32 s2, v12;
	v58 =	vmul.f32 v43, v43;
	(erf) = vrcp.f32 v36  }
0x114: {  	v28 =	vadd.f32 v59, v28;
	v30 =	vmul.f32 v62, v30;
	v45 =	vand.u32 $0x7FFFFFFF, v39  }
0x115: {  	v57 =	vmul.f32 v44, v44;
	v63 =	vmul.f32 v44, v22;
	v31 =	vadd.f32 v58, v31  }
0x116: {  	v29 =	vadd.f32 v60, v29;
	v26 =	vadd.f32 v61, v26;
	v47 =	vmax.f32 v35, $1.000000020e-16  }
0x117: {  	v43 =	vmul.f32 v43, v22;
	v22 =	vmul.f32 v27, v22;
	v31 =	vmax.f32 v31, $1.000000020e-16  }
0x118: {  	v27 =	vmul.f32 v27, v27;
	v32 =	vadd.f32 v57, v32;
	(erf) = vrcp.f32 v31  }
0x119: {  	v24 =	vadd.f32 v63, v24;
	v29 =	vmax.f32 v29, $1.000000020e-16;
	v55 =	vand.u32 $0x7FFFFFFF, v26;
	v42 =	vpop (erf)  }
0x11a: {  	v33 =	vadd.f32 v43, v33;
	v43 =	vand.u32 $0x7FFFFFFF, v28;
	v44 =	vpop (erf);
	(erf) = vrcp.f32 v29  }
0x11b: {  	v23 =	vadd.f32 v27, v23;
	v28 =	vmul.f32 v43, v28;
	v30 =	vmul.f32 v42, v30  }
0x11c: {  	v52 =	vmax.f32 v32, $1.000000020e-16;
	v50 =	vand.u32 $0x7FFFFFFF, v33;
	v48 =	vpop (erf);
	(erf) = vrcp.f32 v47  }
0x11d: {  	vm1 =	vgt.f32 v30, v21;
	v27 =	vmul.f32 v44, v28;
	v28 =	vmul.f32 v45, v39  }
0x11e: {  	v23 =	vmax.f32 v23, $1.000000020e-16;
	v21 =	vsel vm1, v30, v21;
	v19 =	vsel vm1, v46, v19  }
0x11f: {  	(erf) = vrcp.f32 v52;
	vm1 =	vgt.f32 v27, v21;
	v49 =	vmul.f32 v48, v28  }
0x120: {  	v28 =	vmul.f32 v50, v33;
	(erf) = vrcp.f32 v23;
	v23 =	vmax.f32 v37, $1.000000020e-16  }
0x121: {  	v57 =	vand.u32 $0x7FFFFFFF, v25;
	v26 =	vmul.f32 v55, v26;
	v21 =	vsel vm1, v27, v21;
	v53 =	vpop (erf)  }
0x122: {  	v19 =	vsel vm1, v51, v19;
	vm1 =	vgt.f32 v49, v21;
	v54 =	vmul.f32 v53, v28  }
0x123: {  	v25 =	vmul.f32 v57, v25;
	(erf) = vrcp.f32 v23;
	v21 =	vsel vm1, v49, v21;
	v23 =	vpop (erf)  }
0x124: {  	v19 =	vsel vm1, v56, v19;
	vm1 =	vgt.f32 v54, v21;
	v23 =	vmul.f32 v23, v26  }
0x125: {  	v58 =	vadd.s32 s2, v13;
	v20 =	vadd.f32 v22, v20;
	v21 =	vsel vm1, v54, v21;
	v59 =	vpop (erf)  }
0x126: {  	v19 =	vsel vm1, v58, v19;
	v22 =	vmul.f32 v59, v25;
	vm1 =	vgt.f32 v23, v21  }
0x127: {  	v60 =	vand.u32 $0x7FFFFFFF, v24;
	v21 =	vsel vm1, v23, v21;
	v23 =	vadd.s32 s2, v14  }
0x128: {  	v24 =	vmul.f32 v60, v24;
	v19 =	vsel vm1, v23, v19;
	vm1 =	vgt.f32 v22, v21  }
0x129: {  	v61 =	vpop (erf);
	v23 =	vand.u32 $0x7FFFFFFF, v20;
	v21 =	vsel vm1, v22, v21;
	v22 =	vadd.s32 s2, v15  }
0x12a: {  	v24 =	vmul.f32 v61, v24;
	v20 =	vmul.f32 v23, v20;
	v23 =	vand.u32 $0x7FFFFFFF, v34  }
0x12b: {  	v62 =	vpop (erf);
	v23 =	vmul.f32 v23, v34  }
0x12c: {  	v19 =	vsel vm1, v22, v19;
	vm1 =	vgt.f32 v24, v21;
	v20 =	vmul.f32 v62, v20;
	v22 =	vpop (erf)  }
.Ltmp4:
0x12d: {  	v63 =	vadd.s32 s2, v16;
	v21 =	vsel vm1, v24, v21;
	v22 =	vmul.f32 v22, v23;
	(pc) =	sbr.rel @p0 .LBB2_2-.Ltmp4, $4  }
0x12e: {  	v19 =	vsel vm1, v63, v19;
	vm1 =	vgt.f32 v20, v21  }
0x12f: {  	v20 =	vsel vm1, v20, v21;
	v21 =	vadd.s32 s2, v17;
	v22 =	vnsel vm0, $0xFF800000, v22  }
0x130: {  	v19 =	vsel vm1, v21, v19;
	v21 =	vadd.s32 s2, v18;
	vm1 =	vgt.f32 v22, v20  }
0x131: {  	s30 =	simm.s32 $0x80;
	p1 =	por $0x0, $0x0;
	s2 =	smov.u32 s13;
	v20 =	vsel vm1, v22, v20;
	v19 =	vsel vm1, v21, v19  }
0x132: {  	[tilespmem:$0x11100] =	vst v20  }
0x133: {  	[tilespmem:$0x11180] =	vst v19  }
0x134: {  	[hbm4b:s14+s5] =	stream.linear.scatter [tilespmem:s26], [sflag:$0x5], $0x10, $0x38;
	[tilespmem:$0x11200] =	vst v63  }
0x135: {  	s29 =	sadd.s32 $0x1, s29;
	_ =	swait.ge [sflag:s17], $0x10  }
0x136: {  	p0 =	sne.s32 s29, s16;
	[sflag:s17] =	ssyncset.done $0x0  }
.Ltmp5:
0x137: {  	[sflag:s17] =	ssyncadd.s32 $0xFFFFFFF0;
	(pc) =	sbr.rel @p0 .LBB2_1-.Ltmp5, $4  }
0x138: {  	[hbm4b:s15+s5] =	stream.linear.scatter [tilespmem:s28], [sflag:$0x5], $0x10, $0x38;
	[tilespmem:$0x11200] =	vst v63  }
0x139: {  	_ =	swait.ge [sflag:s17], $0x10  }
0x13a: {  	[sflag:s17] =	ssyncset.done $0x0  }
0x13b: {  	[sflag:s17] =	ssyncadd.s32 $0xFFFFFFF0  }
0x13c: {  	_ =	sfence.sel $0x180000  }
0x13d: {  	[bflag:$0x0] =	sbarrier.arrive $0xFFFF  }
0x13e: {  	_ =	strace $0x90000047  }
0x13f: {  	s0 =	stileid.u32;
	[bflag:$0x2] =	sbarrier.arrive $0xFFFF  }
0x140: {  	p0 =	sne.s32 s0, $0x0;
	s0 =	rddreg [dreg:$0x3]  }
0x141: {  	s0 =	sadd.s32 @!p0 $0x100000, s0  }
0x142: {  	[sflag:s0] =	ssyncadd.tile.s32 @!p0 $0x1;
	_ =	shalt  }
.Lfunc_end2:
_tile_overlayer_lowered:
.L_overlay_start_2:
0x143: {  	(tag) =	ssettag $0x2  }
0x144: {  	s0 =	rddreg [dreg:$0x0];
	s2 =	stileid.u32  }
0x145: {  	s1 =	rddreg [dreg:$0x1];
	p0 =	sne.s32 s2, $0x0  }
0x146: {  	s3 =	rddreg [dreg:$0x2];
	[bflag:$0x3] =	sbarrier.arrive $0xFFFF;
	s2 =	simm.s32 @!p0 $0x1C05  }
0x147: {  	[timem:s3], [sflag:s2] =	dma.local @!p0 [hbm:s0], s1  }
0x148: {  	s0 =	simm.s32 @!p0 $0x5  }
0x149: {  	_ =	swait.ge @!p0 [sflag:s0], s1  }
0x14a: {  	s1 =	ssub.s32 @!p0 $0x0, s1;
	[sflag:s0] =	ssyncset.done @!p0 $0x0  }
0x14b: {  	[sflag:s0] =	ssyncadd.s32 @!p0 s1  }
0x14c: {  	[bflag:$0x3] =	sbarrier.arrive $0xFFFF  }
0x14d: {  	_ =	shalt  }

</sc_bundles>
